<compile_context>
chip_gen: v7x
topology: tpu7x:2x2x1
jax: 0.10.2.dev20260603
libtpu: 0.0.44.dev20260713+nightly
codegen_flags: <defaults>
</compile_context>

<pallas_src>
import functools

import jax
import jax.numpy as jnp
from jax import lax
from jax.experimental import pallas as pl
from jax.experimental.pallas import tpu as pltpu
from jax.experimental.pallas import tpu_sc as plsc

B = 16384
OBS = 128
GENC = 64
HID = 128
SKILL = 64
NF = 8
INP = GENC + OBS + OBS
NE = NF + 1
XW = 384
YW = 128

TILE_R = 1024
NT = B // TILE_R + NE
BPAD = NT * TILE_R
NTP = 128

MBLK = 256
NMB = B // MBLK

NC, NS = 2, 16
NW = NC * NS
RPW = B // NW
CH = 128
NCH = RPW // CH


def _meta_body(g3_ref, bigp_ref, g_ref, pos_ref, te_ref, g128_ref):
    def pad_blk(j, _):
        g_b = g_ref[pl.ds(j * MBLK, MBLK), :]
        g128_ref[pl.ds(j * MBLK, MBLK), :] = jnp.concatenate(
            [g_b, jnp.zeros((MBLK, 128 - GENC), jnp.float32)], axis=1)
        return 0
    lax.fori_loop(0, NMB, pad_blk, 0)
    bits = jnp.dot(g3_ref[...].astype(jnp.bfloat16), bigp_ref[...],
                   preferred_element_type=jnp.float32)
    ib = lax.bitcast_convert_type(bits, jnp.int32)
    e128 = lax.shift_right_logical(ib, 23) - 127
    e128 = jnp.where(bits == 0.0, NF, e128)

    cnts = [jnp.sum((e128 == i).astype(jnp.float32)) for i in range(NE)]
    starts, ends_t = [], []
    S = jnp.float32(0.0)
    for i in range(NE):
        starts.append(S)
        S = S + jnp.floor((cnts[i] + (TILE_R - 1)) / TILE_R) * TILE_R
        ends_t.append(S / TILE_R)

    su = lax.broadcasted_iota(jnp.int32, (128, 128), 0)
    sv = lax.broadcasted_iota(jnp.int32, (128, 128), 1)
    tris = (sv < su).astype(jnp.bfloat16)
    tril = (su < sv).astype(jnp.bfloat16)
    onesm = jnp.ones((128, 128), jnp.bfloat16)

    posf = jnp.zeros((128, 128), jnp.float32)
    for i in range(NE):
        oh = (e128 == i).astype(jnp.bfloat16)
        rowtot = jnp.dot(oh, onesm, preferred_element_type=jnp.float32)
        rank = (jnp.dot(tris, rowtot.astype(jnp.bfloat16),
                        preferred_element_type=jnp.float32)
                + jnp.dot(oh, tril, preferred_element_type=jnp.float32))
        posf = posf + oh.astype(jnp.float32) * (rank + starts[i])
    pos_ref[...] = posf.astype(jnp.int32)

    t128 = lax.broadcasted_iota(jnp.int32, (NTP, 1), 0).astype(jnp.float32)
    te = jnp.zeros((NTP, 1), jnp.float32)
    for i in range(NE):
        te = te + (t128 >= ends_t[i]).astype(jnp.float32)
    te_ref[...] = jnp.minimum(te, float(NF)).astype(jnp.int32)


@functools.lru_cache(maxsize=1)
def _bigp():
    import numpy as np
    p = np.zeros((128 * GENC, 128), np.float32)
    rows = np.arange(128 * GENC)
    c = rows % GENC
    p[rows, rows // GENC] = np.where(c < NF, 2.0 ** np.minimum(c, NF), 0.0)
    return p


def _routing_meta(graph):
    g3 = jnp.reshape(graph, (128, 128 * GENC))
    _BIGP = jnp.asarray(_bigp()).astype(jnp.bfloat16)
    pos2d, te2d, g128 = pl.pallas_call(
        _meta_body,
        out_shape=[
            jax.ShapeDtypeStruct((128, 128), jnp.int32),
            jax.ShapeDtypeStruct((NTP, 1), jnp.int32),
            jax.ShapeDtypeStruct((B, 128), jnp.float32),
        ],
    )(g3, _BIGP, graph)
    return pos2d, jnp.reshape(te2d, (NTP,)), g128


def _sc_scatter_body(g_hbm, s_hbm, n_hbm, pos_hbm, xs_hbm,
                     pos_v, xs_v, sem):
    wid = lax.axis_index("s") * NC + lax.axis_index("c")
    base = wid * RPW
    for j in range(NCH):
        lo = base + j * CH
        pltpu.sync_copy(pos_hbm.at[wid * NCH + j], pos_v.at[j])
        pltpu.sync_copy(g_hbm.at[pl.ds(lo, CH)], xs_v.at[:, pl.ds(0, 128)])
        pltpu.sync_copy(s_hbm.at[pl.ds(lo, CH)], xs_v.at[:, pl.ds(128, OBS)])
        pltpu.sync_copy(n_hbm.at[pl.ds(lo, CH)], xs_v.at[:, pl.ds(256, OBS)])
        pltpu.async_copy(xs_v, xs_hbm.at[pos_v.at[j]], sem).wait()


def _sc_scatter(graph, state, next_state, pos):
    mesh = plsc.VectorSubcoreMesh(core_axis_name="c", subcore_axis_name="s")
    run = functools.partial(
        pl.kernel,
        mesh=mesh,
        out_type=jax.ShapeDtypeStruct((BPAD, XW), jnp.float32),
        scratch_types=[
            pltpu.VMEM((NCH, CH), jnp.int32),
            pltpu.VMEM((CH, XW), jnp.float32),
            pltpu.SemaphoreType.DMA,
        ],
    )(_sc_scatter_body)
    return run(graph, state, next_state, pos)


def _moe_body(te_ref, x_ref, w1_ref, b1_ref, w2_ref, b2_ref,
              w3_ref, b3_ref, y_ref):
    t = pl.program_id(0)
    e = te_ref[t]
    valid = e < NF
    ec = jnp.minimum(e, NF - 1)
    xb = x_ref[...].astype(jnp.bfloat16)
    h = jnp.maximum(
        jnp.dot(xb, w1_ref[ec], preferred_element_type=jnp.float32)
        + b1_ref[ec][None, :], 0.0)
    h = jnp.maximum(
        jnp.dot(h.astype(jnp.bfloat16), w2_ref[ec],
                preferred_element_type=jnp.float32) + b2_ref[ec][None, :], 0.0)
    o = (jnp.dot(h.astype(jnp.bfloat16), w3_ref[ec],
                 preferred_element_type=jnp.float32) + b3_ref[ec][None, :])
    y_ref[:, :SKILL] = jnp.where(valid, o, jnp.zeros_like(o))


def _moe(te, xs, W1p, b1, W2b, b2, W3b, b3):
    grid_spec = pltpu.PrefetchScalarGridSpec(
        num_scalar_prefetch=1,
        grid=(NT,),
        in_specs=[
            pl.BlockSpec((TILE_R, XW), lambda t, te: (t, 0)),
            pl.BlockSpec((NF, XW, HID), lambda t, te: (0, 0, 0)),
            pl.BlockSpec((NF, HID), lambda t, te: (0, 0)),
            pl.BlockSpec((NF, HID, HID), lambda t, te: (0, 0, 0)),
            pl.BlockSpec((NF, HID), lambda t, te: (0, 0)),
            pl.BlockSpec((NF, HID, SKILL), lambda t, te: (0, 0, 0)),
            pl.BlockSpec((NF, SKILL), lambda t, te: (0, 0)),
        ],
        out_specs=pl.BlockSpec((TILE_R, YW), lambda t, te: (t, 0)),
    )
    return pl.pallas_call(
        _moe_body,
        grid_spec=grid_spec,
        out_shape=jax.ShapeDtypeStruct((BPAD, YW), jnp.float32),
    )(te, xs, W1p, b1, W2b, b2, W3b, b3)


def _sc_gather_body(ys_hbm, pos_hbm, out_hbm, pos_v, y_v, sem):
    wid = lax.axis_index("s") * NC + lax.axis_index("c")
    base = wid * RPW
    for j in range(NCH):
        lo = base + j * CH
        pltpu.sync_copy(pos_hbm.at[wid * NCH + j], pos_v.at[j])
        pltpu.async_copy(ys_hbm.at[pos_v.at[j]], y_v, sem).wait()
        pltpu.sync_copy(y_v, out_hbm.at[pl.ds(lo, CH)])


def _sc_gather(ys, pos):
    mesh = plsc.VectorSubcoreMesh(core_axis_name="c", subcore_axis_name="s")
    run = functools.partial(
        pl.kernel,
        mesh=mesh,
        out_type=jax.ShapeDtypeStruct((B, YW), jnp.float32),
        scratch_types=[
            pltpu.VMEM((NCH, CH), jnp.int32),
            pltpu.VMEM((CH, YW), jnp.float32),
            pltpu.SemaphoreType.DMA,
        ],
    )(_sc_gather_body)
    return run(ys, pos)


def kernel(graph, state, next_state, W1, b1, W2, b2, W3, b3):
    W1p = (jnp.zeros((NF, XW, HID), jnp.bfloat16)
           .at[:, 0:GENC, :].set(W1[:, 0:GENC, :].astype(jnp.bfloat16))
           .at[:, 128:128 + OBS, :].set(
               W1[:, GENC:GENC + OBS, :].astype(jnp.bfloat16))
           .at[:, 256:256 + OBS, :].set(
               W1[:, GENC + OBS:INP, :].astype(jnp.bfloat16)))
    pos, te, g128 = _routing_meta(graph)
    xs = _sc_scatter(g128, state, next_state, pos)
    ys = _moe(te, xs, W1p, b1, W2.astype(jnp.bfloat16), b2,
              W3.astype(jnp.bfloat16), b3)
    return _sc_gather(ys, pos)[:, :SKILL]

# --- scband reference (transcript-rebuilt; emitter-appended) ---
"""Pipeline reference for scband-diayn-discriminator-2903397892905 (READ-ONLY COPY).

The authoritative reference and input builder live on the scoring server;
editing this copy changes nothing except your own understanding.
"""

import jax, jax.numpy as jnp
import numpy as np

B = 16384
OBS = 128
GENC = 64
HID = 128
SKILL = 64
NF = 8
INP = GENC + OBS + OBS  # use_state=True: concat(graph, state, next_state)


def setup_inputs(seed: int = 0) -> dict:
    key = jax.random.key(seed)
    ks = jax.random.split(key, 10)
    graph = jax.random.randint(ks[0], (B, GENC), 0, 2).astype(jnp.float32)
    state = jax.random.normal(ks[1], (B, OBS), dtype=jnp.float32)
    next_state = jax.random.normal(ks[2], (B, OBS), dtype=jnp.float32)
    # Stacked per-expert MLP params (num_factors experts), Kaiming-ish scale
    W1 = jax.random.normal(ks[3], (NF, INP, HID), dtype=jnp.float32) * (1.0 / np.sqrt(INP))
    b1 = jnp.zeros((NF, HID), dtype=jnp.float32)
    W2 = jax.random.normal(ks[4], (NF, HID, HID), dtype=jnp.float32) * (1.0 / np.sqrt(HID))
    b2 = jnp.zeros((NF, HID), dtype=jnp.float32)
    W3 = jax.random.normal(ks[5], (NF, HID, SKILL), dtype=jnp.float32) * (1.0 / np.sqrt(HID))
    b3 = jnp.zeros((NF, SKILL), dtype=jnp.float32)
    return {"graph": graph, "state": state, "next_state": next_state,
            "W1": W1, "b1": b1, "W2": W2, "b2": b2, "W3": W3, "b3": b3}


def reference(graph, state, next_state, W1, b1, W2, b2, W3, b3):
    # use_state=True branch: input = concat([graph, state, next_state], -1)
    inp = jnp.concatenate([graph, state, next_state], axis=-1)
    skill_pred = jnp.zeros((inp.shape[0], SKILL), dtype=inp.dtype)
    # wide_diayn routing: rows with graph[:, i] == 1 are sent to expert i.
    # Torch does skill_pred[idices] = net_i(filtered); sequential overwrite
    # semantics are reproduced with jnp.where applied in expert order.
    for i in range(NF):
        h = jnp.maximum(inp @ W1[i] + b1[i], 0.0)
        h = jnp.maximum(h @ W2[i] + b2[i], 0.0)
        o = h @ W3[i] + b3[i]
        mask = (graph[:, i] == 1.0)[:, None]
        skill_pred = jnp.where(mask, o, skill_pred)
    return skill_pred

if __name__ == "__main__":
    import jax
    _d = setup_inputs()
    print(jax.jit(kernel)(*tuple(_d.values())))

</pallas_src>

<mosaic_0001>
#map = affine_map<(d0, d1) -> (0, 0)>
module attributes {stable_mosaic.version = 14 : i64} {
  func.func @_sc_scatter_body(%arg0: i32, %arg1: i32, %arg2: memref<16384x128xf32, #tpu.memory_space<hbm>>, %arg3: memref<16384x128xf32, #tpu.memory_space<hbm>>, %arg4: memref<16384x128xf32, #tpu.memory_space<hbm>>, %arg5: memref<128x128xi32, #tpu.memory_space<hbm>>, %arg6: memref<25600x384xf32, #tpu.memory_space<hbm>>, %arg7: memref<4x128xi32, #tpu.memory_space<vmem>>, %arg8: memref<128x384xf32, #tpu.memory_space<vmem>>, %arg9: memref<!tpu.dma_semaphore, #tpu.memory_space<semaphore_mem>>) attributes {dimension_semantics = [#tpu.dimension_semantics<core_parallel>, #tpu.dimension_semantics<subcore_parallel>], iteration_bounds = array<i64: 2, 16>, scalar_prefetch = 0 : i64, scratch_operands = 3 : i64, tpu.core_type = #tpu.core_type<sc_vector_subcore>, window_params = [{transform_indices = #map}, {transform_indices = #map}, {transform_indices = #map}, {transform_indices = #map}, {transform_indices = #map}]} {
    %mul3A = arith.constant 2 : i32
    %mul3A_0 = arith.muli %arg1, %mul3A : i32
    %add3A = arith.addi %mul3A_0, %arg0 : i32
    %mul3A_1 = arith.constant 512 : i32
    %mul3A_2 = arith.muli %add3A, %mul3A_1 : i32
    %add3A_3 = arith.constant 0 : i32
    %add3A_4 = arith.addi %mul3A_2, %add3A_3 : i32
    %mul3A_5 = arith.constant 4 : i32
    %mul3A_6 = arith.muli %add3A, %mul3A_5 : i32
    %add3A_7 = arith.constant 0 : i32
    %add3A_8 = arith.addi %mul3A_6, %add3A_7 : i32
    %run_scoped3A = arith.constant 0 : i32
    "tpu.region"() ({
      %run_scoped3A_84 = tpu.sem_alloc : memref<!tpu.dma_semaphore, #tpu.memory_space<semaphore_mem>>
      %dma_start3A_85 = arith.constant 0 : i32
      %dma_start3A_86 = tpu.memref_slice %arg7[%run_scoped3A, %dma_start3A_85] : memref<4x128xi32, #tpu.memory_space<vmem>> -> memref<1x128xi32, #tpu.memory_space<vmem>>
      %dma_start3A_87 = tpu.memref_squeeze %dma_start3A_86 : memref<1x128xi32, #tpu.memory_space<vmem>> -> memref<128xi32, #tpu.memory_space<vmem>>
      %dma_start3A_88 = arith.constant 0 : i32
      %dma_start3A_89 = tpu.memref_slice %arg5[%add3A_8, %dma_start3A_88] : memref<128x128xi32, #tpu.memory_space<hbm>> -> memref<1x128xi32, #tpu.memory_space<hbm>>
      %dma_start3A_90 = tpu.memref_squeeze %dma_start3A_89 : memref<1x128xi32, #tpu.memory_space<hbm>> -> memref<128xi32, #tpu.memory_space<hbm>>
      %dma_start3A_91 = arith.constant 0 : i32
      %dma_start3A_92 = tpu.memref_slice %arg7[%run_scoped3A, %dma_start3A_91] : memref<4x128xi32, #tpu.memory_space<vmem>> -> memref<1x128xi32, #tpu.memory_space<vmem>>
      %dma_start3A_93 = tpu.memref_squeeze %dma_start3A_92 : memref<1x128xi32, #tpu.memory_space<vmem>> -> memref<128xi32, #tpu.memory_space<vmem>>
      %dma_start3A_94 = arith.constant 0 : i32
      %dma_start3A_95 = tpu.memref_slice %arg5[%add3A_8, %dma_start3A_94] : memref<128x128xi32, #tpu.memory_space<hbm>> -> memref<1x128xi32, #tpu.memory_space<hbm>>
      %dma_start3A_96 = tpu.memref_squeeze %dma_start3A_95 : memref<1x128xi32, #tpu.memory_space<hbm>> -> memref<128xi32, #tpu.memory_space<hbm>>
      tpu.enqueue_dma source(%dma_start3A_96 : memref<128xi32, #tpu.memory_space<hbm>>) target(%dma_start3A_93 : memref<128xi32, #tpu.memory_space<vmem>>) target_semaphore(%run_scoped3A_84 : memref<!tpu.dma_semaphore, #tpu.memory_space<semaphore_mem>>)
      %dma_wait3A_97 = arith.constant 0 : i32
      %dma_wait3A_98 = tpu.memref_slice %arg7[%run_scoped3A, %dma_wait3A_97] : memref<4x128xi32, #tpu.memory_space<vmem>> -> memref<1x128xi32, #tpu.memory_space<vmem>>
      %dma_wait3A_99 = tpu.memref_squeeze %dma_wait3A_98 : memref<1x128xi32, #tpu.memory_space<vmem>> -> memref<128xi32, #tpu.memory_space<vmem>>
      %dma_wait3A_100 = arith.constant 0 : i32
      %dma_wait3A_101 = tpu.memref_slice %arg5[%add3A_8, %dma_wait3A_100] : memref<128x128xi32, #tpu.memory_space<hbm>> -> memref<1x128xi32, #tpu.memory_space<hbm>>
      %dma_wait3A_102 = tpu.memref_squeeze %dma_wait3A_101 : memref<1x128xi32, #tpu.memory_space<hbm>> -> memref<128xi32, #tpu.memory_space<hbm>>
      %dma_wait3A_103 = arith.constant 0 : i32
      %dma_wait3A_104 = tpu.memref_slice %arg7[%run_scoped3A, %dma_wait3A_103] : memref<4x128xi32, #tpu.memory_space<vmem>> -> memref<1x128xi32, #tpu.memory_space<vmem>>
      %dma_wait3A_105 = tpu.memref_squeeze %dma_wait3A_104 : memref<1x128xi32, #tpu.memory_space<vmem>> -> memref<128xi32, #tpu.memory_space<vmem>>
      %dma_wait3A_106 = arith.constant 0 : i32
      %dma_wait3A_107 = tpu.memref_slice %arg5[%add3A_8, %dma_wait3A_106] : memref<128x128xi32, #tpu.memory_space<hbm>> -> memref<1x128xi32, #tpu.memory_space<hbm>>
      %dma_wait3A_108 = tpu.memref_squeeze %dma_wait3A_107 : memref<1x128xi32, #tpu.memory_space<hbm>> -> memref<128xi32, #tpu.memory_space<hbm>>
      tpu.wait_dma2 semaphore(%run_scoped3A_84 : memref<!tpu.dma_semaphore, #tpu.memory_space<semaphore_mem>>) src(%dma_wait3A_108 : memref<128xi32, #tpu.memory_space<hbm>>) dst(%dma_wait3A_105 : memref<128xi32, #tpu.memory_space<vmem>>)
      tpu.yield
    }) : () -> ()
    "tpu.region"() ({
      %run_scoped3A_84 = tpu.sem_alloc : memref<!tpu.dma_semaphore, #tpu.memory_space<semaphore_mem>>
      %dma_start3A_85 = arith.constant 0 : i32
      %dma_start3A_86 = arith.constant 0 : i32
      %dma_start3A_87 = tpu.memref_slice %arg8[%dma_start3A_85, %dma_start3A_86] : memref<128x384xf32, #tpu.memory_space<vmem>> -> memref<128x128xf32, #tpu.memory_space<vmem>>
      %dma_start3A_88 = arith.constant 0 : i32
      %dma_start3A_89 = tpu.memref_slice %arg2[%add3A_4, %dma_start3A_88] : memref<16384x128xf32, #tpu.memory_space<hbm>> -> memref<128x128xf32, #tpu.memory_space<hbm>>
      %dma_start3A_90 = arith.constant 0 : i32
      %dma_start3A_91 = arith.constant 0 : i32
      %dma_start3A_92 = tpu.memref_slice %arg8[%dma_start3A_90, %dma_start3A_91] : memref<128x384xf32, #tpu.memory_space<vmem>> -> memref<128x128xf32, #tpu.memory_space<vmem>>
      %dma_start3A_93 = arith.constant 0 : i32
      %dma_start3A_94 = tpu.memref_slice %arg2[%add3A_4, %dma_start3A_93] : memref<16384x128xf32, #tpu.memory_space<hbm>> -> memref<128x128xf32, #tpu.memory_space<hbm>>
      tpu.enqueue_dma source(%dma_start3A_94 : memref<128x128xf32, #tpu.memory_space<hbm>>) target(%dma_start3A_92 : memref<128x128xf32, #tpu.memory_space<vmem>>) target_semaphore(%run_scoped3A_84 : memref<!tpu.dma_semaphore, #tpu.memory_space<semaphore_mem>>)
      %dma_wait3A_95 = arith.constant 0 : i32
      %dma_wait3A_96 = arith.constant 0 : i32
      %dma_wait3A_97 = tpu.memref_slice %arg8[%dma_wait3A_95, %dma_wait3A_96] : memref<128x384xf32, #tpu.memory_space<vmem>> -> memref<128x128xf32, #tpu.memory_space<vmem>>
      %dma_wait3A_98 = arith.constant 0 : i32
      %dma_wait3A_99 = tpu.memref_slice %arg2[%add3A_4, %dma_wait3A_98] : memref<16384x128xf32, #tpu.memory_space<hbm>> -> memref<128x128xf32, #tpu.memory_space<hbm>>
      %dma_wait3A_100 = arith.constant 0 : i32
      %dma_wait3A_101 = arith.constant 0 : i32
      %dma_wait3A_102 = tpu.memref_slice %arg8[%dma_wait3A_100, %dma_wait3A_101] : memref<128x384xf32, #tpu.memory_space<vmem>> -> memref<128x128xf32, #tpu.memory_space<vmem>>
      %dma_wait3A_103 = arith.constant 0 : i32
      %dma_wait3A_104 = tpu.memref_slice %arg2[%add3A_4, %dma_wait3A_103] : memref<16384x128xf32, #tpu.memory_space<hbm>> -> memref<128x128xf32, #tpu.memory_space<hbm>>
      tpu.wait_dma2 semaphore(%run_scoped3A_84 : memref<!tpu.dma_semaphore, #tpu.memory_space<semaphore_mem>>) src(%dma_wait3A_104 : memref<128x128xf32, #tpu.memory_space<hbm>>) dst(%dma_wait3A_102 : memref<128x128xf32, #tpu.memory_space<vmem>>)
      tpu.yield
    }) : () -> ()
    "tpu.region"() ({
      %run_scoped3A_84 = tpu.sem_alloc : memref<!tpu.dma_semaphore, #tpu.memory_space<semaphore_mem>>
      %dma_start3A_85 = arith.constant 0 : i32
      %dma_start3A_86 = arith.constant 128 : i32
      %dma_start3A_87 = tpu.memref_slice %arg8[%dma_start3A_85, %dma_start3A_86] : memref<128x384xf32, #tpu.memory_space<vmem>> -> memref<128x128xf32, #tpu.memory_space<vmem>>
      %dma_start3A_88 = arith.constant 0 : i32
      %dma_start3A_89 = tpu.memref_slice %arg3[%add3A_4, %dma_start3A_88] : memref<16384x128xf32, #tpu.memory_space<hbm>> -> memref<128x128xf32, #tpu.memory_space<hbm>>
      %dma_start3A_90 = arith.constant 0 : i32
      %dma_start3A_91 = arith.constant 128 : i32
      %dma_start3A_92 = tpu.memref_slice %arg8[%dma_start3A_90, %dma_start3A_91] : memref<128x384xf32, #tpu.memory_space<vmem>> -> memref<128x128xf32, #tpu.memory_space<vmem>>
      %dma_start3A_93 = arith.constant 0 : i32
      %dma_start3A_94 = tpu.memref_slice %arg3[%add3A_4, %dma_start3A_93] : memref<16384x128xf32, #tpu.memory_space<hbm>> -> memref<128x128xf32, #tpu.memory_space<hbm>>
      tpu.enqueue_dma source(%dma_start3A_94 : memref<128x128xf32, #tpu.memory_space<hbm>>) target(%dma_start3A_92 : memref<128x128xf32, #tpu.memory_space<vmem>>) target_semaphore(%run_scoped3A_84 : memref<!tpu.dma_semaphore, #tpu.memory_space<semaphore_mem>>)
      %dma_wait3A_95 = arith.constant 0 : i32
      %dma_wait3A_96 = arith.constant 128 : i32
      %dma_wait3A_97 = tpu.memref_slice %arg8[%dma_wait3A_95, %dma_wait3A_96] : memref<128x384xf32, #tpu.memory_space<vmem>> -> memref<128x128xf32, #tpu.memory_space<vmem>>
      %dma_wait3A_98 = arith.constant 0 : i32
      %dma_wait3A_99 = tpu.memref_slice %arg3[%add3A_4, %dma_wait3A_98] : memref<16384x128xf32, #tpu.memory_space<hbm>> -> memref<128x128xf32, #tpu.memory_space<hbm>>
      %dma_wait3A_100 = arith.constant 0 : i32
      %dma_wait3A_101 = arith.constant 128 : i32
      %dma_wait3A_102 = tpu.memref_slice %arg8[%dma_wait3A_100, %dma_wait3A_101] : memref<128x384xf32, #tpu.memory_space<vmem>> -> memref<128x128xf32, #tpu.memory_space<vmem>>
      %dma_wait3A_103 = arith.constant 0 : i32
      %dma_wait3A_104 = tpu.memref_slice %arg3[%add3A_4, %dma_wait3A_103] : memref<16384x128xf32, #tpu.memory_space<hbm>> -> memref<128x128xf32, #tpu.memory_space<hbm>>
      tpu.wait_dma2 semaphore(%run_scoped3A_84 : memref<!tpu.dma_semaphore, #tpu.memory_space<semaphore_mem>>) src(%dma_wait3A_104 : memref<128x128xf32, #tpu.memory_space<hbm>>) dst(%dma_wait3A_102 : memref<128x128xf32, #tpu.memory_space<vmem>>)
      tpu.yield
    }) : () -> ()
    "tpu.region"() ({
      %run_scoped3A_84 = tpu.sem_alloc : memref<!tpu.dma_semaphore, #tpu.memory_space<semaphore_mem>>
      %dma_start3A_85 = arith.constant 0 : i32
      %dma_start3A_86 = arith.constant 256 : i32
      %dma_start3A_87 = tpu.memref_slice %arg8[%dma_start3A_85, %dma_start3A_86] : memref<128x384xf32, #tpu.memory_space<vmem>> -> memref<128x128xf32, #tpu.memory_space<vmem>>
      %dma_start3A_88 = arith.constant 0 : i32
      %dma_start3A_89 = tpu.memref_slice %arg4[%add3A_4, %dma_start3A_88] : memref<16384x128xf32, #tpu.memory_space<hbm>> -> memref<128x128xf32, #tpu.memory_space<hbm>>
      %dma_start3A_90 = arith.constant 0 : i32
      %dma_start3A_91 = arith.constant 256 : i32
      %dma_start3A_92 = tpu.memref_slice %arg8[%dma_start3A_90, %dma_start3A_91] : memref<128x384xf32, #tpu.memory_space<vmem>> -> memref<128x128xf32, #tpu.memory_space<vmem>>
      %dma_start3A_93 = arith.constant 0 : i32
      %dma_start3A_94 = tpu.memref_slice %arg4[%add3A_4, %dma_start3A_93] : memref<16384x128xf32, #tpu.memory_space<hbm>> -> memref<128x128xf32, #tpu.memory_space<hbm>>
      tpu.enqueue_dma source(%dma_start3A_94 : memref<128x128xf32, #tpu.memory_space<hbm>>) target(%dma_start3A_92 : memref<128x128xf32, #tpu.memory_space<vmem>>) target_semaphore(%run_scoped3A_84 : memref<!tpu.dma_semaphore, #tpu.memory_space<semaphore_mem>>)
      %dma_wait3A_95 = arith.constant 0 : i32
      %dma_wait3A_96 = arith.constant 256 : i32
      %dma_wait3A_97 = tpu.memref_slice %arg8[%dma_wait3A_95, %dma_wait3A_96] : memref<128x384xf32, #tpu.memory_space<vmem>> -> memref<128x128xf32, #tpu.memory_space<vmem>>
      %dma_wait3A_98 = arith.constant 0 : i32
      %dma_wait3A_99 = tpu.memref_slice %arg4[%add3A_4, %dma_wait3A_98] : memref<16384x128xf32, #tpu.memory_space<hbm>> -> memref<128x128xf32, #tpu.memory_space<hbm>>
      %dma_wait3A_100 = arith.constant 0 : i32
      %dma_wait3A_101 = arith.constant 256 : i32
      %dma_wait3A_102 = tpu.memref_slice %arg8[%dma_wait3A_100, %dma_wait3A_101] : memref<128x384xf32, #tpu.memory_space<vmem>> -> memref<128x128xf32, #tpu.memory_space<vmem>>
      %dma_wait3A_103 = arith.constant 0 : i32
      %dma_wait3A_104 = tpu.memref_slice %arg4[%add3A_4, %dma_wait3A_103] : memref<16384x128xf32, #tpu.memory_space<hbm>> -> memref<128x128xf32, #tpu.memory_space<hbm>>
      tpu.wait_dma2 semaphore(%run_scoped3A_84 : memref<!tpu.dma_semaphore, #tpu.memory_space<semaphore_mem>>) src(%dma_wait3A_104 : memref<128x128xf32, #tpu.memory_space<hbm>>) dst(%dma_wait3A_102 : memref<128x128xf32, #tpu.memory_space<vmem>>)
      tpu.yield
    }) : () -> ()
    %dma_start3A = arith.constant 0 : i32
    %dma_start3A_9 = arith.constant 0 : i32
    %dma_start3A_10 = tpu.memref_slice %arg7[%dma_start3A, %dma_start3A_9] : memref<4x128xi32, #tpu.memory_space<vmem>> -> memref<1x128xi32, #tpu.memory_space<vmem>>
    %dma_start3A_11 = tpu.memref_squeeze %dma_start3A_10 : memref<1x128xi32, #tpu.memory_space<vmem>> -> memref<128xi32, #tpu.memory_space<vmem>>
    %dma_start3A_12 = arith.constant 0 : i32
    %dma_start3A_13 = arith.constant 0 : i32
    %dma_start3A_14 = tpu.memref_slice %arg6[%dma_start3A_12, %dma_start3A_13] : memref<25600x384xf32, #tpu.memory_space<hbm>> -> memref<25600x384xf32, #tpu.memory_space<hbm>>
    tpu.enqueue_indirect_dma source(%arg8 : memref<128x384xf32, #tpu.memory_space<vmem>>) target(%dma_start3A_14 : memref<25600x384xf32, #tpu.memory_space<hbm>>) offsets(%dma_start3A_11 : memref<128xi32, #tpu.memory_space<vmem>>) semaphore(%arg9 : memref<!tpu.dma_semaphore, #tpu.memory_space<semaphore_mem>>)
    %dma_wait3A = arith.constant 0 : i32
    %dma_wait3A_15 = arith.constant 0 : i32
    %dma_wait3A_16 = tpu.memref_slice %arg7[%dma_wait3A, %dma_wait3A_15] : memref<4x128xi32, #tpu.memory_space<vmem>> -> memref<1x128xi32, #tpu.memory_space<vmem>>
    %dma_wait3A_17 = tpu.memref_squeeze %dma_wait3A_16 : memref<1x128xi32, #tpu.memory_space<vmem>> -> memref<128xi32, #tpu.memory_space<vmem>>
    %dma_wait3A_18 = arith.constant 0 : i32
    %dma_wait3A_19 = arith.constant 0 : i32
    %dma_wait3A_20 = tpu.memref_slice %arg6[%dma_wait3A_18, %dma_wait3A_19] : memref<25600x384xf32, #tpu.memory_space<hbm>> -> memref<25600x384xf32, #tpu.memory_space<hbm>>
    tpu.wait_indirect_dma semaphore(%arg9 : memref<!tpu.dma_semaphore, #tpu.memory_space<semaphore_mem>>) src(%arg8 : memref<128x384xf32, #tpu.memory_space<vmem>>) dst(%dma_wait3A_20 : memref<25600x384xf32, #tpu.memory_space<hbm>>)
    %add3A_21 = arith.constant 128 : i32
    %add3A_22 = arith.addi %mul3A_2, %add3A_21 : i32
    %mul3A_23 = arith.constant 4 : i32
    %mul3A_24 = arith.muli %add3A, %mul3A_23 : i32
    %add3A_25 = arith.constant 1 : i32
    %add3A_26 = arith.addi %mul3A_24, %add3A_25 : i32
    %run_scoped3A_27 = arith.constant 1 : i32
    "tpu.region"() ({
      %run_scoped3A_84 = tpu.sem_alloc : memref<!tpu.dma_semaphore, #tpu.memory_space<semaphore_mem>>
      %dma_start3A_85 = arith.constant 0 : i32
      %dma_start3A_86 = tpu.memref_slice %arg7[%run_scoped3A_27, %dma_start3A_85] : memref<4x128xi32, #tpu.memory_space<vmem>> -> memref<1x128xi32, #tpu.memory_space<vmem>>
      %dma_start3A_87 = tpu.memref_squeeze %dma_start3A_86 : memref<1x128xi32, #tpu.memory_space<vmem>> -> memref<128xi32, #tpu.memory_space<vmem>>
      %dma_start3A_88 = arith.constant 0 : i32
      %dma_start3A_89 = tpu.memref_slice %arg5[%add3A_26, %dma_start3A_88] : memref<128x128xi32, #tpu.memory_space<hbm>> -> memref<1x128xi32, #tpu.memory_space<hbm>>
      %dma_start3A_90 = tpu.memref_squeeze %dma_start3A_89 : memref<1x128xi32, #tpu.memory_space<hbm>> -> memref<128xi32, #tpu.memory_space<hbm>>
      %dma_start3A_91 = arith.constant 0 : i32
      %dma_start3A_92 = tpu.memref_slice %arg7[%run_scoped3A_27, %dma_start3A_91] : memref<4x128xi32, #tpu.memory_space<vmem>> -> memref<1x128xi32, #tpu.memory_space<vmem>>
      %dma_start3A_93 = tpu.memref_squeeze %dma_start3A_92 : memref<1x128xi32, #tpu.memory_space<vmem>> -> memref<128xi32, #tpu.memory_space<vmem>>
      %dma_start3A_94 = arith.constant 0 : i32
      %dma_start3A_95 = tpu.memref_slice %arg5[%add3A_26, %dma_start3A_94] : memref<128x128xi32, #tpu.memory_space<hbm>> -> memref<1x128xi32, #tpu.memory_space<hbm>>
      %dma_start3A_96 = tpu.memref_squeeze %dma_start3A_95 : memref<1x128xi32, #tpu.memory_space<hbm>> -> memref<128xi32, #tpu.memory_space<hbm>>
      tpu.enqueue_dma source(%dma_start3A_96 : memref<128xi32, #tpu.memory_space<hbm>>) target(%dma_start3A_93 : memref<128xi32, #tpu.memory_space<vmem>>) target_semaphore(%run_scoped3A_84 : memref<!tpu.dma_semaphore, #tpu.memory_space<semaphore_mem>>)
      %dma_wait3A_97 = arith.constant 0 : i32
      %dma_wait3A_98 = tpu.memref_slice %arg7[%run_scoped3A_27, %dma_wait3A_97] : memref<4x128xi32, #tpu.memory_space<vmem>> -> memref<1x128xi32, #tpu.memory_space<vmem>>
      %dma_wait3A_99 = tpu.memref_squeeze %dma_wait3A_98 : memref<1x128xi32, #tpu.memory_space<vmem>> -> memref<128xi32, #tpu.memory_space<vmem>>
      %dma_wait3A_100 = arith.constant 0 : i32
      %dma_wait3A_101 = tpu.memref_slice %arg5[%add3A_26, %dma_wait3A_100] : memref<128x128xi32, #tpu.memory_space<hbm>> -> memref<1x128xi32, #tpu.memory_space<hbm>>
      %dma_wait3A_102 = tpu.memref_squeeze %dma_wait3A_101 : memref<1x128xi32, #tpu.memory_space<hbm>> -> memref<128xi32, #tpu.memory_space<hbm>>
      %dma_wait3A_103 = arith.constant 0 : i32
      %dma_wait3A_104 = tpu.memref_slice %arg7[%run_scoped3A_27, %dma_wait3A_103] : memref<4x128xi32, #tpu.memory_space<vmem>> -> memref<1x128xi32, #tpu.memory_space<vmem>>
      %dma_wait3A_105 = tpu.memref_squeeze %dma_wait3A_104 : memref<1x128xi32, #tpu.memory_space<vmem>> -> memref<128xi32, #tpu.memory_space<vmem>>
      %dma_wait3A_106 = arith.constant 0 : i32
      %dma_wait3A_107 = tpu.memref_slice %arg5[%add3A_26, %dma_wait3A_106] : memref<128x128xi32, #tpu.memory_space<hbm>> -> memref<1x128xi32, #tpu.memory_space<hbm>>
      %dma_wait3A_108 = tpu.memref_squeeze %dma_wait3A_107 : memref<1x128xi32, #tpu.memory_space<hbm>> -> memref<128xi32, #tpu.memory_space<hbm>>
      tpu.wait_dma2 semaphore(%run_scoped3A_84 : memref<!tpu.dma_semaphore, #tpu.memory_space<semaphore_mem>>) src(%dma_wait3A_108 : memref<128xi32, #tpu.memory_space<hbm>>) dst(%dma_wait3A_105 : memref<128xi32, #tpu.memory_space<vmem>>)
      tpu.yield
    }) : () -> ()
    "tpu.region"() ({
      %run_scoped3A_84 = tpu.sem_alloc : memref<!tpu.dma_semaphore, #tpu.memory_space<semaphore_mem>>
      %dma_start3A_85 = arith.constant 0 : i32
      %dma_start3A_86 = arith.constant 0 : i32
      %dma_start3A_87 = tpu.memref_slice %arg8[%dma_start3A_85, %dma_start3A_86] : memref<128x384xf32, #tpu.memory_space<vmem>> -> memref<128x128xf32, #tpu.memory_space<vmem>>
      %dma_start3A_88 = arith.constant 0 : i32
      %dma_start3A_89 = tpu.memref_slice %arg2[%add3A_22, %dma_start3A_88] : memref<16384x128xf32, #tpu.memory_space<hbm>> -> memref<128x128xf32, #tpu.memory_space<hbm>>
      %dma_start3A_90 = arith.constant 0 : i32
      %dma_start3A_91 = arith.constant 0 : i32
      %dma_start3A_92 = tpu.memref_slice %arg8[%dma_start3A_90, %dma_start3A_91] : memref<128x384xf32, #tpu.memory_space<vmem>> -> memref<128x128xf32, #tpu.memory_space<vmem>>
      %dma_start3A_93 = arith.constant 0 : i32
      %dma_start3A_94 = tpu.memref_slice %arg2[%add3A_22, %dma_start3A_93] : memref<16384x128xf32, #tpu.memory_space<hbm>> -> memref<128x128xf32, #tpu.memory_space<hbm>>
      tpu.enqueue_dma source(%dma_start3A_94 : memref<128x128xf32, #tpu.memory_space<hbm>>) target(%dma_start3A_92 : memref<128x128xf32, #tpu.memory_space<vmem>>) target_semaphore(%run_scoped3A_84 : memref<!tpu.dma_semaphore, #tpu.memory_space<semaphore_mem>>)
      %dma_wait3A_95 = arith.constant 0 : i32
      %dma_wait3A_96 = arith.constant 0 : i32
      %dma_wait3A_97 = tpu.memref_slice %arg8[%dma_wait3A_95, %dma_wait3A_96] : memref<128x384xf32, #tpu.memory_space<vmem>> -> memref<128x128xf32, #tpu.memory_space<vmem>>
      %dma_wait3A_98 = arith.constant 0 : i32
      %dma_wait3A_99 = tpu.memref_slice %arg2[%add3A_22, %dma_wait3A_98] : memref<16384x128xf32, #tpu.memory_space<hbm>> -> memref<128x128xf32, #tpu.memory_space<hbm>>
      %dma_wait3A_100 = arith.constant 0 : i32
      %dma_wait3A_101 = arith.constant 0 : i32
      %dma_wait3A_102 = tpu.memref_slice %arg8[%dma_wait3A_100, %dma_wait3A_101] : memref<128x384xf32, #tpu.memory_space<vmem>> -> memref<128x128xf32, #tpu.memory_space<vmem>>
      %dma_wait3A_103 = arith.constant 0 : i32
      %dma_wait3A_104 = tpu.memref_slice %arg2[%add3A_22, %dma_wait3A_103] : memref<16384x128xf32, #tpu.memory_space<hbm>> -> memref<128x128xf32, #tpu.memory_space<hbm>>
      tpu.wait_dma2 semaphore(%run_scoped3A_84 : memref<!tpu.dma_semaphore, #tpu.memory_space<semaphore_mem>>) src(%dma_wait3A_104 : memref<128x128xf32, #tpu.memory_space<hbm>>) dst(%dma_wait3A_102 : memref<128x128xf32, #tpu.memory_space<vmem>>)
      tpu.yield
    }) : () -> ()
    "tpu.region"() ({
      %run_scoped3A_84 = tpu.sem_alloc : memref<!tpu.dma_semaphore, #tpu.memory_space<semaphore_mem>>
      %dma_start3A_85 = arith.constant 0 : i32
      %dma_start3A_86 = arith.constant 128 : i32
      %dma_start3A_87 = tpu.memref_slice %arg8[%dma_start3A_85, %dma_start3A_86] : memref<128x384xf32, #tpu.memory_space<vmem>> -> memref<128x128xf32, #tpu.memory_space<vmem>>
      %dma_start3A_88 = arith.constant 0 : i32
      %dma_start3A_89 = tpu.memref_slice %arg3[%add3A_22, %dma_start3A_88] : memref<16384x128xf32, #tpu.memory_space<hbm>> -> memref<128x128xf32, #tpu.memory_space<hbm>>
      %dma_start3A_90 = arith.constant 0 : i32
      %dma_start3A_91 = arith.constant 128 : i32
      %dma_start3A_92 = tpu.memref_slice %arg8[%dma_start3A_90, %dma_start3A_91] : memref<128x384xf32, #tpu.memory_space<vmem>> -> memref<128x128xf32, #tpu.memory_space<vmem>>
      %dma_start3A_93 = arith.constant 0 : i32
      %dma_start3A_94 = tpu.memref_slice %arg3[%add3A_22, %dma_start3A_93] : memref<16384x128xf32, #tpu.memory_space<hbm>> -> memref<128x128xf32, #tpu.memory_space<hbm>>
      tpu.enqueue_dma source(%dma_start3A_94 : memref<128x128xf32, #tpu.memory_space<hbm>>) target(%dma_start3A_92 : memref<128x128xf32, #tpu.memory_space<vmem>>) target_semaphore(%run_scoped3A_84 : memref<!tpu.dma_semaphore, #tpu.memory_space<semaphore_mem>>)
      %dma_wait3A_95 = arith.constant 0 : i32
      %dma_wait3A_96 = arith.constant 128 : i32
      %dma_wait3A_97 = tpu.memref_slice %arg8[%dma_wait3A_95, %dma_wait3A_96] : memref<128x384xf32, #tpu.memory_space<vmem>> -> memref<128x128xf32, #tpu.memory_space<vmem>>
      %dma_wait3A_98 = arith.constant 0 : i32
      %dma_wait3A_99 = tpu.memref_slice %arg3[%add3A_22, %dma_wait3A_98] : memref<16384x128xf32, #tpu.memory_space<hbm>> -> memref<128x128xf32, #tpu.memory_space<hbm>>
      %dma_wait3A_100 = arith.constant 0 : i32
      %dma_wait3A_101 = arith.constant 128 : i32
      %dma_wait3A_102 = tpu.memref_slice %arg8[%dma_wait3A_100, %dma_wait3A_101] : memref<128x384xf32, #tpu.memory_space<vmem>> -> memref<128x128xf32, #tpu.memory_space<vmem>>
      %dma_wait3A_103 = arith.constant 0 : i32
      %dma_wait3A_104 = tpu.memref_slice %arg3[%add3A_22, %dma_wait3A_103] : memref<16384x128xf32, #tpu.memory_space<hbm>> -> memref<128x128xf32, #tpu.memory_space<hbm>>
      tpu.wait_dma2 semaphore(%run_scoped3A_84 : memref<!tpu.dma_semaphore, #tpu.memory_space<semaphore_mem>>) src(%dma_wait3A_104 : memref<128x128xf32, #tpu.memory_space<hbm>>) dst(%dma_wait3A_102 : memref<128x128xf32, #tpu.memory_space<vmem>>)
      tpu.yield
    }) : () -> ()
    "tpu.region"() ({
      %run_scoped3A_84 = tpu.sem_alloc : memref<!tpu.dma_semaphore, #tpu.memory_space<semaphore_mem>>
      %dma_start3A_85 = arith.constant 0 : i32
      %dma_start3A_86 = arith.constant 256 : i32
      %dma_start3A_87 = tpu.memref_slice %arg8[%dma_start3A_85, %dma_start3A_86] : memref<128x384xf32, #tpu.memory_space<vmem>> -> memref<128x128xf32, #tpu.memory_space<vmem>>
      %dma_start3A_88 = arith.constant 0 : i32
      %dma_start3A_89 = tpu.memref_slice %arg4[%add3A_22, %dma_start3A_88] : memref<16384x128xf32, #tpu.memory_space<hbm>> -> memref<128x128xf32, #tpu.memory_space<hbm>>
      %dma_start3A_90 = arith.constant 0 : i32
      %dma_start3A_91 = arith.constant 256 : i32
      %dma_start3A_92 = tpu.memref_slice %arg8[%dma_start3A_90, %dma_start3A_91] : memref<128x384xf32, #tpu.memory_space<vmem>> -> memref<128x128xf32, #tpu.memory_space<vmem>>
      %dma_start3A_93 = arith.constant 0 : i32
      %dma_start3A_94 = tpu.memref_slice %arg4[%add3A_22, %dma_start3A_93] : memref<16384x128xf32, #tpu.memory_space<hbm>> -> memref<128x128xf32, #tpu.memory_space<hbm>>
      tpu.enqueue_dma source(%dma_start3A_94 : memref<128x128xf32, #tpu.memory_space<hbm>>) target(%dma_start3A_92 : memref<128x128xf32, #tpu.memory_space<vmem>>) target_semaphore(%run_scoped3A_84 : memref<!tpu.dma_semaphore, #tpu.memory_space<semaphore_mem>>)
      %dma_wait3A_95 = arith.constant 0 : i32
      %dma_wait3A_96 = arith.constant 256 : i32
      %dma_wait3A_97 = tpu.memref_slice %arg8[%dma_wait3A_95, %dma_wait3A_96] : memref<128x384xf32, #tpu.memory_space<vmem>> -> memref<128x128xf32, #tpu.memory_space<vmem>>
      %dma_wait3A_98 = arith.constant 0 : i32
      %dma_wait3A_99 = tpu.memref_slice %arg4[%add3A_22, %dma_wait3A_98] : memref<16384x128xf32, #tpu.memory_space<hbm>> -> memref<128x128xf32, #tpu.memory_space<hbm>>
      %dma_wait3A_100 = arith.constant 0 : i32
      %dma_wait3A_101 = arith.constant 256 : i32
      %dma_wait3A_102 = tpu.memref_slice %arg8[%dma_wait3A_100, %dma_wait3A_101] : memref<128x384xf32, #tpu.memory_space<vmem>> -> memref<128x128xf32, #tpu.memory_space<vmem>>
      %dma_wait3A_103 = arith.constant 0 : i32
      %dma_wait3A_104 = tpu.memref_slice %arg4[%add3A_22, %dma_wait3A_103] : memref<16384x128xf32, #tpu.memory_space<hbm>> -> memref<128x128xf32, #tpu.memory_space<hbm>>
      tpu.wait_dma2 semaphore(%run_scoped3A_84 : memref<!tpu.dma_semaphore, #tpu.memory_space<semaphore_mem>>) src(%dma_wait3A_104 : memref<128x128xf32, #tpu.memory_space<hbm>>) dst(%dma_wait3A_102 : memref<128x128xf32, #tpu.memory_space<vmem>>)
      tpu.yield
    }) : () -> ()
    %dma_start3A_28 = arith.constant 1 : i32
    %dma_start3A_29 = arith.constant 0 : i32
    %dma_start3A_30 = tpu.memref_slice %arg7[%dma_start3A_28, %dma_start3A_29] : memref<4x128xi32, #tpu.memory_space<vmem>> -> memref<1x128xi32, #tpu.memory_space<vmem>>
    %dma_start3A_31 = tpu.memref_squeeze %dma_start3A_30 : memref<1x128xi32, #tpu.memory_space<vmem>> -> memref<128xi32, #tpu.memory_space<vmem>>
    %dma_start3A_32 = arith.constant 0 : i32
    %dma_start3A_33 = arith.constant 0 : i32
    %dma_start3A_34 = tpu.memref_slice %arg6[%dma_start3A_32, %dma_start3A_33] : memref<25600x384xf32, #tpu.memory_space<hbm>> -> memref<25600x384xf32, #tpu.memory_space<hbm>>
    tpu.enqueue_indirect_dma source(%arg8 : memref<128x384xf32, #tpu.memory_space<vmem>>) target(%dma_start3A_34 : memref<25600x384xf32, #tpu.memory_space<hbm>>) offsets(%dma_start3A_31 : memref<128xi32, #tpu.memory_space<vmem>>) semaphore(%arg9 : memref<!tpu.dma_semaphore, #tpu.memory_space<semaphore_mem>>)
    %dma_wait3A_35 = arith.constant 1 : i32
    %dma_wait3A_36 = arith.constant 0 : i32
    %dma_wait3A_37 = tpu.memref_slice %arg7[%dma_wait3A_35, %dma_wait3A_36] : memref<4x128xi32, #tpu.memory_space<vmem>> -> memref<1x128xi32, #tpu.memory_space<vmem>>
    %dma_wait3A_38 = tpu.memref_squeeze %dma_wait3A_37 : memref<1x128xi32, #tpu.memory_space<vmem>> -> memref<128xi32, #tpu.memory_space<vmem>>
    %dma_wait3A_39 = arith.constant 0 : i32
    %dma_wait3A_40 = arith.constant 0 : i32
    %dma_wait3A_41 = tpu.memref_slice %arg6[%dma_wait3A_39, %dma_wait3A_40] : memref<25600x384xf32, #tpu.memory_space<hbm>> -> memref<25600x384xf32, #tpu.memory_space<hbm>>
    tpu.wait_indirect_dma semaphore(%arg9 : memref<!tpu.dma_semaphore, #tpu.memory_space<semaphore_mem>>) src(%arg8 : memref<128x384xf32, #tpu.memory_space<vmem>>) dst(%dma_wait3A_41 : memref<25600x384xf32, #tpu.memory_space<hbm>>)
    %add3A_42 = arith.constant 256 : i32
    %add3A_43 = arith.addi %mul3A_2, %add3A_42 : i32
    %mul3A_44 = arith.constant 4 : i32
    %mul3A_45 = arith.muli %add3A, %mul3A_44 : i32
    %add3A_46 = arith.constant 2 : i32
    %add3A_47 = arith.addi %mul3A_45, %add3A_46 : i32
    %run_scoped3A_48 = arith.constant 2 : i32
    "tpu.region"() ({
      %run_scoped3A_84 = tpu.sem_alloc : memref<!tpu.dma_semaphore, #tpu.memory_space<semaphore_mem>>
      %dma_start3A_85 = arith.constant 0 : i32
      %dma_start3A_86 = tpu.memref_slice %arg7[%run_scoped3A_48, %dma_start3A_85] : memref<4x128xi32, #tpu.memory_space<vmem>> -> memref<1x128xi32, #tpu.memory_space<vmem>>
      %dma_start3A_87 = tpu.memref_squeeze %dma_start3A_86 : memref<1x128xi32, #tpu.memory_space<vmem>> -> memref<128xi32, #tpu.memory_space<vmem>>
      %dma_start3A_88 = arith.constant 0 : i32
      %dma_start3A_89 = tpu.memref_slice %arg5[%add3A_47, %dma_start3A_88] : memref<128x128xi32, #tpu.memory_space<hbm>> -> memref<1x128xi32, #tpu.memory_space<hbm>>
      %dma_start3A_90 = tpu.memref_squeeze %dma_start3A_89 : memref<1x128xi32, #tpu.memory_space<hbm>> -> memref<128xi32, #tpu.memory_space<hbm>>
      %dma_start3A_91 = arith.constant 0 : i32
      %dma_start3A_92 = tpu.memref_slice %arg7[%run_scoped3A_48, %dma_start3A_91] : memref<4x128xi32, #tpu.memory_space<vmem>> -> memref<1x128xi32, #tpu.memory_space<vmem>>
      %dma_start3A_93 = tpu.memref_squeeze %dma_start3A_92 : memref<1x128xi32, #tpu.memory_space<vmem>> -> memref<128xi32, #tpu.memory_space<vmem>>
      %dma_start3A_94 = arith.constant 0 : i32
      %dma_start3A_95 = tpu.memref_slice %arg5[%add3A_47, %dma_start3A_94] : memref<128x128xi32, #tpu.memory_space<hbm>> -> memref<1x128xi32, #tpu.memory_space<hbm>>
      %dma_start3A_96 = tpu.memref_squeeze %dma_start3A_95 : memref<1x128xi32, #tpu.memory_space<hbm>> -> memref<128xi32, #tpu.memory_space<hbm>>
      tpu.enqueue_dma source(%dma_start3A_96 : memref<128xi32, #tpu.memory_space<hbm>>) target(%dma_start3A_93 : memref<128xi32, #tpu.memory_space<vmem>>) target_semaphore(%run_scoped3A_84 : memref<!tpu.dma_semaphore, #tpu.memory_space<semaphore_mem>>)
      %dma_wait3A_97 = arith.constant 0 : i32
      %dma_wait3A_98 = tpu.memref_slice %arg7[%run_scoped3A_48, %dma_wait3A_97] : memref<4x128xi32, #tpu.memory_space<vmem>> -> memref<1x128xi32, #tpu.memory_space<vmem>>
      %dma_wait3A_99 = tpu.memref_squeeze %dma_wait3A_98 : memref<1x128xi32, #tpu.memory_space<vmem>> -> memref<128xi32, #tpu.memory_space<vmem>>
      %dma_wait3A_100 = arith.constant 0 : i32
      %dma_wait3A_101 = tpu.memref_slice %arg5[%add3A_47, %dma_wait3A_100] : memref<128x128xi32, #tpu.memory_space<hbm>> -> memref<1x128xi32, #tpu.memory_space<hbm>>
      %dma_wait3A_102 = tpu.memref_squeeze %dma_wait3A_101 : memref<1x128xi32, #tpu.memory_space<hbm>> -> memref<128xi32, #tpu.memory_space<hbm>>
      %dma_wait3A_103 = arith.constant 0 : i32
      %dma_wait3A_104 = tpu.memref_slice %arg7[%run_scoped3A_48, %dma_wait3A_103] : memref<4x128xi32, #tpu.memory_space<vmem>> -> memref<1x128xi32, #tpu.memory_space<vmem>>
      %dma_wait3A_105 = tpu.memref_squeeze %dma_wait3A_104 : memref<1x128xi32, #tpu.memory_space<vmem>> -> memref<128xi32, #tpu.memory_space<vmem>>
      %dma_wait3A_106 = arith.constant 0 : i32
      %dma_wait3A_107 = tpu.memref_slice %arg5[%add3A_47, %dma_wait3A_106] : memref<128x128xi32, #tpu.memory_space<hbm>> -> memref<1x128xi32, #tpu.memory_space<hbm>>
      %dma_wait3A_108 = tpu.memref_squeeze %dma_wait3A_107 : memref<1x128xi32, #tpu.memory_space<hbm>> -> memref<128xi32, #tpu.memory_space<hbm>>
      tpu.wait_dma2 semaphore(%run_scoped3A_84 : memref<!tpu.dma_semaphore, #tpu.memory_space<semaphore_mem>>) src(%dma_wait3A_108 : memref<128xi32, #tpu.memory_space<hbm>>) dst(%dma_wait3A_105 : memref<128xi32, #tpu.memory_space<vmem>>)
      tpu.yield
    }) : () -> ()
    "tpu.region"() ({
      %run_scoped3A_84 = tpu.sem_alloc : memref<!tpu.dma_semaphore, #tpu.memory_space<semaphore_mem>>
      %dma_start3A_85 = arith.constant 0 : i32
      %dma_start3A_86 = arith.constant 0 : i32
      %dma_start3A_87 = tpu.memref_slice %arg8[%dma_start3A_85, %dma_start3A_86] : memref<128x384xf32, #tpu.memory_space<vmem>> -> memref<128x128xf32, #tpu.memory_space<vmem>>
      %dma_start3A_88 = arith.constant 0 : i32
      %dma_start3A_89 = tpu.memref_slice %arg2[%add3A_43, %dma_start3A_88] : memref<16384x128xf32, #tpu.memory_space<hbm>> -> memref<128x128xf32, #tpu.memory_space<hbm>>
      %dma_start3A_90 = arith.constant 0 : i32
      %dma_start3A_91 = arith.constant 0 : i32
      %dma_start3A_92 = tpu.memref_slice %arg8[%dma_start3A_90, %dma_start3A_91] : memref<128x384xf32, #tpu.memory_space<vmem>> -> memref<128x128xf32, #tpu.memory_space<vmem>>
      %dma_start3A_93 = arith.constant 0 : i32
      %dma_start3A_94 = tpu.memref_slice %arg2[%add3A_43, %dma_start3A_93] : memref<16384x128xf32, #tpu.memory_space<hbm>> -> memref<128x128xf32, #tpu.memory_space<hbm>>
      tpu.enqueue_dma source(%dma_start3A_94 : memref<128x128xf32, #tpu.memory_space<hbm>>) target(%dma_start3A_92 : memref<128x128xf32, #tpu.memory_space<vmem>>) target_semaphore(%run_scoped3A_84 : memref<!tpu.dma_semaphore, #tpu.memory_space<semaphore_mem>>)
      %dma_wait3A_95 = arith.constant 0 : i32
      %dma_wait3A_96 = arith.constant 0 : i32
      %dma_wait3A_97 = tpu.memref_slice %arg8[%dma_wait3A_95, %dma_wait3A_96] : memref<128x384xf32, #tpu.memory_space<vmem>> -> memref<128x128xf32, #tpu.memory_space<vmem>>
      %dma_wait3A_98 = arith.constant 0 : i32
      %dma_wait3A_99 = tpu.memref_slice %arg2[%add3A_43, %dma_wait3A_98] : memref<16384x128xf32, #tpu.memory_space<hbm>> -> memref<128x128xf32, #tpu.memory_space<hbm>>
      %dma_wait3A_100 = arith.constant 0 : i32
      %dma_wait3A_101 = arith.constant 0 : i32
      %dma_wait3A_102 = tpu.memref_slice %arg8[%dma_wait3A_100, %dma_wait3A_101] : memref<128x384xf32, #tpu.memory_space<vmem>> -> memref<128x128xf32, #tpu.memory_space<vmem>>
      %dma_wait3A_103 = arith.constant 0 : i32
      %dma_wait3A_104 = tpu.memref_slice %arg2[%add3A_43, %dma_wait3A_103] : memref<16384x128xf32, #tpu.memory_space<hbm>> -> memref<128x128xf32, #tpu.memory_space<hbm>>
      tpu.wait_dma2 semaphore(%run_scoped3A_84 : memref<!tpu.dma_semaphore, #tpu.memory_space<semaphore_mem>>) src(%dma_wait3A_104 : memref<128x128xf32, #tpu.memory_space<hbm>>) dst(%dma_wait3A_102 : memref<128x128xf32, #tpu.memory_space<vmem>>)
      tpu.yield
    }) : () -> ()
    "tpu.region"() ({
      %run_scoped3A_84 = tpu.sem_alloc : memref<!tpu.dma_semaphore, #tpu.memory_space<semaphore_mem>>
      %dma_start3A_85 = arith.constant 0 : i32
      %dma_start3A_86 = arith.constant 128 : i32
      %dma_start3A_87 = tpu.memref_slice %arg8[%dma_start3A_85, %dma_start3A_86] : memref<128x384xf32, #tpu.memory_space<vmem>> -> memref<128x128xf32, #tpu.memory_space<vmem>>
      %dma_start3A_88 = arith.constant 0 : i32
      %dma_start3A_89 = tpu.memref_slice %arg3[%add3A_43, %dma_start3A_88] : memref<16384x128xf32, #tpu.memory_space<hbm>> -> memref<128x128xf32, #tpu.memory_space<hbm>>
      %dma_start3A_90 = arith.constant 0 : i32
      %dma_start3A_91 = arith.constant 128 : i32
      %dma_start3A_92 = tpu.memref_slice %arg8[%dma_start3A_90, %dma_start3A_91] : memref<128x384xf32, #tpu.memory_space<vmem>> -> memref<128x128xf32, #tpu.memory_space<vmem>>
      %dma_start3A_93 = arith.constant 0 : i32
      %dma_start3A_94 = tpu.memref_slice %arg3[%add3A_43, %dma_start3A_93] : memref<16384x128xf32, #tpu.memory_space<hbm>> -> memref<128x128xf32, #tpu.memory_space<hbm>>
      tpu.enqueue_dma source(%dma_start3A_94 : memref<128x128xf32, #tpu.memory_space<hbm>>) target(%dma_start3A_92 : memref<128x128xf32, #tpu.memory_space<vmem>>) target_semaphore(%run_scoped3A_84 : memref<!tpu.dma_semaphore, #tpu.memory_space<semaphore_mem>>)
      %dma_wait3A_95 = arith.constant 0 : i32
      %dma_wait3A_96 = arith.constant 128 : i32
      %dma_wait3A_97 = tpu.memref_slice %arg8[%dma_wait3A_95, %dma_wait3A_96] : memref<128x384xf32, #tpu.memory_space<vmem>> -> memref<128x128xf32, #tpu.memory_space<vmem>>
      %dma_wait3A_98 = arith.constant 0 : i32
      %dma_wait3A_99 = tpu.memref_slice %arg3[%add3A_43, %dma_wait3A_98] : memref<16384x128xf32, #tpu.memory_space<hbm>> -> memref<128x128xf32, #tpu.memory_space<hbm>>
      %dma_wait3A_100 = arith.constant 0 : i32
      %dma_wait3A_101 = arith.constant 128 : i32
      %dma_wait3A_102 = tpu.memref_slice %arg8[%dma_wait3A_100, %dma_wait3A_101] : memref<128x384xf32, #tpu.memory_space<vmem>> -> memref<128x128xf32, #tpu.memory_space<vmem>>
      %dma_wait3A_103 = arith.constant 0 : i32
      %dma_wait3A_104 = tpu.memref_slice %arg3[%add3A_43, %dma_wait3A_103] : memref<16384x128xf32, #tpu.memory_space<hbm>> -> memref<128x128xf32, #tpu.memory_space<hbm>>
      tpu.wait_dma2 semaphore(%run_scoped3A_84 : memref<!tpu.dma_semaphore, #tpu.memory_space<semaphore_mem>>) src(%dma_wait3A_104 : memref<128x128xf32, #tpu.memory_space<hbm>>) dst(%dma_wait3A_102 : memref<128x128xf32, #tpu.memory_space<vmem>>)
      tpu.yield
    }) : () -> ()
    "tpu.region"() ({
      %run_scoped3A_84 = tpu.sem_alloc : memref<!tpu.dma_semaphore, #tpu.memory_space<semaphore_mem>>
      %dma_start3A_85 = arith.constant 0 : i32
      %dma_start3A_86 = arith.constant 256 : i32
      %dma_start3A_87 = tpu.memref_slice %arg8[%dma_start3A_85, %dma_start3A_86] : memref<128x384xf32, #tpu.memory_space<vmem>> -> memref<128x128xf32, #tpu.memory_space<vmem>>
      %dma_start3A_88 = arith.constant 0 : i32
      %dma_start3A_89 = tpu.memref_slice %arg4[%add3A_43, %dma_start3A_88] : memref<16384x128xf32, #tpu.memory_space<hbm>> -> memref<128x128xf32, #tpu.memory_space<hbm>>
      %dma_start3A_90 = arith.constant 0 : i32
      %dma_start3A_91 = arith.constant 256 : i32
      %dma_start3A_92 = tpu.memref_slice %arg8[%dma_start3A_90, %dma_start3A_91] : memref<128x384xf32, #tpu.memory_space<vmem>> -> memref<128x128xf32, #tpu.memory_space<vmem>>
      %dma_start3A_93 = arith.constant 0 : i32
      %dma_start3A_94 = tpu.memref_slice %arg4[%add3A_43, %dma_start3A_93] : memref<16384x128xf32, #tpu.memory_space<hbm>> -> memref<128x128xf32, #tpu.memory_space<hbm>>
      tpu.enqueue_dma source(%dma_start3A_94 : memref<128x128xf32, #tpu.memory_space<hbm>>) target(%dma_start3A_92 : memref<128x128xf32, #tpu.memory_space<vmem>>) target_semaphore(%run_scoped3A_84 : memref<!tpu.dma_semaphore, #tpu.memory_space<semaphore_mem>>)
      %dma_wait3A_95 = arith.constant 0 : i32
      %dma_wait3A_96 = arith.constant 256 : i32
      %dma_wait3A_97 = tpu.memref_slice %arg8[%dma_wait3A_95, %dma_wait3A_96] : memref<128x384xf32, #tpu.memory_space<vmem>> -> memref<128x128xf32, #tpu.memory_space<vmem>>
      %dma_wait3A_98 = arith.constant 0 : i32
      %dma_wait3A_99 = tpu.memref_slice %arg4[%add3A_43, %dma_wait3A_98] : memref<16384x128xf32, #tpu.memory_space<hbm>> -> memref<128x128xf32, #tpu.memory_space<hbm>>
      %dma_wait3A_100 = arith.constant 0 : i32
      %dma_wait3A_101 = arith.constant 256 : i32
      %dma_wait3A_102 = tpu.memref_slice %arg8[%dma_wait3A_100, %dma_wait3A_101] : memref<128x384xf32, #tpu.memory_space<vmem>> -> memref<128x128xf32, #tpu.memory_space<vmem>>
      %dma_wait3A_103 = arith.constant 0 : i32
      %dma_wait3A_104 = tpu.memref_slice %arg4[%add3A_43, %dma_wait3A_103] : memref<16384x128xf32, #tpu.memory_space<hbm>> -> memref<128x128xf32, #tpu.memory_space<hbm>>
      tpu.wait_dma2 semaphore(%run_scoped3A_84 : memref<!tpu.dma_semaphore, #tpu.memory_space<semaphore_mem>>) src(%dma_wait3A_104 : memref<128x128xf32, #tpu.memory_space<hbm>>) dst(%dma_wait3A_102 : memref<128x128xf32, #tpu.memory_space<vmem>>)
      tpu.yield
    }) : () -> ()
    %dma_start3A_49 = arith.constant 2 : i32
    %dma_start3A_50 = arith.constant 0 : i32
    %dma_start3A_51 = tpu.memref_slice %arg7[%dma_start3A_49, %dma_start3A_50] : memref<4x128xi32, #tpu.memory_space<vmem>> -> memref<1x128xi32, #tpu.memory_space<vmem>>
    %dma_start3A_52 = tpu.memref_squeeze %dma_start3A_51 : memref<1x128xi32, #tpu.memory_space<vmem>> -> memref<128xi32, #tpu.memory_space<vmem>>
    %dma_start3A_53 = arith.constant 0 : i32
    %dma_start3A_54 = arith.constant 0 : i32
    %dma_start3A_55 = tpu.memref_slice %arg6[%dma_start3A_53, %dma_start3A_54] : memref<25600x384xf32, #tpu.memory_space<hbm>> -> memref<25600x384xf32, #tpu.memory_space<hbm>>
    tpu.enqueue_indirect_dma source(%arg8 : memref<128x384xf32, #tpu.memory_space<vmem>>) target(%dma_start3A_55 : memref<25600x384xf32, #tpu.memory_space<hbm>>) offsets(%dma_start3A_52 : memref<128xi32, #tpu.memory_space<vmem>>) semaphore(%arg9 : memref<!tpu.dma_semaphore, #tpu.memory_space<semaphore_mem>>)
    %dma_wait3A_56 = arith.constant 2 : i32
    %dma_wait3A_57 = arith.constant 0 : i32
    %dma_wait3A_58 = tpu.memref_slice %arg7[%dma_wait3A_56, %dma_wait3A_57] : memref<4x128xi32, #tpu.memory_space<vmem>> -> memref<1x128xi32, #tpu.memory_space<vmem>>
    %dma_wait3A_59 = tpu.memref_squeeze %dma_wait3A_58 : memref<1x128xi32, #tpu.memory_space<vmem>> -> memref<128xi32, #tpu.memory_space<vmem>>
    %dma_wait3A_60 = arith.constant 0 : i32
    %dma_wait3A_61 = arith.constant 0 : i32
    %dma_wait3A_62 = tpu.memref_slice %arg6[%dma_wait3A_60, %dma_wait3A_61] : memref<25600x384xf32, #tpu.memory_space<hbm>> -> memref<25600x384xf32, #tpu.memory_space<hbm>>
    tpu.wait_indirect_dma semaphore(%arg9 : memref<!tpu.dma_semaphore, #tpu.memory_space<semaphore_mem>>) src(%arg8 : memref<128x384xf32, #tpu.memory_space<vmem>>) dst(%dma_wait3A_62 : memref<25600x384xf32, #tpu.memory_space<hbm>>)
    %add3A_63 = arith.constant 384 : i32
    %add3A_64 = arith.addi %mul3A_2, %add3A_63 : i32
    %mul3A_65 = arith.constant 4 : i32
    %mul3A_66 = arith.muli %add3A, %mul3A_65 : i32
    %add3A_67 = arith.constant 3 : i32
    %add3A_68 = arith.addi %mul3A_66, %add3A_67 : i32
    %run_scoped3A_69 = arith.constant 3 : i32
    "tpu.region"() ({
      %run_scoped3A_84 = tpu.sem_alloc : memref<!tpu.dma_semaphore, #tpu.memory_space<semaphore_mem>>
      %dma_start3A_85 = arith.constant 0 : i32
      %dma_start3A_86 = tpu.memref_slice %arg7[%run_scoped3A_69, %dma_start3A_85] : memref<4x128xi32, #tpu.memory_space<vmem>> -> memref<1x128xi32, #tpu.memory_space<vmem>>
      %dma_start3A_87 = tpu.memref_squeeze %dma_start3A_86 : memref<1x128xi32, #tpu.memory_space<vmem>> -> memref<128xi32, #tpu.memory_space<vmem>>
      %dma_start3A_88 = arith.constant 0 : i32
      %dma_start3A_89 = tpu.memref_slice %arg5[%add3A_68, %dma_start3A_88] : memref<128x128xi32, #tpu.memory_space<hbm>> -> memref<1x128xi32, #tpu.memory_space<hbm>>
      %dma_start3A_90 = tpu.memref_squeeze %dma_start3A_89 : memref<1x128xi32, #tpu.memory_space<hbm>> -> memref<128xi32, #tpu.memory_space<hbm>>
      %dma_start3A_91 = arith.constant 0 : i32
      %dma_start3A_92 = tpu.memref_slice %arg7[%run_scoped3A_69, %dma_start3A_91] : memref<4x128xi32, #tpu.memory_space<vmem>> -> memref<1x128xi32, #tpu.memory_space<vmem>>
      %dma_start3A_93 = tpu.memref_squeeze %dma_start3A_92 : memref<1x128xi32, #tpu.memory_space<vmem>> -> memref<128xi32, #tpu.memory_space<vmem>>
      %dma_start3A_94 = arith.constant 0 : i32
      %dma_start3A_95 = tpu.memref_slice %arg5[%add3A_68, %dma_start3A_94] : memref<128x128xi32, #tpu.memory_space<hbm>> -> memref<1x128xi32, #tpu.memory_space<hbm>>
      %dma_start3A_96 = tpu.memref_squeeze %dma_start3A_95 : memref<1x128xi32, #tpu.memory_space<hbm>> -> memref<128xi32, #tpu.memory_space<hbm>>
      tpu.enqueue_dma source(%dma_start3A_96 : memref<128xi32, #tpu.memory_space<hbm>>) target(%dma_start3A_93 : memref<128xi32, #tpu.memory_space<vmem>>) target_semaphore(%run_scoped3A_84 : memref<!tpu.dma_semaphore, #tpu.memory_space<semaphore_mem>>)
      %dma_wait3A_97 = arith.constant 0 : i32
      %dma_wait3A_98 = tpu.memref_slice %arg7[%run_scoped3A_69, %dma_wait3A_97] : memref<4x128xi32, #tpu.memory_space<vmem>> -> memref<1x128xi32, #tpu.memory_space<vmem>>
      %dma_wait3A_99 = tpu.memref_squeeze %dma_wait3A_98 : memref<1x128xi32, #tpu.memory_space<vmem>> -> memref<128xi32, #tpu.memory_space<vmem>>
      %dma_wait3A_100 = arith.constant 0 : i32
      %dma_wait3A_101 = tpu.memref_slice %arg5[%add3A_68, %dma_wait3A_100] : memref<128x128xi32, #tpu.memory_space<hbm>> -> memref<1x128xi32, #tpu.memory_space<hbm>>
      %dma_wait3A_102 = tpu.memref_squeeze %dma_wait3A_101 : memref<1x128xi32, #tpu.memory_space<hbm>> -> memref<128xi32, #tpu.memory_space<hbm>>
      %dma_wait3A_103 = arith.constant 0 : i32
      %dma_wait3A_104 = tpu.memref_slice %arg7[%run_scoped3A_69, %dma_wait3A_103] : memref<4x128xi32, #tpu.memory_space<vmem>> -> memref<1x128xi32, #tpu.memory_space<vmem>>
      %dma_wait3A_105 = tpu.memref_squeeze %dma_wait3A_104 : memref<1x128xi32, #tpu.memory_space<vmem>> -> memref<128xi32, #tpu.memory_space<vmem>>
      %dma_wait3A_106 = arith.constant 0 : i32
      %dma_wait3A_107 = tpu.memref_slice %arg5[%add3A_68, %dma_wait3A_106] : memref<128x128xi32, #tpu.memory_space<hbm>> -> memref<1x128xi32, #tpu.memory_space<hbm>>
      %dma_wait3A_108 = tpu.memref_squeeze %dma_wait3A_107 : memref<1x128xi32, #tpu.memory_space<hbm>> -> memref<128xi32, #tpu.memory_space<hbm>>
      tpu.wait_dma2 semaphore(%run_scoped3A_84 : memref<!tpu.dma_semaphore, #tpu.memory_space<semaphore_mem>>) src(%dma_wait3A_108 : memref<128xi32, #tpu.memory_space<hbm>>) dst(%dma_wait3A_105 : memref<128xi32, #tpu.memory_space<vmem>>)
      tpu.yield
    }) : () -> ()
    "tpu.region"() ({
      %run_scoped3A_84 = tpu.sem_alloc : memref<!tpu.dma_semaphore, #tpu.memory_space<semaphore_mem>>
      %dma_start3A_85 = arith.constant 0 : i32
      %dma_start3A_86 = arith.constant 0 : i32
      %dma_start3A_87 = tpu.memref_slice %arg8[%dma_start3A_85, %dma_start3A_86] : memref<128x384xf32, #tpu.memory_space<vmem>> -> memref<128x128xf32, #tpu.memory_space<vmem>>
      %dma_start3A_88 = arith.constant 0 : i32
      %dma_start3A_89 = tpu.memref_slice %arg2[%add3A_64, %dma_start3A_88] : memref<16384x128xf32, #tpu.memory_space<hbm>> -> memref<128x128xf32, #tpu.memory_space<hbm>>
      %dma_start3A_90 = arith.constant 0 : i32
      %dma_start3A_91 = arith.constant 0 : i32
      %dma_start3A_92 = tpu.memref_slice %arg8[%dma_start3A_90, %dma_start3A_91] : memref<128x384xf32, #tpu.memory_space<vmem>> -> memref<128x128xf32, #tpu.memory_space<vmem>>
      %dma_start3A_93 = arith.constant 0 : i32
      %dma_start3A_94 = tpu.memref_slice %arg2[%add3A_64, %dma_start3A_93] : memref<16384x128xf32, #tpu.memory_space<hbm>> -> memref<128x128xf32, #tpu.memory_space<hbm>>
      tpu.enqueue_dma source(%dma_start3A_94 : memref<128x128xf32, #tpu.memory_space<hbm>>) target(%dma_start3A_92 : memref<128x128xf32, #tpu.memory_space<vmem>>) target_semaphore(%run_scoped3A_84 : memref<!tpu.dma_semaphore, #tpu.memory_space<semaphore_mem>>)
      %dma_wait3A_95 = arith.constant 0 : i32
      %dma_wait3A_96 = arith.constant 0 : i32
      %dma_wait3A_97 = tpu.memref_slice %arg8[%dma_wait3A_95, %dma_wait3A_96] : memref<128x384xf32, #tpu.memory_space<vmem>> -> memref<128x128xf32, #tpu.memory_space<vmem>>
      %dma_wait3A_98 = arith.constant 0 : i32
      %dma_wait3A_99 = tpu.memref_slice %arg2[%add3A_64, %dma_wait3A_98] : memref<16384x128xf32, #tpu.memory_space<hbm>> -> memref<128x128xf32, #tpu.memory_space<hbm>>
      %dma_wait3A_100 = arith.constant 0 : i32
      %dma_wait3A_101 = arith.constant 0 : i32
      %dma_wait3A_102 = tpu.memref_slice %arg8[%dma_wait3A_100, %dma_wait3A_101] : memref<128x384xf32, #tpu.memory_space<vmem>> -> memref<128x128xf32, #tpu.memory_space<vmem>>
      %dma_wait3A_103 = arith.constant 0 : i32
      %dma_wait3A_104 = tpu.memref_slice %arg2[%add3A_64, %dma_wait3A_103] : memref<16384x128xf32, #tpu.memory_space<hbm>> -> memref<128x128xf32, #tpu.memory_space<hbm>>
      tpu.wait_dma2 semaphore(%run_scoped3A_84 : memref<!tpu.dma_semaphore, #tpu.memory_space<semaphore_mem>>) src(%dma_wait3A_104 : memref<128x128xf32, #tpu.memory_space<hbm>>) dst(%dma_wait3A_102 : memref<128x128xf32, #tpu.memory_space<vmem>>)
      tpu.yield
    }) : () -> ()
    "tpu.region"() ({
      %run_scoped3A_84 = tpu.sem_alloc : memref<!tpu.dma_semaphore, #tpu.memory_space<semaphore_mem>>
      %dma_start3A_85 = arith.constant 0 : i32
      %dma_start3A_86 = arith.constant 128 : i32
      %dma_start3A_87 = tpu.memref_slice %arg8[%dma_start3A_85, %dma_start3A_86] : memref<128x384xf32, #tpu.memory_space<vmem>> -> memref<128x128xf32, #tpu.memory_space<vmem>>
      %dma_start3A_88 = arith.constant 0 : i32
      %dma_start3A_89 = tpu.memref_slice %arg3[%add3A_64, %dma_start3A_88] : memref<16384x128xf32, #tpu.memory_space<hbm>> -> memref<128x128xf32, #tpu.memory_space<hbm>>
      %dma_start3A_90 = arith.constant 0 : i32
      %dma_start3A_91 = arith.constant 128 : i32
      %dma_start3A_92 = tpu.memref_slice %arg8[%dma_start3A_90, %dma_start3A_91] : memref<128x384xf32, #tpu.memory_space<vmem>> -> memref<128x128xf32, #tpu.memory_space<vmem>>
      %dma_start3A_93 = arith.constant 0 : i32
      %dma_start3A_94 = tpu.memref_slice %arg3[%add3A_64, %dma_start3A_93] : memref<16384x128xf32, #tpu.memory_space<hbm>> -> memref<128x128xf32, #tpu.memory_space<hbm>>
      tpu.enqueue_dma source(%dma_start3A_94 : memref<128x128xf32, #tpu.memory_space<hbm>>) target(%dma_start3A_92 : memref<128x128xf32, #tpu.memory_space<vmem>>) target_semaphore(%run_scoped3A_84 : memref<!tpu.dma_semaphore, #tpu.memory_space<semaphore_mem>>)
      %dma_wait3A_95 = arith.constant 0 : i32
      %dma_wait3A_96 = arith.constant 128 : i32
      %dma_wait3A_97 = tpu.memref_slice %arg8[%dma_wait3A_95, %dma_wait3A_96] : memref<128x384xf32, #tpu.memory_space<vmem>> -> memref<128x128xf32, #tpu.memory_space<vmem>>
      %dma_wait3A_98 = arith.constant 0 : i32
      %dma_wait3A_99 = tpu.memref_slice %arg3[%add3A_64, %dma_wait3A_98] : memref<16384x128xf32, #tpu.memory_space<hbm>> -> memref<128x128xf32, #tpu.memory_space<hbm>>
      %dma_wait3A_100 = arith.constant 0 : i32
      %dma_wait3A_101 = arith.constant 128 : i32
      %dma_wait3A_102 = tpu.memref_slice %arg8[%dma_wait3A_100, %dma_wait3A_101] : memref<128x384xf32, #tpu.memory_space<vmem>> -> memref<128x128xf32, #tpu.memory_space<vmem>>
      %dma_wait3A_103 = arith.constant 0 : i32
      %dma_wait3A_104 = tpu.memref_slice %arg3[%add3A_64, %dma_wait3A_103] : memref<16384x128xf32, #tpu.memory_space<hbm>> -> memref<128x128xf32, #tpu.memory_space<hbm>>
      tpu.wait_dma2 semaphore(%run_scoped3A_84 : memref<!tpu.dma_semaphore, #tpu.memory_space<semaphore_mem>>) src(%dma_wait3A_104 : memref<128x128xf32, #tpu.memory_space<hbm>>) dst(%dma_wait3A_102 : memref<128x128xf32, #tpu.memory_space<vmem>>)
      tpu.yield
    }) : () -> ()
    "tpu.region"() ({
      %run_scoped3A_84 = tpu.sem_alloc : memref<!tpu.dma_semaphore, #tpu.memory_space<semaphore_mem>>
      %dma_start3A_85 = arith.constant 0 : i32
      %dma_start3A_86 = arith.constant 256 : i32
      %dma_start3A_87 = tpu.memref_slice %arg8[%dma_start3A_85, %dma_start3A_86] : memref<128x384xf32, #tpu.memory_space<vmem>> -> memref<128x128xf32, #tpu.memory_space<vmem>>
      %dma_start3A_88 = arith.constant 0 : i32
      %dma_start3A_89 = tpu.memref_slice %arg4[%add3A_64, %dma_start3A_88] : memref<16384x128xf32, #tpu.memory_space<hbm>> -> memref<128x128xf32, #tpu.memory_space<hbm>>
      %dma_start3A_90 = arith.constant 0 : i32
      %dma_start3A_91 = arith.constant 256 : i32
      %dma_start3A_92 = tpu.memref_slice %arg8[%dma_start3A_90, %dma_start3A_91] : memref<128x384xf32, #tpu.memory_space<vmem>> -> memref<128x128xf32, #tpu.memory_space<vmem>>
      %dma_start3A_93 = arith.constant 0 : i32
      %dma_start3A_94 = tpu.memref_slice %arg4[%add3A_64, %dma_start3A_93] : memref<16384x128xf32, #tpu.memory_space<hbm>> -> memref<128x128xf32, #tpu.memory_space<hbm>>
      tpu.enqueue_dma source(%dma_start3A_94 : memref<128x128xf32, #tpu.memory_space<hbm>>) target(%dma_start3A_92 : memref<128x128xf32, #tpu.memory_space<vmem>>) target_semaphore(%run_scoped3A_84 : memref<!tpu.dma_semaphore, #tpu.memory_space<semaphore_mem>>)
      %dma_wait3A_95 = arith.constant 0 : i32
      %dma_wait3A_96 = arith.constant 256 : i32
      %dma_wait3A_97 = tpu.memref_slice %arg8[%dma_wait3A_95, %dma_wait3A_96] : memref<128x384xf32, #tpu.memory_space<vmem>> -> memref<128x128xf32, #tpu.memory_space<vmem>>
      %dma_wait3A_98 = arith.constant 0 : i32
      %dma_wait3A_99 = tpu.memref_slice %arg4[%add3A_64, %dma_wait3A_98] : memref<16384x128xf32, #tpu.memory_space<hbm>> -> memref<128x128xf32, #tpu.memory_space<hbm>>
      %dma_wait3A_100 = arith.constant 0 : i32
      %dma_wait3A_101 = arith.constant 256 : i32
      %dma_wait3A_102 = tpu.memref_slice %arg8[%dma_wait3A_100, %dma_wait3A_101] : memref<128x384xf32, #tpu.memory_space<vmem>> -> memref<128x128xf32, #tpu.memory_space<vmem>>
      %dma_wait3A_103 = arith.constant 0 : i32
      %dma_wait3A_104 = tpu.memref_slice %arg4[%add3A_64, %dma_wait3A_103] : memref<16384x128xf32, #tpu.memory_space<hbm>> -> memref<128x128xf32, #tpu.memory_space<hbm>>
      tpu.wait_dma2 semaphore(%run_scoped3A_84 : memref<!tpu.dma_semaphore, #tpu.memory_space<semaphore_mem>>) src(%dma_wait3A_104 : memref<128x128xf32, #tpu.memory_space<hbm>>) dst(%dma_wait3A_102 : memref<128x128xf32, #tpu.memory_space<vmem>>)
      tpu.yield
    }) : () -> ()
    %dma_start3A_70 = arith.constant 3 : i32
    %dma_start3A_71 = arith.constant 0 : i32
    %dma_start3A_72 = tpu.memref_slice %arg7[%dma_start3A_70, %dma_start3A_71] : memref<4x128xi32, #tpu.memory_space<vmem>> -> memref<1x128xi32, #tpu.memory_space<vmem>>
    %dma_start3A_73 = tpu.memref_squeeze %dma_start3A_72 : memref<1x128xi32, #tpu.memory_space<vmem>> -> memref<128xi32, #tpu.memory_space<vmem>>
    %dma_start3A_74 = arith.constant 0 : i32
    %dma_start3A_75 = arith.constant 0 : i32
    %dma_start3A_76 = tpu.memref_slice %arg6[%dma_start3A_74, %dma_start3A_75] : memref<25600x384xf32, #tpu.memory_space<hbm>> -> memref<25600x384xf32, #tpu.memory_space<hbm>>
    tpu.enqueue_indirect_dma source(%arg8 : memref<128x384xf32, #tpu.memory_space<vmem>>) target(%dma_start3A_76 : memref<25600x384xf32, #tpu.memory_space<hbm>>) offsets(%dma_start3A_73 : memref<128xi32, #tpu.memory_space<vmem>>) semaphore(%arg9 : memref<!tpu.dma_semaphore, #tpu.memory_space<semaphore_mem>>)
    %dma_wait3A_77 = arith.constant 3 : i32
    %dma_wait3A_78 = arith.constant 0 : i32
    %dma_wait3A_79 = tpu.memref_slice %arg7[%dma_wait3A_77, %dma_wait3A_78] : memref<4x128xi32, #tpu.memory_space<vmem>> -> memref<1x128xi32, #tpu.memory_space<vmem>>
    %dma_wait3A_80 = tpu.memref_squeeze %dma_wait3A_79 : memref<1x128xi32, #tpu.memory_space<vmem>> -> memref<128xi32, #tpu.memory_space<vmem>>
    %dma_wait3A_81 = arith.constant 0 : i32
    %dma_wait3A_82 = arith.constant 0 : i32
    %dma_wait3A_83 = tpu.memref_slice %arg6[%dma_wait3A_81, %dma_wait3A_82] : memref<25600x384xf32, #tpu.memory_space<hbm>> -> memref<25600x384xf32, #tpu.memory_space<hbm>>
    tpu.wait_indirect_dma semaphore(%arg9 : memref<!tpu.dma_semaphore, #tpu.memory_space<semaphore_mem>>) src(%arg8 : memref<128x384xf32, #tpu.memory_space<vmem>>) dst(%dma_wait3A_83 : memref<25600x384xf32, #tpu.memory_space<hbm>>)
    return
  }
}

#map = affine_map<(d0, d1) -> (0, 0)>
module attributes {stable_mosaic.version = 14 : i64} {
  func.func @_sc_gather_body(%arg0: i32, %arg1: i32, %arg2: memref<25600x128xf32, #tpu.memory_space<hbm>>, %arg3: memref<128x128xi32, #tpu.memory_space<hbm>>, %arg4: memref<16384x128xf32, #tpu.memory_space<hbm>>, %arg5: memref<4x128xi32, #tpu.memory_space<vmem>>, %arg6: memref<128x128xf32, #tpu.memory_space<vmem>>, %arg7: memref<!tpu.dma_semaphore, #tpu.memory_space<semaphore_mem>>) attributes {dimension_semantics = [#tpu.dimension_semantics<core_parallel>, #tpu.dimension_semantics<subcore_parallel>], iteration_bounds = array<i64: 2, 16>, scalar_prefetch = 0 : i64, scratch_operands = 3 : i64, tpu.core_type = #tpu.core_type<sc_vector_subcore>, window_params = [{transform_indices = #map}, {transform_indices = #map}, {transform_indices = #map}]} {
    %mul3A = arith.constant 2 : i32
    %mul3A_0 = arith.muli %arg1, %mul3A : i32
    %add3A = arith.addi %mul3A_0, %arg0 : i32
    %mul3A_1 = arith.constant 512 : i32
    %mul3A_2 = arith.muli %add3A, %mul3A_1 : i32
    %add3A_3 = arith.constant 0 : i32
    %add3A_4 = arith.addi %mul3A_2, %add3A_3 : i32
    %mul3A_5 = arith.constant 4 : i32
    %mul3A_6 = arith.muli %add3A, %mul3A_5 : i32
    %add3A_7 = arith.constant 0 : i32
    %add3A_8 = arith.addi %mul3A_6, %add3A_7 : i32
    %run_scoped3A = arith.constant 0 : i32
    "tpu.region"() ({
      %run_scoped3A_84 = tpu.sem_alloc : memref<!tpu.dma_semaphore, #tpu.memory_space<semaphore_mem>>
      %dma_start3A_85 = arith.constant 0 : i32
      %dma_start3A_86 = tpu.memref_slice %arg5[%run_scoped3A, %dma_start3A_85] : memref<4x128xi32, #tpu.memory_space<vmem>> -> memref<1x128xi32, #tpu.memory_space<vmem>>
      %dma_start3A_87 = tpu.memref_squeeze %dma_start3A_86 : memref<1x128xi32, #tpu.memory_space<vmem>> -> memref<128xi32, #tpu.memory_space<vmem>>
      %dma_start3A_88 = arith.constant 0 : i32
      %dma_start3A_89 = tpu.memref_slice %arg3[%add3A_8, %dma_start3A_88] : memref<128x128xi32, #tpu.memory_space<hbm>> -> memref<1x128xi32, #tpu.memory_space<hbm>>
      %dma_start3A_90 = tpu.memref_squeeze %dma_start3A_89 : memref<1x128xi32, #tpu.memory_space<hbm>> -> memref<128xi32, #tpu.memory_space<hbm>>
      %dma_start3A_91 = arith.constant 0 : i32
      %dma_start3A_92 = tpu.memref_slice %arg5[%run_scoped3A, %dma_start3A_91] : memref<4x128xi32, #tpu.memory_space<vmem>> -> memref<1x128xi32, #tpu.memory_space<vmem>>
      %dma_start3A_93 = tpu.memref_squeeze %dma_start3A_92 : memref<1x128xi32, #tpu.memory_space<vmem>> -> memref<128xi32, #tpu.memory_space<vmem>>
      %dma_start3A_94 = arith.constant 0 : i32
      %dma_start3A_95 = tpu.memref_slice %arg3[%add3A_8, %dma_start3A_94] : memref<128x128xi32, #tpu.memory_space<hbm>> -> memref<1x128xi32, #tpu.memory_space<hbm>>
      %dma_start3A_96 = tpu.memref_squeeze %dma_start3A_95 : memref<1x128xi32, #tpu.memory_space<hbm>> -> memref<128xi32, #tpu.memory_space<hbm>>
      tpu.enqueue_dma source(%dma_start3A_96 : memref<128xi32, #tpu.memory_space<hbm>>) target(%dma_start3A_93 : memref<128xi32, #tpu.memory_space<vmem>>) target_semaphore(%run_scoped3A_84 : memref<!tpu.dma_semaphore, #tpu.memory_space<semaphore_mem>>)
      %dma_wait3A_97 = arith.constant 0 : i32
      %dma_wait3A_98 = tpu.memref_slice %arg5[%run_scoped3A, %dma_wait3A_97] : memref<4x128xi32, #tpu.memory_space<vmem>> -> memref<1x128xi32, #tpu.memory_space<vmem>>
      %dma_wait3A_99 = tpu.memref_squeeze %dma_wait3A_98 : memref<1x128xi32, #tpu.memory_space<vmem>> -> memref<128xi32, #tpu.memory_space<vmem>>
      %dma_wait3A_100 = arith.constant 0 : i32
      %dma_wait3A_101 = tpu.memref_slice %arg3[%add3A_8, %dma_wait3A_100] : memref<128x128xi32, #tpu.memory_space<hbm>> -> memref<1x128xi32, #tpu.memory_space<hbm>>
      %dma_wait3A_102 = tpu.memref_squeeze %dma_wait3A_101 : memref<1x128xi32, #tpu.memory_space<hbm>> -> memref<128xi32, #tpu.memory_space<hbm>>
      %dma_wait3A_103 = arith.constant 0 : i32
      %dma_wait3A_104 = tpu.memref_slice %arg5[%run_scoped3A, %dma_wait3A_103] : memref<4x128xi32, #tpu.memory_space<vmem>> -> memref<1x128xi32, #tpu.memory_space<vmem>>
      %dma_wait3A_105 = tpu.memref_squeeze %dma_wait3A_104 : memref<1x128xi32, #tpu.memory_space<vmem>> -> memref<128xi32, #tpu.memory_space<vmem>>
      %dma_wait3A_106 = arith.constant 0 : i32
      %dma_wait3A_107 = tpu.memref_slice %arg3[%add3A_8, %dma_wait3A_106] : memref<128x128xi32, #tpu.memory_space<hbm>> -> memref<1x128xi32, #tpu.memory_space<hbm>>
      %dma_wait3A_108 = tpu.memref_squeeze %dma_wait3A_107 : memref<1x128xi32, #tpu.memory_space<hbm>> -> memref<128xi32, #tpu.memory_space<hbm>>
      tpu.wait_dma2 semaphore(%run_scoped3A_84 : memref<!tpu.dma_semaphore, #tpu.memory_space<semaphore_mem>>) src(%dma_wait3A_108 : memref<128xi32, #tpu.memory_space<hbm>>) dst(%dma_wait3A_105 : memref<128xi32, #tpu.memory_space<vmem>>)
      tpu.yield
    }) : () -> ()
    %dma_start3A = arith.constant 0 : i32
    %dma_start3A_9 = arith.constant 0 : i32
    %dma_start3A_10 = tpu.memref_slice %arg5[%dma_start3A, %dma_start3A_9] : memref<4x128xi32, #tpu.memory_space<vmem>> -> memref<1x128xi32, #tpu.memory_space<vmem>>
    %dma_start3A_11 = tpu.memref_squeeze %dma_start3A_10 : memref<1x128xi32, #tpu.memory_space<vmem>> -> memref<128xi32, #tpu.memory_space<vmem>>
    %dma_start3A_12 = arith.constant 0 : i32
    %dma_start3A_13 = arith.constant 0 : i32
    %dma_start3A_14 = tpu.memref_slice %arg2[%dma_start3A_12, %dma_start3A_13] : memref<25600x128xf32, #tpu.memory_space<hbm>> -> memref<25600x128xf32, #tpu.memory_space<hbm>>
    tpu.enqueue_indirect_dma source(%dma_start3A_14 : memref<25600x128xf32, #tpu.memory_space<hbm>>) target(%arg6 : memref<128x128xf32, #tpu.memory_space<vmem>>) offsets(%dma_start3A_11 : memref<128xi32, #tpu.memory_space<vmem>>) semaphore(%arg7 : memref<!tpu.dma_semaphore, #tpu.memory_space<semaphore_mem>>)
    %dma_wait3A = arith.constant 0 : i32
    %dma_wait3A_15 = arith.constant 0 : i32
    %dma_wait3A_16 = tpu.memref_slice %arg5[%dma_wait3A, %dma_wait3A_15] : memref<4x128xi32, #tpu.memory_space<vmem>> -> memref<1x128xi32, #tpu.memory_space<vmem>>
    %dma_wait3A_17 = tpu.memref_squeeze %dma_wait3A_16 : memref<1x128xi32, #tpu.memory_space<vmem>> -> memref<128xi32, #tpu.memory_space<vmem>>
    %dma_wait3A_18 = arith.constant 0 : i32
    %dma_wait3A_19 = arith.constant 0 : i32
    %dma_wait3A_20 = tpu.memref_slice %arg2[%dma_wait3A_18, %dma_wait3A_19] : memref<25600x128xf32, #tpu.memory_space<hbm>> -> memref<25600x128xf32, #tpu.memory_space<hbm>>
    tpu.wait_indirect_dma semaphore(%arg7 : memref<!tpu.dma_semaphore, #tpu.memory_space<semaphore_mem>>) src(%dma_wait3A_20 : memref<25600x128xf32, #tpu.memory_space<hbm>>) dst(%arg6 : memref<128x128xf32, #tpu.memory_space<vmem>>)
    "tpu.region"() ({
      %run_scoped3A_84 = tpu.sem_alloc : memref<!tpu.dma_semaphore, #tpu.memory_space<semaphore_mem>>
      %dma_start3A_85 = arith.constant 0 : i32
      %dma_start3A_86 = tpu.memref_slice %arg4[%add3A_4, %dma_start3A_85] : memref<16384x128xf32, #tpu.memory_space<hbm>> -> memref<128x128xf32, #tpu.memory_space<hbm>>
      %dma_start3A_87 = arith.constant 0 : i32
      %dma_start3A_88 = tpu.memref_slice %arg4[%add3A_4, %dma_start3A_87] : memref<16384x128xf32, #tpu.memory_space<hbm>> -> memref<128x128xf32, #tpu.memory_space<hbm>>
      tpu.enqueue_dma source(%arg6 : memref<128x128xf32, #tpu.memory_space<vmem>>) target(%dma_start3A_88 : memref<128x128xf32, #tpu.memory_space<hbm>>) target_semaphore(%run_scoped3A_84 : memref<!tpu.dma_semaphore, #tpu.memory_space<semaphore_mem>>)
      %dma_wait3A_89 = arith.constant 0 : i32
      %dma_wait3A_90 = tpu.memref_slice %arg4[%add3A_4, %dma_wait3A_89] : memref<16384x128xf32, #tpu.memory_space<hbm>> -> memref<128x128xf32, #tpu.memory_space<hbm>>
      %dma_wait3A_91 = arith.constant 0 : i32
      %dma_wait3A_92 = tpu.memref_slice %arg4[%add3A_4, %dma_wait3A_91] : memref<16384x128xf32, #tpu.memory_space<hbm>> -> memref<128x128xf32, #tpu.memory_space<hbm>>
      tpu.wait_dma2 semaphore(%run_scoped3A_84 : memref<!tpu.dma_semaphore, #tpu.memory_space<semaphore_mem>>) src(%arg6 : memref<128x128xf32, #tpu.memory_space<vmem>>) dst(%dma_wait3A_92 : memref<128x128xf32, #tpu.memory_space<hbm>>)
      tpu.yield
    }) : () -> ()
    %add3A_21 = arith.constant 128 : i32
    %add3A_22 = arith.addi %mul3A_2, %add3A_21 : i32
    %mul3A_23 = arith.constant 4 : i32
    %mul3A_24 = arith.muli %add3A, %mul3A_23 : i32
    %add3A_25 = arith.constant 1 : i32
    %add3A_26 = arith.addi %mul3A_24, %add3A_25 : i32
    %run_scoped3A_27 = arith.constant 1 : i32
    "tpu.region"() ({
      %run_scoped3A_84 = tpu.sem_alloc : memref<!tpu.dma_semaphore, #tpu.memory_space<semaphore_mem>>
      %dma_start3A_85 = arith.constant 0 : i32
      %dma_start3A_86 = tpu.memref_slice %arg5[%run_scoped3A_27, %dma_start3A_85] : memref<4x128xi32, #tpu.memory_space<vmem>> -> memref<1x128xi32, #tpu.memory_space<vmem>>
      %dma_start3A_87 = tpu.memref_squeeze %dma_start3A_86 : memref<1x128xi32, #tpu.memory_space<vmem>> -> memref<128xi32, #tpu.memory_space<vmem>>
      %dma_start3A_88 = arith.constant 0 : i32
      %dma_start3A_89 = tpu.memref_slice %arg3[%add3A_26, %dma_start3A_88] : memref<128x128xi32, #tpu.memory_space<hbm>> -> memref<1x128xi32, #tpu.memory_space<hbm>>
      %dma_start3A_90 = tpu.memref_squeeze %dma_start3A_89 : memref<1x128xi32, #tpu.memory_space<hbm>> -> memref<128xi32, #tpu.memory_space<hbm>>
      %dma_start3A_91 = arith.constant 0 : i32
      %dma_start3A_92 = tpu.memref_slice %arg5[%run_scoped3A_27, %dma_start3A_91] : memref<4x128xi32, #tpu.memory_space<vmem>> -> memref<1x128xi32, #tpu.memory_space<vmem>>
      %dma_start3A_93 = tpu.memref_squeeze %dma_start3A_92 : memref<1x128xi32, #tpu.memory_space<vmem>> -> memref<128xi32, #tpu.memory_space<vmem>>
      %dma_start3A_94 = arith.constant 0 : i32
      %dma_start3A_95 = tpu.memref_slice %arg3[%add3A_26, %dma_start3A_94] : memref<128x128xi32, #tpu.memory_space<hbm>> -> memref<1x128xi32, #tpu.memory_space<hbm>>
      %dma_start3A_96 = tpu.memref_squeeze %dma_start3A_95 : memref<1x128xi32, #tpu.memory_space<hbm>> -> memref<128xi32, #tpu.memory_space<hbm>>
      tpu.enqueue_dma source(%dma_start3A_96 : memref<128xi32, #tpu.memory_space<hbm>>) target(%dma_start3A_93 : memref<128xi32, #tpu.memory_space<vmem>>) target_semaphore(%run_scoped3A_84 : memref<!tpu.dma_semaphore, #tpu.memory_space<semaphore_mem>>)
      %dma_wait3A_97 = arith.constant 0 : i32
      %dma_wait3A_98 = tpu.memref_slice %arg5[%run_scoped3A_27, %dma_wait3A_97] : memref<4x128xi32, #tpu.memory_space<vmem>> -> memref<1x128xi32, #tpu.memory_space<vmem>>
      %dma_wait3A_99 = tpu.memref_squeeze %dma_wait3A_98 : memref<1x128xi32, #tpu.memory_space<vmem>> -> memref<128xi32, #tpu.memory_space<vmem>>
      %dma_wait3A_100 = arith.constant 0 : i32
      %dma_wait3A_101 = tpu.memref_slice %arg3[%add3A_26, %dma_wait3A_100] : memref<128x128xi32, #tpu.memory_space<hbm>> -> memref<1x128xi32, #tpu.memory_space<hbm>>
      %dma_wait3A_102 = tpu.memref_squeeze %dma_wait3A_101 : memref<1x128xi32, #tpu.memory_space<hbm>> -> memref<128xi32, #tpu.memory_space<hbm>>
      %dma_wait3A_103 = arith.constant 0 : i32
      %dma_wait3A_104 = tpu.memref_slice %arg5[%run_scoped3A_27, %dma_wait3A_103] : memref<4x128xi32, #tpu.memory_space<vmem>> -> memref<1x128xi32, #tpu.memory_space<vmem>>
      %dma_wait3A_105 = tpu.memref_squeeze %dma_wait3A_104 : memref<1x128xi32, #tpu.memory_space<vmem>> -> memref<128xi32, #tpu.memory_space<vmem>>
      %dma_wait3A_106 = arith.constant 0 : i32
      %dma_wait3A_107 = tpu.memref_slice %arg3[%add3A_26, %dma_wait3A_106] : memref<128x128xi32, #tpu.memory_space<hbm>> -> memref<1x128xi32, #tpu.memory_space<hbm>>
      %dma_wait3A_108 = tpu.memref_squeeze %dma_wait3A_107 : memref<1x128xi32, #tpu.memory_space<hbm>> -> memref<128xi32, #tpu.memory_space<hbm>>
      tpu.wait_dma2 semaphore(%run_scoped3A_84 : memref<!tpu.dma_semaphore, #tpu.memory_space<semaphore_mem>>) src(%dma_wait3A_108 : memref<128xi32, #tpu.memory_space<hbm>>) dst(%dma_wait3A_105 : memref<128xi32, #tpu.memory_space<vmem>>)
      tpu.yield
    }) : () -> ()
    %dma_start3A_28 = arith.constant 1 : i32
    %dma_start3A_29 = arith.constant 0 : i32
    %dma_start3A_30 = tpu.memref_slice %arg5[%dma_start3A_28, %dma_start3A_29] : memref<4x128xi32, #tpu.memory_space<vmem>> -> memref<1x128xi32, #tpu.memory_space<vmem>>
    %dma_start3A_31 = tpu.memref_squeeze %dma_start3A_30 : memref<1x128xi32, #tpu.memory_space<vmem>> -> memref<128xi32, #tpu.memory_space<vmem>>
    %dma_start3A_32 = arith.constant 0 : i32
    %dma_start3A_33 = arith.constant 0 : i32
    %dma_start3A_34 = tpu.memref_slice %arg2[%dma_start3A_32, %dma_start3A_33] : memref<25600x128xf32, #tpu.memory_space<hbm>> -> memref<25600x128xf32, #tpu.memory_space<hbm>>
    tpu.enqueue_indirect_dma source(%dma_start3A_34 : memref<25600x128xf32, #tpu.memory_space<hbm>>) target(%arg6 : memref<128x128xf32, #tpu.memory_space<vmem>>) offsets(%dma_start3A_31 : memref<128xi32, #tpu.memory_space<vmem>>) semaphore(%arg7 : memref<!tpu.dma_semaphore, #tpu.memory_space<semaphore_mem>>)
    %dma_wait3A_35 = arith.constant 1 : i32
    %dma_wait3A_36 = arith.constant 0 : i32
    %dma_wait3A_37 = tpu.memref_slice %arg5[%dma_wait3A_35, %dma_wait3A_36] : memref<4x128xi32, #tpu.memory_space<vmem>> -> memref<1x128xi32, #tpu.memory_space<vmem>>
    %dma_wait3A_38 = tpu.memref_squeeze %dma_wait3A_37 : memref<1x128xi32, #tpu.memory_space<vmem>> -> memref<128xi32, #tpu.memory_space<vmem>>
    %dma_wait3A_39 = arith.constant 0 : i32
    %dma_wait3A_40 = arith.constant 0 : i32
    %dma_wait3A_41 = tpu.memref_slice %arg2[%dma_wait3A_39, %dma_wait3A_40] : memref<25600x128xf32, #tpu.memory_space<hbm>> -> memref<25600x128xf32, #tpu.memory_space<hbm>>
    tpu.wait_indirect_dma semaphore(%arg7 : memref<!tpu.dma_semaphore, #tpu.memory_space<semaphore_mem>>) src(%dma_wait3A_41 : memref<25600x128xf32, #tpu.memory_space<hbm>>) dst(%arg6 : memref<128x128xf32, #tpu.memory_space<vmem>>)
    "tpu.region"() ({
      %run_scoped3A_84 = tpu.sem_alloc : memref<!tpu.dma_semaphore, #tpu.memory_space<semaphore_mem>>
      %dma_start3A_85 = arith.constant 0 : i32
      %dma_start3A_86 = tpu.memref_slice %arg4[%add3A_22, %dma_start3A_85] : memref<16384x128xf32, #tpu.memory_space<hbm>> -> memref<128x128xf32, #tpu.memory_space<hbm>>
      %dma_start3A_87 = arith.constant 0 : i32
      %dma_start3A_88 = tpu.memref_slice %arg4[%add3A_22, %dma_start3A_87] : memref<16384x128xf32, #tpu.memory_space<hbm>> -> memref<128x128xf32, #tpu.memory_space<hbm>>
      tpu.enqueue_dma source(%arg6 : memref<128x128xf32, #tpu.memory_space<vmem>>) target(%dma_start3A_88 : memref<128x128xf32, #tpu.memory_space<hbm>>) target_semaphore(%run_scoped3A_84 : memref<!tpu.dma_semaphore, #tpu.memory_space<semaphore_mem>>)
      %dma_wait3A_89 = arith.constant 0 : i32
      %dma_wait3A_90 = tpu.memref_slice %arg4[%add3A_22, %dma_wait3A_89] : memref<16384x128xf32, #tpu.memory_space<hbm>> -> memref<128x128xf32, #tpu.memory_space<hbm>>
      %dma_wait3A_91 = arith.constant 0 : i32
      %dma_wait3A_92 = tpu.memref_slice %arg4[%add3A_22, %dma_wait3A_91] : memref<16384x128xf32, #tpu.memory_space<hbm>> -> memref<128x128xf32, #tpu.memory_space<hbm>>
      tpu.wait_dma2 semaphore(%run_scoped3A_84 : memref<!tpu.dma_semaphore, #tpu.memory_space<semaphore_mem>>) src(%arg6 : memref<128x128xf32, #tpu.memory_space<vmem>>) dst(%dma_wait3A_92 : memref<128x128xf32, #tpu.memory_space<hbm>>)
      tpu.yield
    }) : () -> ()
    %add3A_42 = arith.constant 256 : i32
    %add3A_43 = arith.addi %mul3A_2, %add3A_42 : i32
    %mul3A_44 = arith.constant 4 : i32
    %mul3A_45 = arith.muli %add3A, %mul3A_44 : i32
    %add3A_46 = arith.constant 2 : i32
    %add3A_47 = arith.addi %mul3A_45, %add3A_46 : i32
    %run_scoped3A_48 = arith.constant 2 : i32
    "tpu.region"() ({
      %run_scoped3A_84 = tpu.sem_alloc : memref<!tpu.dma_semaphore, #tpu.memory_space<semaphore_mem>>
      %dma_start3A_85 = arith.constant 0 : i32
      %dma_start3A_86 = tpu.memref_slice %arg5[%run_scoped3A_48, %dma_start3A_85] : memref<4x128xi32, #tpu.memory_space<vmem>> -> memref<1x128xi32, #tpu.memory_space<vmem>>
      %dma_start3A_87 = tpu.memref_squeeze %dma_start3A_86 : memref<1x128xi32, #tpu.memory_space<vmem>> -> memref<128xi32, #tpu.memory_space<vmem>>
      %dma_start3A_88 = arith.constant 0 : i32
      %dma_start3A_89 = tpu.memref_slice %arg3[%add3A_47, %dma_start3A_88] : memref<128x128xi32, #tpu.memory_space<hbm>> -> memref<1x128xi32, #tpu.memory_space<hbm>>
      %dma_start3A_90 = tpu.memref_squeeze %dma_start3A_89 : memref<1x128xi32, #tpu.memory_space<hbm>> -> memref<128xi32, #tpu.memory_space<hbm>>
      %dma_start3A_91 = arith.constant 0 : i32
      %dma_start3A_92 = tpu.memref_slice %arg5[%run_scoped3A_48, %dma_start3A_91] : memref<4x128xi32, #tpu.memory_space<vmem>> -> memref<1x128xi32, #tpu.memory_space<vmem>>
      %dma_start3A_93 = tpu.memref_squeeze %dma_start3A_92 : memref<1x128xi32, #tpu.memory_space<vmem>> -> memref<128xi32, #tpu.memory_space<vmem>>
      %dma_start3A_94 = arith.constant 0 : i32
      %dma_start3A_95 = tpu.memref_slice %arg3[%add3A_47, %dma_start3A_94] : memref<128x128xi32, #tpu.memory_space<hbm>> -> memref<1x128xi32, #tpu.memory_space<hbm>>
      %dma_start3A_96 = tpu.memref_squeeze %dma_start3A_95 : memref<1x128xi32, #tpu.memory_space<hbm>> -> memref<128xi32, #tpu.memory_space<hbm>>
      tpu.enqueue_dma source(%dma_start3A_96 : memref<128xi32, #tpu.memory_space<hbm>>) target(%dma_start3A_93 : memref<128xi32, #tpu.memory_space<vmem>>) target_semaphore(%run_scoped3A_84 : memref<!tpu.dma_semaphore, #tpu.memory_space<semaphore_mem>>)
      %dma_wait3A_97 = arith.constant 0 : i32
      %dma_wait3A_98 = tpu.memref_slice %arg5[%run_scoped3A_48, %dma_wait3A_97] : memref<4x128xi32, #tpu.memory_space<vmem>> -> memref<1x128xi32, #tpu.memory_space<vmem>>
      %dma_wait3A_99 = tpu.memref_squeeze %dma_wait3A_98 : memref<1x128xi32, #tpu.memory_space<vmem>> -> memref<128xi32, #tpu.memory_space<vmem>>
      %dma_wait3A_100 = arith.constant 0 : i32
      %dma_wait3A_101 = tpu.memref_slice %arg3[%add3A_47, %dma_wait3A_100] : memref<128x128xi32, #tpu.memory_space<hbm>> -> memref<1x128xi32, #tpu.memory_space<hbm>>
      %dma_wait3A_102 = tpu.memref_squeeze %dma_wait3A_101 : memref<1x128xi32, #tpu.memory_space<hbm>> -> memref<128xi32, #tpu.memory_space<hbm>>
      %dma_wait3A_103 = arith.constant 0 : i32
      %dma_wait3A_104 = tpu.memref_slice %arg5[%run_scoped3A_48, %dma_wait3A_103] : memref<4x128xi32, #tpu.memory_space<vmem>> -> memref<1x128xi32, #tpu.memory_space<vmem>>
      %dma_wait3A_105 = tpu.memref_squeeze %dma_wait3A_104 : memref<1x128xi32, #tpu.memory_space<vmem>> -> memref<128xi32, #tpu.memory_space<vmem>>
      %dma_wait3A_106 = arith.constant 0 : i32
      %dma_wait3A_107 = tpu.memref_slice %arg3[%add3A_47, %dma_wait3A_106] : memref<128x128xi32, #tpu.memory_space<hbm>> -> memref<1x128xi32, #tpu.memory_space<hbm>>
      %dma_wait3A_108 = tpu.memref_squeeze %dma_wait3A_107 : memref<1x128xi32, #tpu.memory_space<hbm>> -> memref<128xi32, #tpu.memory_space<hbm>>
      tpu.wait_dma2 semaphore(%run_scoped3A_84 : memref<!tpu.dma_semaphore, #tpu.memory_space<semaphore_mem>>) src(%dma_wait3A_108 : memref<128xi32, #tpu.memory_space<hbm>>) dst(%dma_wait3A_105 : memref<128xi32, #tpu.memory_space<vmem>>)
      tpu.yield
    }) : () -> ()
    %dma_start3A_49 = arith.constant 2 : i32
    %dma_start3A_50 = arith.constant 0 : i32
    %dma_start3A_51 = tpu.memref_slice %arg5[%dma_start3A_49, %dma_start3A_50] : memref<4x128xi32, #tpu.memory_space<vmem>> -> memref<1x128xi32, #tpu.memory_space<vmem>>
    %dma_start3A_52 = tpu.memref_squeeze %dma_start3A_51 : memref<1x128xi32, #tpu.memory_space<vmem>> -> memref<128xi32, #tpu.memory_space<vmem>>
    %dma_start3A_53 = arith.constant 0 : i32
    %dma_start3A_54 = arith.constant 0 : i32
    %dma_start3A_55 = tpu.memref_slice %arg2[%dma_start3A_53, %dma_start3A_54] : memref<25600x128xf32, #tpu.memory_space<hbm>> -> memref<25600x128xf32, #tpu.memory_space<hbm>>
    tpu.enqueue_indirect_dma source(%dma_start3A_55 : memref<25600x128xf32, #tpu.memory_space<hbm>>) target(%arg6 : memref<128x128xf32, #tpu.memory_space<vmem>>) offsets(%dma_start3A_52 : memref<128xi32, #tpu.memory_space<vmem>>) semaphore(%arg7 : memref<!tpu.dma_semaphore, #tpu.memory_space<semaphore_mem>>)
    %dma_wait3A_56 = arith.constant 2 : i32
    %dma_wait3A_57 = arith.constant 0 : i32
    %dma_wait3A_58 = tpu.memref_slice %arg5[%dma_wait3A_56, %dma_wait3A_57] : memref<4x128xi32, #tpu.memory_space<vmem>> -> memref<1x128xi32, #tpu.memory_space<vmem>>
    %dma_wait3A_59 = tpu.memref_squeeze %dma_wait3A_58 : memref<1x128xi32, #tpu.memory_space<vmem>> -> memref<128xi32, #tpu.memory_space<vmem>>
    %dma_wait3A_60 = arith.constant 0 : i32
    %dma_wait3A_61 = arith.constant 0 : i32
    %dma_wait3A_62 = tpu.memref_slice %arg2[%dma_wait3A_60, %dma_wait3A_61] : memref<25600x128xf32, #tpu.memory_space<hbm>> -> memref<25600x128xf32, #tpu.memory_space<hbm>>
    tpu.wait_indirect_dma semaphore(%arg7 : memref<!tpu.dma_semaphore, #tpu.memory_space<semaphore_mem>>) src(%dma_wait3A_62 : memref<25600x128xf32, #tpu.memory_space<hbm>>) dst(%arg6 : memref<128x128xf32, #tpu.memory_space<vmem>>)
    "tpu.region"() ({
      %run_scoped3A_84 = tpu.sem_alloc : memref<!tpu.dma_semaphore, #tpu.memory_space<semaphore_mem>>
      %dma_start3A_85 = arith.constant 0 : i32
      %dma_start3A_86 = tpu.memref_slice %arg4[%add3A_43, %dma_start3A_85] : memref<16384x128xf32, #tpu.memory_space<hbm>> -> memref<128x128xf32, #tpu.memory_space<hbm>>
      %dma_start3A_87 = arith.constant 0 : i32
      %dma_start3A_88 = tpu.memref_slice %arg4[%add3A_43, %dma_start3A_87] : memref<16384x128xf32, #tpu.memory_space<hbm>> -> memref<128x128xf32, #tpu.memory_space<hbm>>
      tpu.enqueue_dma source(%arg6 : memref<128x128xf32, #tpu.memory_space<vmem>>) target(%dma_start3A_88 : memref<128x128xf32, #tpu.memory_space<hbm>>) target_semaphore(%run_scoped3A_84 : memref<!tpu.dma_semaphore, #tpu.memory_space<semaphore_mem>>)
      %dma_wait3A_89 = arith.constant 0 : i32
      %dma_wait3A_90 = tpu.memref_slice %arg4[%add3A_43, %dma_wait3A_89] : memref<16384x128xf32, #tpu.memory_space<hbm>> -> memref<128x128xf32, #tpu.memory_space<hbm>>
      %dma_wait3A_91 = arith.constant 0 : i32
      %dma_wait3A_92 = tpu.memref_slice %arg4[%add3A_43, %dma_wait3A_91] : memref<16384x128xf32, #tpu.memory_space<hbm>> -> memref<128x128xf32, #tpu.memory_space<hbm>>
      tpu.wait_dma2 semaphore(%run_scoped3A_84 : memref<!tpu.dma_semaphore, #tpu.memory_space<semaphore_mem>>) src(%arg6 : memref<128x128xf32, #tpu.memory_space<vmem>>) dst(%dma_wait3A_92 : memref<128x128xf32, #tpu.memory_space<hbm>>)
      tpu.yield
    }) : () -> ()
    %add3A_63 = arith.constant 384 : i32
    %add3A_64 = arith.addi %mul3A_2, %add3A_63 : i32
    %mul3A_65 = arith.constant 4 : i32
    %mul3A_66 = arith.muli %add3A, %mul3A_65 : i32
    %add3A_67 = arith.constant 3 : i32
    %add3A_68 = arith.addi %mul3A_66, %add3A_67 : i32
    %run_scoped3A_69 = arith.constant 3 : i32
    "tpu.region"() ({
      %run_scoped3A_84 = tpu.sem_alloc : memref<!tpu.dma_semaphore, #tpu.memory_space<semaphore_mem>>
      %dma_start3A_85 = arith.constant 0 : i32
      %dma_start3A_86 = tpu.memref_slice %arg5[%run_scoped3A_69, %dma_start3A_85] : memref<4x128xi32, #tpu.memory_space<vmem>> -> memref<1x128xi32, #tpu.memory_space<vmem>>
      %dma_start3A_87 = tpu.memref_squeeze %dma_start3A_86 : memref<1x128xi32, #tpu.memory_space<vmem>> -> memref<128xi32, #tpu.memory_space<vmem>>
      %dma_start3A_88 = arith.constant 0 : i32
      %dma_start3A_89 = tpu.memref_slice %arg3[%add3A_68, %dma_start3A_88] : memref<128x128xi32, #tpu.memory_space<hbm>> -> memref<1x128xi32, #tpu.memory_space<hbm>>
      %dma_start3A_90 = tpu.memref_squeeze %dma_start3A_89 : memref<1x128xi32, #tpu.memory_space<hbm>> -> memref<128xi32, #tpu.memory_space<hbm>>
      %dma_start3A_91 = arith.constant 0 : i32
      %dma_start3A_92 = tpu.memref_slice %arg5[%run_scoped3A_69, %dma_start3A_91] : memref<4x128xi32, #tpu.memory_space<vmem>> -> memref<1x128xi32, #tpu.memory_space<vmem>>
      %dma_start3A_93 = tpu.memref_squeeze %dma_start3A_92 : memref<1x128xi32, #tpu.memory_space<vmem>> -> memref<128xi32, #tpu.memory_space<vmem>>
      %dma_start3A_94 = arith.constant 0 : i32
      %dma_start3A_95 = tpu.memref_slice %arg3[%add3A_68, %dma_start3A_94] : memref<128x128xi32, #tpu.memory_space<hbm>> -> memref<1x128xi32, #tpu.memory_space<hbm>>
      %dma_start3A_96 = tpu.memref_squeeze %dma_start3A_95 : memref<1x128xi32, #tpu.memory_space<hbm>> -> memref<128xi32, #tpu.memory_space<hbm>>
      tpu.enqueue_dma source(%dma_start3A_96 : memref<128xi32, #tpu.memory_space<hbm>>) target(%dma_start3A_93 : memref<128xi32, #tpu.memory_space<vmem>>) target_semaphore(%run_scoped3A_84 : memref<!tpu.dma_semaphore, #tpu.memory_space<semaphore_mem>>)
      %dma_wait3A_97 = arith.constant 0 : i32
      %dma_wait3A_98 = tpu.memref_slice %arg5[%run_scoped3A_69, %dma_wait3A_97] : memref<4x128xi32, #tpu.memory_space<vmem>> -> memref<1x128xi32, #tpu.memory_space<vmem>>
      %dma_wait3A_99 = tpu.memref_squeeze %dma_wait3A_98 : memref<1x128xi32, #tpu.memory_space<vmem>> -> memref<128xi32, #tpu.memory_space<vmem>>
      %dma_wait3A_100 = arith.constant 0 : i32
      %dma_wait3A_101 = tpu.memref_slice %arg3[%add3A_68, %dma_wait3A_100] : memref<128x128xi32, #tpu.memory_space<hbm>> -> memref<1x128xi32, #tpu.memory_space<hbm>>
      %dma_wait3A_102 = tpu.memref_squeeze %dma_wait3A_101 : memref<1x128xi32, #tpu.memory_space<hbm>> -> memref<128xi32, #tpu.memory_space<hbm>>
      %dma_wait3A_103 = arith.constant 0 : i32
      %dma_wait3A_104 = tpu.memref_slice %arg5[%run_scoped3A_69, %dma_wait3A_103] : memref<4x128xi32, #tpu.memory_space<vmem>> -> memref<1x128xi32, #tpu.memory_space<vmem>>
      %dma_wait3A_105 = tpu.memref_squeeze %dma_wait3A_104 : memref<1x128xi32, #tpu.memory_space<vmem>> -> memref<128xi32, #tpu.memory_space<vmem>>
      %dma_wait3A_106 = arith.constant 0 : i32
      %dma_wait3A_107 = tpu.memref_slice %arg3[%add3A_68, %dma_wait3A_106] : memref<128x128xi32, #tpu.memory_space<hbm>> -> memref<1x128xi32, #tpu.memory_space<hbm>>
      %dma_wait3A_108 = tpu.memref_squeeze %dma_wait3A_107 : memref<1x128xi32, #tpu.memory_space<hbm>> -> memref<128xi32, #tpu.memory_space<hbm>>
      tpu.wait_dma2 semaphore(%run_scoped3A_84 : memref<!tpu.dma_semaphore, #tpu.memory_space<semaphore_mem>>) src(%dma_wait3A_108 : memref<128xi32, #tpu.memory_space<hbm>>) dst(%dma_wait3A_105 : memref<128xi32, #tpu.memory_space<vmem>>)
      tpu.yield
    }) : () -> ()
    %dma_start3A_70 = arith.constant 3 : i32
    %dma_start3A_71 = arith.constant 0 : i32
    %dma_start3A_72 = tpu.memref_slice %arg5[%dma_start3A_70, %dma_start3A_71] : memref<4x128xi32, #tpu.memory_space<vmem>> -> memref<1x128xi32, #tpu.memory_space<vmem>>
    %dma_start3A_73 = tpu.memref_squeeze %dma_start3A_72 : memref<1x128xi32, #tpu.memory_space<vmem>> -> memref<128xi32, #tpu.memory_space<vmem>>
    %dma_start3A_74 = arith.constant 0 : i32
    %dma_start3A_75 = arith.constant 0 : i32
    %dma_start3A_76 = tpu.memref_slice %arg2[%dma_start3A_74, %dma_start3A_75] : memref<25600x128xf32, #tpu.memory_space<hbm>> -> memref<25600x128xf32, #tpu.memory_space<hbm>>
    tpu.enqueue_indirect_dma source(%dma_start3A_76 : memref<25600x128xf32, #tpu.memory_space<hbm>>) target(%arg6 : memref<128x128xf32, #tpu.memory_space<vmem>>) offsets(%dma_start3A_73 : memref<128xi32, #tpu.memory_space<vmem>>) semaphore(%arg7 : memref<!tpu.dma_semaphore, #tpu.memory_space<semaphore_mem>>)
    %dma_wait3A_77 = arith.constant 3 : i32
    %dma_wait3A_78 = arith.constant 0 : i32
    %dma_wait3A_79 = tpu.memref_slice %arg5[%dma_wait3A_77, %dma_wait3A_78] : memref<4x128xi32, #tpu.memory_space<vmem>> -> memref<1x128xi32, #tpu.memory_space<vmem>>
    %dma_wait3A_80 = tpu.memref_squeeze %dma_wait3A_79 : memref<1x128xi32, #tpu.memory_space<vmem>> -> memref<128xi32, #tpu.memory_space<vmem>>
    %dma_wait3A_81 = arith.constant 0 : i32
    %dma_wait3A_82 = arith.constant 0 : i32
    %dma_wait3A_83 = tpu.memref_slice %arg2[%dma_wait3A_81, %dma_wait3A_82] : memref<25600x128xf32, #tpu.memory_space<hbm>> -> memref<25600x128xf32, #tpu.memory_space<hbm>>
    tpu.wait_indirect_dma semaphore(%arg7 : memref<!tpu.dma_semaphore, #tpu.memory_space<semaphore_mem>>) src(%dma_wait3A_83 : memref<25600x128xf32, #tpu.memory_space<hbm>>) dst(%arg6 : memref<128x128xf32, #tpu.memory_space<vmem>>)
    "tpu.region"() ({
      %run_scoped3A_84 = tpu.sem_alloc : memref<!tpu.dma_semaphore, #tpu.memory_space<semaphore_mem>>
      %dma_start3A_85 = arith.constant 0 : i32
      %dma_start3A_86 = tpu.memref_slice %arg4[%add3A_64, %dma_start3A_85] : memref<16384x128xf32, #tpu.memory_space<hbm>> -> memref<128x128xf32, #tpu.memory_space<hbm>>
      %dma_start3A_87 = arith.constant 0 : i32
      %dma_start3A_88 = tpu.memref_slice %arg4[%add3A_64, %dma_start3A_87] : memref<16384x128xf32, #tpu.memory_space<hbm>> -> memref<128x128xf32, #tpu.memory_space<hbm>>
      tpu.enqueue_dma source(%arg6 : memref<128x128xf32, #tpu.memory_space<vmem>>) target(%dma_start3A_88 : memref<128x128xf32, #tpu.memory_space<hbm>>) target_semaphore(%run_scoped3A_84 : memref<!tpu.dma_semaphore, #tpu.memory_space<semaphore_mem>>)
      %dma_wait3A_89 = arith.constant 0 : i32
      %dma_wait3A_90 = tpu.memref_slice %arg4[%add3A_64, %dma_wait3A_89] : memref<16384x128xf32, #tpu.memory_space<hbm>> -> memref<128x128xf32, #tpu.memory_space<hbm>>
      %dma_wait3A_91 = arith.constant 0 : i32
      %dma_wait3A_92 = tpu.memref_slice %arg4[%add3A_64, %dma_wait3A_91] : memref<16384x128xf32, #tpu.memory_space<hbm>> -> memref<128x128xf32, #tpu.memory_space<hbm>>
      tpu.wait_dma2 semaphore(%run_scoped3A_84 : memref<!tpu.dma_semaphore, #tpu.memory_space<semaphore_mem>>) src(%arg6 : memref<128x128xf32, #tpu.memory_space<vmem>>) dst(%dma_wait3A_92 : memref<128x128xf32, #tpu.memory_space<hbm>>)
      tpu.yield
    }) : () -> ()
    return
  }
}

module attributes {stable_mosaic.version = 14 : i64} {
  func.func @_meta_body(%arg0: memref<128x8192xf32, #tpu.memory_space<vmem>>, %arg1: memref<8192x128xbf16, #tpu.memory_space<vmem>>, %arg2: memref<16384x64xf32, #tpu.memory_space<vmem>>, %arg3: memref<128x128xi32, #tpu.memory_space<vmem>>, %arg4: memref<128x1xi32, #tpu.memory_space<vmem>>, %arg5: memref<16384x128xf32, #tpu.memory_space<vmem>>) attributes {dimension_semantics = [], scalar_prefetch = 0 : i64, scratch_operands = 0 : i64, tpu.core_type = #tpu.core_type<tc>} {
    %scan3A = arith.constant 0 : i32
    %scan3A_0 = arith.constant 64 : i32
    %scan3A_1 = arith.addi %scan3A, %scan3A_0 : i32
    %scan3A_2 = arith.constant 1 : i32
    scf.for %scan3A_433 = %scan3A to %scan3A_1 step %scan3A_2  : i32 {
      %mul3A_434 = arith.constant 256 : i32
      %mul3A_435 = arith.muli %scan3A_433, %mul3A_434 : i32
      %get3A_436 = arith.index_cast %mul3A_435 : i32 to index
      %get3A_437 = arith.constant 0 : index
      %get3A_438 = vector.load %arg2[%get3A_436, %get3A_437] : memref<16384x64xf32, #tpu.memory_space<vmem>>, vector<256x64xf32>
      %broadcast_in_dim3A_439 = arith.constant 0.000000e+00 : f32
      %broadcast_in_dim3A_440 = vector.broadcast %broadcast_in_dim3A_439 : f32 to vector<256x64xf32>
      %concatenate3A = tpu.concatenate %get3A_438, %broadcast_in_dim3A_440 in 1 : vector<256x64xf32>, vector<256x64xf32> -> vector<256x128xf32>
      %mul3A_441 = arith.constant 256 : i32
      %mul3A_442 = arith.muli %scan3A_433, %mul3A_441 : i32
      %swap3A_443 = arith.index_cast %mul3A_442 : i32 to index
      %swap3A_444 = arith.constant 0 : index
      %swap3A_445 = vector.load %arg5[%swap3A_443, %swap3A_444] : memref<16384x128xf32, #tpu.memory_space<vmem>>, vector<256x128xf32>
      tpu.vector_store %arg5[%swap3A_443, %swap3A_444], %concatenate3A {strides = array<i32>} : memref<16384x128xf32, #tpu.memory_space<vmem>>, vector<256x128xf32>,
    }
    %scan3A_3 = arith.constant 64 : i32
    %get3A = arith.constant 0 : index
    %get3A_4 = arith.constant 0 : index
    %get3A_5 = vector.load %arg0[%get3A, %get3A_4] : memref<128x8192xf32, #tpu.memory_space<vmem>>, vector<128x8192xf32>
    %convert_element_type3A = arith.truncf %get3A_5 : vector<128x8192xf32> to vector<128x8192xbf16>
    %get3A_6 = arith.constant 0 : index
    %get3A_7 = arith.constant 0 : index
    %get3A_8 = vector.load %arg1[%get3A_6, %get3A_7] : memref<8192x128xbf16, #tpu.memory_space<vmem>>, vector<8192x128xbf16>
    %dot_general3A = arith.constant dense<0.000000e+00> : vector<128x128xf32>
    %dot_general3A_9 = tpu.matmul %convert_element_type3A, %get3A_8, %dot_general3A {dimension_numbers = #tpu.dot_dimension_numbers<[1], [0], [0], [1], [0, 0, 1, 1], [], []>, transpose_lhs_hint = false} : vector<128x8192xbf16>, vector<8192x128xbf16>, vector<128x128xf32> -> vector<128x128xf32>
    %bitcast_convert_type3A = tpu.bitcast %dot_general3A_9 : vector<128x128xf32> -> vector<128x128xi32>
    %shift_right_logical3A = arith.constant 23 : i32
    %shift_right_logical3A_10 = vector.broadcast %shift_right_logical3A : i32 to vector<128x128xi32>
    %shift_right_logical3A_11 = arith.shrui %bitcast_convert_type3A, %shift_right_logical3A_10 : vector<128x128xi32>
    %sub3A = arith.constant 127 : i32
    %sub3A_12 = vector.broadcast %sub3A : i32 to vector<128x128xi32>
    %sub3A_13 = arith.subi %shift_right_logical3A_11, %sub3A_12 : vector<128x128xi32>
    %eq3A = arith.constant 0.000000e+00 : f32
    %eq3A_14 = vector.broadcast %eq3A : f32 to vector<128x128xf32>
    %eq3A_15 = arith.cmpf oeq, %dot_general3A_9, %eq3A_14 : vector<128x128xf32>
    %jit3A = arith.constant 8 : i32
    %broadcast_in_dim3A = vector.broadcast %jit3A : i32 to vector<128x128xi32>
    %select_n3A = arith.select %eq3A_15, %broadcast_in_dim3A, %sub3A_13 : vector<128x128xi1>, vector<128x128xi32>
    %eq3A_16 = arith.constant 0 : i32
    %eq3A_17 = vector.broadcast %eq3A_16 : i32 to vector<128x128xi32>
    %eq3A_18 = arith.cmpi eq, %select_n3A, %eq3A_17 : vector<128x128xi32>
    %convert_element_type3A_19 = arith.extui %eq3A_18 : vector<128x128xi1> to vector<128x128xi32>
    %convert_element_type3A_20 = arith.sitofp %convert_element_type3A_19 : vector<128x128xi32> to vector<128x128xf32>
    %reduce_sum3A = vector.shape_cast %convert_element_type3A_20 : vector<128x128xf32> to vector<1x128x128xf32>
    %reduce_sum3A_21 = arith.constant dense<0.000000e+00> : vector<1xf32>
    %reduce_sum3A_22 = vector.multi_reduction <add>, %reduce_sum3A, %reduce_sum3A_21 [1, 2] : vector<1x128x128xf32> to vector<1xf32>
    %reduce_sum3A_23 = vector.shape_cast %reduce_sum3A_22 : vector<1xf32> to vector<1x1x1xf32>
    %reduce_sum3A_24 = vector.extract %reduce_sum3A_23[0, 0, 0] : f32 from vector<1x1x1xf32>
    %eq3A_25 = arith.constant 1 : i32
    %eq3A_26 = vector.broadcast %eq3A_25 : i32 to vector<128x128xi32>
    %eq3A_27 = arith.cmpi eq, %select_n3A, %eq3A_26 : vector<128x128xi32>
    %convert_element_type3A_28 = arith.extui %eq3A_27 : vector<128x128xi1> to vector<128x128xi32>
    %convert_element_type3A_29 = arith.sitofp %convert_element_type3A_28 : vector<128x128xi32> to vector<128x128xf32>
    %reduce_sum3A_30 = vector.shape_cast %convert_element_type3A_29 : vector<128x128xf32> to vector<1x128x128xf32>
    %reduce_sum3A_31 = arith.constant dense<0.000000e+00> : vector<1xf32>
    %reduce_sum3A_32 = vector.multi_reduction <add>, %reduce_sum3A_30, %reduce_sum3A_31 [1, 2] : vector<1x128x128xf32> to vector<1xf32>
    %reduce_sum3A_33 = vector.shape_cast %reduce_sum3A_32 : vector<1xf32> to vector<1x1x1xf32>
    %reduce_sum3A_34 = vector.extract %reduce_sum3A_33[0, 0, 0] : f32 from vector<1x1x1xf32>
    %eq3A_35 = arith.constant 2 : i32
    %eq3A_36 = vector.broadcast %eq3A_35 : i32 to vector<128x128xi32>
    %eq3A_37 = arith.cmpi eq, %select_n3A, %eq3A_36 : vector<128x128xi32>
    %convert_element_type3A_38 = arith.extui %eq3A_37 : vector<128x128xi1> to vector<128x128xi32>
    %convert_element_type3A_39 = arith.sitofp %convert_element_type3A_38 : vector<128x128xi32> to vector<128x128xf32>
    %reduce_sum3A_40 = vector.shape_cast %convert_element_type3A_39 : vector<128x128xf32> to vector<1x128x128xf32>
    %reduce_sum3A_41 = arith.constant dense<0.000000e+00> : vector<1xf32>
    %reduce_sum3A_42 = vector.multi_reduction <add>, %reduce_sum3A_40, %reduce_sum3A_41 [1, 2] : vector<1x128x128xf32> to vector<1xf32>
    %reduce_sum3A_43 = vector.shape_cast %reduce_sum3A_42 : vector<1xf32> to vector<1x1x1xf32>
    %reduce_sum3A_44 = vector.extract %reduce_sum3A_43[0, 0, 0] : f32 from vector<1x1x1xf32>
    %eq3A_45 = arith.constant 3 : i32
    %eq3A_46 = vector.broadcast %eq3A_45 : i32 to vector<128x128xi32>
    %eq3A_47 = arith.cmpi eq, %select_n3A, %eq3A_46 : vector<128x128xi32>
    %convert_element_type3A_48 = arith.extui %eq3A_47 : vector<128x128xi1> to vector<128x128xi32>
    %convert_element_type3A_49 = arith.sitofp %convert_element_type3A_48 : vector<128x128xi32> to vector<128x128xf32>
    %reduce_sum3A_50 = vector.shape_cast %convert_element_type3A_49 : vector<128x128xf32> to vector<1x128x128xf32>
    %reduce_sum3A_51 = arith.constant dense<0.000000e+00> : vector<1xf32>
    %reduce_sum3A_52 = vector.multi_reduction <add>, %reduce_sum3A_50, %reduce_sum3A_51 [1, 2] : vector<1x128x128xf32> to vector<1xf32>
    %reduce_sum3A_53 = vector.shape_cast %reduce_sum3A_52 : vector<1xf32> to vector<1x1x1xf32>
    %reduce_sum3A_54 = vector.extract %reduce_sum3A_53[0, 0, 0] : f32 from vector<1x1x1xf32>
    %eq3A_55 = arith.constant 4 : i32
    %eq3A_56 = vector.broadcast %eq3A_55 : i32 to vector<128x128xi32>
    %eq3A_57 = arith.cmpi eq, %select_n3A, %eq3A_56 : vector<128x128xi32>
    %convert_element_type3A_58 = arith.extui %eq3A_57 : vector<128x128xi1> to vector<128x128xi32>
    %convert_element_type3A_59 = arith.sitofp %convert_element_type3A_58 : vector<128x128xi32> to vector<128x128xf32>
    %reduce_sum3A_60 = vector.shape_cast %convert_element_type3A_59 : vector<128x128xf32> to vector<1x128x128xf32>
    %reduce_sum3A_61 = arith.constant dense<0.000000e+00> : vector<1xf32>
    %reduce_sum3A_62 = vector.multi_reduction <add>, %reduce_sum3A_60, %reduce_sum3A_61 [1, 2] : vector<1x128x128xf32> to vector<1xf32>
    %reduce_sum3A_63 = vector.shape_cast %reduce_sum3A_62 : vector<1xf32> to vector<1x1x1xf32>
    %reduce_sum3A_64 = vector.extract %reduce_sum3A_63[0, 0, 0] : f32 from vector<1x1x1xf32>
    %eq3A_65 = arith.constant 5 : i32
    %eq3A_66 = vector.broadcast %eq3A_65 : i32 to vector<128x128xi32>
    %eq3A_67 = arith.cmpi eq, %select_n3A, %eq3A_66 : vector<128x128xi32>
    %convert_element_type3A_68 = arith.extui %eq3A_67 : vector<128x128xi1> to vector<128x128xi32>
    %convert_element_type3A_69 = arith.sitofp %convert_element_type3A_68 : vector<128x128xi32> to vector<128x128xf32>
    %reduce_sum3A_70 = vector.shape_cast %convert_element_type3A_69 : vector<128x128xf32> to vector<1x128x128xf32>
    %reduce_sum3A_71 = arith.constant dense<0.000000e+00> : vector<1xf32>
    %reduce_sum3A_72 = vector.multi_reduction <add>, %reduce_sum3A_70, %reduce_sum3A_71 [1, 2] : vector<1x128x128xf32> to vector<1xf32>
    %reduce_sum3A_73 = vector.shape_cast %reduce_sum3A_72 : vector<1xf32> to vector<1x1x1xf32>
    %reduce_sum3A_74 = vector.extract %reduce_sum3A_73[0, 0, 0] : f32 from vector<1x1x1xf32>
    %eq3A_75 = arith.constant 6 : i32
    %eq3A_76 = vector.broadcast %eq3A_75 : i32 to vector<128x128xi32>
    %eq3A_77 = arith.cmpi eq, %select_n3A, %eq3A_76 : vector<128x128xi32>
    %convert_element_type3A_78 = arith.extui %eq3A_77 : vector<128x128xi1> to vector<128x128xi32>
    %convert_element_type3A_79 = arith.sitofp %convert_element_type3A_78 : vector<128x128xi32> to vector<128x128xf32>
    %reduce_sum3A_80 = vector.shape_cast %convert_element_type3A_79 : vector<128x128xf32> to vector<1x128x128xf32>
    %reduce_sum3A_81 = arith.constant dense<0.000000e+00> : vector<1xf32>
    %reduce_sum3A_82 = vector.multi_reduction <add>, %reduce_sum3A_80, %reduce_sum3A_81 [1, 2] : vector<1x128x128xf32> to vector<1xf32>
    %reduce_sum3A_83 = vector.shape_cast %reduce_sum3A_82 : vector<1xf32> to vector<1x1x1xf32>
    %reduce_sum3A_84 = vector.extract %reduce_sum3A_83[0, 0, 0] : f32 from vector<1x1x1xf32>
    %eq3A_85 = arith.constant 7 : i32
    %eq3A_86 = vector.broadcast %eq3A_85 : i32 to vector<128x128xi32>
    %eq3A_87 = arith.cmpi eq, %select_n3A, %eq3A_86 : vector<128x128xi32>
    %convert_element_type3A_88 = arith.extui %eq3A_87 : vector<128x128xi1> to vector<128x128xi32>
    %convert_element_type3A_89 = arith.sitofp %convert_element_type3A_88 : vector<128x128xi32> to vector<128x128xf32>
    %reduce_sum3A_90 = vector.shape_cast %convert_element_type3A_89 : vector<128x128xf32> to vector<1x128x128xf32>
    %reduce_sum3A_91 = arith.constant dense<0.000000e+00> : vector<1xf32>
    %reduce_sum3A_92 = vector.multi_reduction <add>, %reduce_sum3A_90, %reduce_sum3A_91 [1, 2] : vector<1x128x128xf32> to vector<1xf32>
    %reduce_sum3A_93 = vector.shape_cast %reduce_sum3A_92 : vector<1xf32> to vector<1x1x1xf32>
    %reduce_sum3A_94 = vector.extract %reduce_sum3A_93[0, 0, 0] : f32 from vector<1x1x1xf32>
    %eq3A_95 = arith.constant 8 : i32
    %eq3A_96 = vector.broadcast %eq3A_95 : i32 to vector<128x128xi32>
    %eq3A_97 = arith.cmpi eq, %select_n3A, %eq3A_96 : vector<128x128xi32>
    %convert_element_type3A_98 = arith.extui %eq3A_97 : vector<128x128xi1> to vector<128x128xi32>
    %convert_element_type3A_99 = arith.sitofp %convert_element_type3A_98 : vector<128x128xi32> to vector<128x128xf32>
    %reduce_sum3A_100 = vector.shape_cast %convert_element_type3A_99 : vector<128x128xf32> to vector<1x128x128xf32>
    %reduce_sum3A_101 = arith.constant dense<0.000000e+00> : vector<1xf32>
    %reduce_sum3A_102 = vector.multi_reduction <add>, %reduce_sum3A_100, %reduce_sum3A_101 [1, 2] : vector<1x128x128xf32> to vector<1xf32>
    %reduce_sum3A_103 = vector.shape_cast %reduce_sum3A_102 : vector<1xf32> to vector<1x1x1xf32>
    %reduce_sum3A_104 = vector.extract %reduce_sum3A_103[0, 0, 0] : f32 from vector<1x1x1xf32>
    %add3A = arith.constant 1.023000e+03 : f32
    %add3A_105 = arith.addf %reduce_sum3A_24, %add3A : f32
    %div3A = arith.constant 1.024000e+03 : f32
    %div3A_106 = arith.divf %add3A_105, %div3A : f32
    %floor3A = math.floor %div3A_106 : f32
    %mul3A = arith.constant 1.024000e+03 : f32
    %mul3A_107 = arith.mulf %floor3A, %mul3A : f32
    %add3A_108 = arith.constant 0.000000e+00 : f32
    %add3A_109 = arith.addf %add3A_108, %mul3A_107 : f32
    %div3A_110 = arith.constant 1.024000e+03 : f32
    %div3A_111 = arith.divf %add3A_109, %div3A_110 : f32
    %add3A_112 = arith.constant 1.023000e+03 : f32
    %add3A_113 = arith.addf %reduce_sum3A_34, %add3A_112 : f32
    %div3A_114 = arith.constant 1.024000e+03 : f32
    %div3A_115 = arith.divf %add3A_113, %div3A_114 : f32
    %floor3A_116 = math.floor %div3A_115 : f32
    %mul3A_117 = arith.constant 1.024000e+03 : f32
    %mul3A_118 = arith.mulf %floor3A_116, %mul3A_117 : f32
    %add3A_119 = arith.addf %add3A_109, %mul3A_118 : f32
    %div3A_120 = arith.constant 1.024000e+03 : f32
    %div3A_121 = arith.divf %add3A_119, %div3A_120 : f32
    %add3A_122 = arith.constant 1.023000e+03 : f32
    %add3A_123 = arith.addf %reduce_sum3A_44, %add3A_122 : f32
    %div3A_124 = arith.constant 1.024000e+03 : f32
    %div3A_125 = arith.divf %add3A_123, %div3A_124 : f32
    %floor3A_126 = math.floor %div3A_125 : f32
    %mul3A_127 = arith.constant 1.024000e+03 : f32
    %mul3A_128 = arith.mulf %floor3A_126, %mul3A_127 : f32
    %add3A_129 = arith.addf %add3A_119, %mul3A_128 : f32
    %div3A_130 = arith.constant 1.024000e+03 : f32
    %div3A_131 = arith.divf %add3A_129, %div3A_130 : f32
    %add3A_132 = arith.constant 1.023000e+03 : f32
    %add3A_133 = arith.addf %reduce_sum3A_54, %add3A_132 : f32
    %div3A_134 = arith.constant 1.024000e+03 : f32
    %div3A_135 = arith.divf %add3A_133, %div3A_134 : f32
    %floor3A_136 = math.floor %div3A_135 : f32
    %mul3A_137 = arith.constant 1.024000e+03 : f32
    %mul3A_138 = arith.mulf %floor3A_136, %mul3A_137 : f32
    %add3A_139 = arith.addf %add3A_129, %mul3A_138 : f32
    %div3A_140 = arith.constant 1.024000e+03 : f32
    %div3A_141 = arith.divf %add3A_139, %div3A_140 : f32
    %add3A_142 = arith.constant 1.023000e+03 : f32
    %add3A_143 = arith.addf %reduce_sum3A_64, %add3A_142 : f32
    %div3A_144 = arith.constant 1.024000e+03 : f32
    %div3A_145 = arith.divf %add3A_143, %div3A_144 : f32
    %floor3A_146 = math.floor %div3A_145 : f32
    %mul3A_147 = arith.constant 1.024000e+03 : f32
    %mul3A_148 = arith.mulf %floor3A_146, %mul3A_147 : f32
    %add3A_149 = arith.addf %add3A_139, %mul3A_148 : f32
    %div3A_150 = arith.constant 1.024000e+03 : f32
    %div3A_151 = arith.divf %add3A_149, %div3A_150 : f32
    %add3A_152 = arith.constant 1.023000e+03 : f32
    %add3A_153 = arith.addf %reduce_sum3A_74, %add3A_152 : f32
    %div3A_154 = arith.constant 1.024000e+03 : f32
    %div3A_155 = arith.divf %add3A_153, %div3A_154 : f32
    %floor3A_156 = math.floor %div3A_155 : f32
    %mul3A_157 = arith.constant 1.024000e+03 : f32
    %mul3A_158 = arith.mulf %floor3A_156, %mul3A_157 : f32
    %add3A_159 = arith.addf %add3A_149, %mul3A_158 : f32
    %div3A_160 = arith.constant 1.024000e+03 : f32
    %div3A_161 = arith.divf %add3A_159, %div3A_160 : f32
    %add3A_162 = arith.constant 1.023000e+03 : f32
    %add3A_163 = arith.addf %reduce_sum3A_84, %add3A_162 : f32
    %div3A_164 = arith.constant 1.024000e+03 : f32
    %div3A_165 = arith.divf %add3A_163, %div3A_164 : f32
    %floor3A_166 = math.floor %div3A_165 : f32
    %mul3A_167 = arith.constant 1.024000e+03 : f32
    %mul3A_168 = arith.mulf %floor3A_166, %mul3A_167 : f32
    %add3A_169 = arith.addf %add3A_159, %mul3A_168 : f32
    %div3A_170 = arith.constant 1.024000e+03 : f32
    %div3A_171 = arith.divf %add3A_169, %div3A_170 : f32
    %add3A_172 = arith.constant 1.023000e+03 : f32
    %add3A_173 = arith.addf %reduce_sum3A_94, %add3A_172 : f32
    %div3A_174 = arith.constant 1.024000e+03 : f32
    %div3A_175 = arith.divf %add3A_173, %div3A_174 : f32
    %floor3A_176 = math.floor %div3A_175 : f32
    %mul3A_177 = arith.constant 1.024000e+03 : f32
    %mul3A_178 = arith.mulf %floor3A_176, %mul3A_177 : f32
    %add3A_179 = arith.addf %add3A_169, %mul3A_178 : f32
    %div3A_180 = arith.constant 1.024000e+03 : f32
    %div3A_181 = arith.divf %add3A_179, %div3A_180 : f32
    %add3A_182 = arith.constant 1.023000e+03 : f32
    %add3A_183 = arith.addf %reduce_sum3A_104, %add3A_182 : f32
    %div3A_184 = arith.constant 1.024000e+03 : f32
    %div3A_185 = arith.divf %add3A_183, %div3A_184 : f32
    %floor3A_186 = math.floor %div3A_185 : f32
    %mul3A_187 = arith.constant 1.024000e+03 : f32
    %mul3A_188 = arith.mulf %floor3A_186, %mul3A_187 : f32
    %add3A_189 = arith.addf %add3A_179, %mul3A_188 : f32
    %div3A_190 = arith.constant 1.024000e+03 : f32
    %div3A_191 = arith.divf %add3A_189, %div3A_190 : f32
    %iota3A = tpu.iota {dimensions = array<i32: 0>} : vector<128x128xi32>
    %iota3A_192 = tpu.iota {dimensions = array<i32: 1>} : vector<128x128xi32>
    %lt3A = arith.cmpi slt, %iota3A_192, %iota3A : vector<128x128xi32>
    %convert_element_type3A_193 = arith.extui %lt3A : vector<128x128xi1> to vector<128x128xi32>
    %convert_element_type3A_194 = arith.sitofp %convert_element_type3A_193 : vector<128x128xi32> to vector<128x128xf32>
    %convert_element_type3A_195 = arith.truncf %convert_element_type3A_194 : vector<128x128xf32> to vector<128x128xbf16>
    %lt3A_196 = arith.cmpi slt, %iota3A, %iota3A_192 : vector<128x128xi32>
    %convert_element_type3A_197 = arith.extui %lt3A_196 : vector<128x128xi1> to vector<128x128xi32>
    %convert_element_type3A_198 = arith.sitofp %convert_element_type3A_197 : vector<128x128xi32> to vector<128x128xf32>
    %convert_element_type3A_199 = arith.truncf %convert_element_type3A_198 : vector<128x128xf32> to vector<128x128xbf16>
    %broadcast_in_dim3A_200 = arith.constant 1.000000e+00 : bf16
    %broadcast_in_dim3A_201 = vector.broadcast %broadcast_in_dim3A_200 : bf16 to vector<128x128xbf16>
    %broadcast_in_dim3A_202 = arith.constant 0.000000e+00 : f32
    %broadcast_in_dim3A_203 = vector.broadcast %broadcast_in_dim3A_202 : f32 to vector<128x128xf32>
    %eq3A_204 = arith.constant 0 : i32
    %eq3A_205 = vector.broadcast %eq3A_204 : i32 to vector<128x128xi32>
    %eq3A_206 = arith.cmpi eq, %select_n3A, %eq3A_205 : vector<128x128xi32>
    %convert_element_type3A_207 = arith.extui %eq3A_206 : vector<128x128xi1> to vector<128x128xi32>
    %convert_element_type3A_208 = arith.sitofp %convert_element_type3A_207 : vector<128x128xi32> to vector<128x128xf32>
    %convert_element_type3A_209 = arith.truncf %convert_element_type3A_208 : vector<128x128xf32> to vector<128x128xbf16>
    %dot_general3A_210 = arith.constant dense<0.000000e+00> : vector<128x128xf32>
    %dot_general3A_211 = tpu.matmul %convert_element_type3A_209, %broadcast_in_dim3A_201, %dot_general3A_210 {dimension_numbers = #tpu.dot_dimension_numbers<[1], [0], [0], [1], [0, 0, 1, 1], [], []>, transpose_lhs_hint = false} : vector<128x128xbf16>, vector<128x128xbf16>, vector<128x128xf32> -> vector<128x128xf32>
    %convert_element_type3A_212 = arith.truncf %dot_general3A_211 : vector<128x128xf32> to vector<128x128xbf16>
    %dot_general3A_213 = arith.constant dense<0.000000e+00> : vector<128x128xf32>
    %dot_general3A_214 = tpu.matmul %convert_element_type3A_195, %convert_element_type3A_212, %dot_general3A_213 {dimension_numbers = #tpu.dot_dimension_numbers<[1], [0], [0], [1], [0, 0, 1, 1], [], []>, transpose_lhs_hint = false} : vector<128x128xbf16>, vector<128x128xbf16>, vector<128x128xf32> -> vector<128x128xf32>
    %dot_general3A_215 = arith.constant dense<0.000000e+00> : vector<128x128xf32>
    %dot_general3A_216 = tpu.matmul %convert_element_type3A_209, %convert_element_type3A_199, %dot_general3A_215 {dimension_numbers = #tpu.dot_dimension_numbers<[1], [0], [0], [1], [0, 0, 1, 1], [], []>, transpose_lhs_hint = false} : vector<128x128xbf16>, vector<128x128xbf16>, vector<128x128xf32> -> vector<128x128xf32>
    %add3A_217 = arith.addf %dot_general3A_214, %dot_general3A_216 : vector<128x128xf32>
    %convert_element_type3A_218 = arith.extf %convert_element_type3A_209 : vector<128x128xbf16> to vector<128x128xf32>
    %add3A_219 = arith.constant 0.000000e+00 : f32
    %add3A_220 = vector.broadcast %add3A_219 : f32 to vector<128x128xf32>
    %add3A_221 = arith.addf %add3A_217, %add3A_220 : vector<128x128xf32>
    %mul3A_222 = arith.mulf %convert_element_type3A_218, %add3A_221 : vector<128x128xf32>
    %add3A_223 = arith.addf %broadcast_in_dim3A_203, %mul3A_222 : vector<128x128xf32>
    %eq3A_224 = arith.constant 1 : i32
    %eq3A_225 = vector.broadcast %eq3A_224 : i32 to vector<128x128xi32>
    %eq3A_226 = arith.cmpi eq, %select_n3A, %eq3A_225 : vector<128x128xi32>
    %convert_element_type3A_227 = arith.extui %eq3A_226 : vector<128x128xi1> to vector<128x128xi32>
    %convert_element_type3A_228 = arith.sitofp %convert_element_type3A_227 : vector<128x128xi32> to vector<128x128xf32>
    %convert_element_type3A_229 = arith.truncf %convert_element_type3A_228 : vector<128x128xf32> to vector<128x128xbf16>
    %dot_general3A_230 = arith.constant dense<0.000000e+00> : vector<128x128xf32>
    %dot_general3A_231 = tpu.matmul %convert_element_type3A_229, %broadcast_in_dim3A_201, %dot_general3A_230 {dimension_numbers = #tpu.dot_dimension_numbers<[1], [0], [0], [1], [0, 0, 1, 1], [], []>, transpose_lhs_hint = false} : vector<128x128xbf16>, vector<128x128xbf16>, vector<128x128xf32> -> vector<128x128xf32>
    %convert_element_type3A_232 = arith.truncf %dot_general3A_231 : vector<128x128xf32> to vector<128x128xbf16>
    %dot_general3A_233 = arith.constant dense<0.000000e+00> : vector<128x128xf32>
    %dot_general3A_234 = tpu.matmul %convert_element_type3A_195, %convert_element_type3A_232, %dot_general3A_233 {dimension_numbers = #tpu.dot_dimension_numbers<[1], [0], [0], [1], [0, 0, 1, 1], [], []>, transpose_lhs_hint = false} : vector<128x128xbf16>, vector<128x128xbf16>, vector<128x128xf32> -> vector<128x128xf32>
    %dot_general3A_235 = arith.constant dense<0.000000e+00> : vector<128x128xf32>
    %dot_general3A_236 = tpu.matmul %convert_element_type3A_229, %convert_element_type3A_199, %dot_general3A_235 {dimension_numbers = #tpu.dot_dimension_numbers<[1], [0], [0], [1], [0, 0, 1, 1], [], []>, transpose_lhs_hint = false} : vector<128x128xbf16>, vector<128x128xbf16>, vector<128x128xf32> -> vector<128x128xf32>
    %add3A_237 = arith.addf %dot_general3A_234, %dot_general3A_236 : vector<128x128xf32>
    %convert_element_type3A_238 = arith.extf %convert_element_type3A_229 : vector<128x128xbf16> to vector<128x128xf32>
    %add3A_239 = vector.broadcast %add3A_109 : f32 to vector<128x128xf32>
    %add3A_240 = arith.addf %add3A_237, %add3A_239 : vector<128x128xf32>
    %mul3A_241 = arith.mulf %convert_element_type3A_238, %add3A_240 : vector<128x128xf32>
    %add3A_242 = arith.addf %add3A_223, %mul3A_241 : vector<128x128xf32>
    %eq3A_243 = arith.constant 2 : i32
    %eq3A_244 = vector.broadcast %eq3A_243 : i32 to vector<128x128xi32>
    %eq3A_245 = arith.cmpi eq, %select_n3A, %eq3A_244 : vector<128x128xi32>
    %convert_element_type3A_246 = arith.extui %eq3A_245 : vector<128x128xi1> to vector<128x128xi32>
    %convert_element_type3A_247 = arith.sitofp %convert_element_type3A_246 : vector<128x128xi32> to vector<128x128xf32>
    %convert_element_type3A_248 = arith.truncf %convert_element_type3A_247 : vector<128x128xf32> to vector<128x128xbf16>
    %dot_general3A_249 = arith.constant dense<0.000000e+00> : vector<128x128xf32>
    %dot_general3A_250 = tpu.matmul %convert_element_type3A_248, %broadcast_in_dim3A_201, %dot_general3A_249 {dimension_numbers = #tpu.dot_dimension_numbers<[1], [0], [0], [1], [0, 0, 1, 1], [], []>, transpose_lhs_hint = false} : vector<128x128xbf16>, vector<128x128xbf16>, vector<128x128xf32> -> vector<128x128xf32>
    %convert_element_type3A_251 = arith.truncf %dot_general3A_250 : vector<128x128xf32> to vector<128x128xbf16>
    %dot_general3A_252 = arith.constant dense<0.000000e+00> : vector<128x128xf32>
    %dot_general3A_253 = tpu.matmul %convert_element_type3A_195, %convert_element_type3A_251, %dot_general3A_252 {dimension_numbers = #tpu.dot_dimension_numbers<[1], [0], [0], [1], [0, 0, 1, 1], [], []>, transpose_lhs_hint = false} : vector<128x128xbf16>, vector<128x128xbf16>, vector<128x128xf32> -> vector<128x128xf32>
    %dot_general3A_254 = arith.constant dense<0.000000e+00> : vector<128x128xf32>
    %dot_general3A_255 = tpu.matmul %convert_element_type3A_248, %convert_element_type3A_199, %dot_general3A_254 {dimension_numbers = #tpu.dot_dimension_numbers<[1], [0], [0], [1], [0, 0, 1, 1], [], []>, transpose_lhs_hint = false} : vector<128x128xbf16>, vector<128x128xbf16>, vector<128x128xf32> -> vector<128x128xf32>
    %add3A_256 = arith.addf %dot_general3A_253, %dot_general3A_255 : vector<128x128xf32>
    %convert_element_type3A_257 = arith.extf %convert_element_type3A_248 : vector<128x128xbf16> to vector<128x128xf32>
    %add3A_258 = vector.broadcast %add3A_119 : f32 to vector<128x128xf32>
    %add3A_259 = arith.addf %add3A_256, %add3A_258 : vector<128x128xf32>
    %mul3A_260 = arith.mulf %convert_element_type3A_257, %add3A_259 : vector<128x128xf32>
    %add3A_261 = arith.addf %add3A_242, %mul3A_260 : vector<128x128xf32>
    %eq3A_262 = arith.constant 3 : i32
    %eq3A_263 = vector.broadcast %eq3A_262 : i32 to vector<128x128xi32>
    %eq3A_264 = arith.cmpi eq, %select_n3A, %eq3A_263 : vector<128x128xi32>
    %convert_element_type3A_265 = arith.extui %eq3A_264 : vector<128x128xi1> to vector<128x128xi32>
    %convert_element_type3A_266 = arith.sitofp %convert_element_type3A_265 : vector<128x128xi32> to vector<128x128xf32>
    %convert_element_type3A_267 = arith.truncf %convert_element_type3A_266 : vector<128x128xf32> to vector<128x128xbf16>
    %dot_general3A_268 = arith.constant dense<0.000000e+00> : vector<128x128xf32>
    %dot_general3A_269 = tpu.matmul %convert_element_type3A_267, %broadcast_in_dim3A_201, %dot_general3A_268 {dimension_numbers = #tpu.dot_dimension_numbers<[1], [0], [0], [1], [0, 0, 1, 1], [], []>, transpose_lhs_hint = false} : vector<128x128xbf16>, vector<128x128xbf16>, vector<128x128xf32> -> vector<128x128xf32>
    %convert_element_type3A_270 = arith.truncf %dot_general3A_269 : vector<128x128xf32> to vector<128x128xbf16>
    %dot_general3A_271 = arith.constant dense<0.000000e+00> : vector<128x128xf32>
    %dot_general3A_272 = tpu.matmul %convert_element_type3A_195, %convert_element_type3A_270, %dot_general3A_271 {dimension_numbers = #tpu.dot_dimension_numbers<[1], [0], [0], [1], [0, 0, 1, 1], [], []>, transpose_lhs_hint = false} : vector<128x128xbf16>, vector<128x128xbf16>, vector<128x128xf32> -> vector<128x128xf32>
    %dot_general3A_273 = arith.constant dense<0.000000e+00> : vector<128x128xf32>
    %dot_general3A_274 = tpu.matmul %convert_element_type3A_267, %convert_element_type3A_199, %dot_general3A_273 {dimension_numbers = #tpu.dot_dimension_numbers<[1], [0], [0], [1], [0, 0, 1, 1], [], []>, transpose_lhs_hint = false} : vector<128x128xbf16>, vector<128x128xbf16>, vector<128x128xf32> -> vector<128x128xf32>
    %add3A_275 = arith.addf %dot_general3A_272, %dot_general3A_274 : vector<128x128xf32>
    %convert_element_type3A_276 = arith.extf %convert_element_type3A_267 : vector<128x128xbf16> to vector<128x128xf32>
    %add3A_277 = vector.broadcast %add3A_129 : f32 to vector<128x128xf32>
    %add3A_278 = arith.addf %add3A_275, %add3A_277 : vector<128x128xf32>
    %mul3A_279 = arith.mulf %convert_element_type3A_276, %add3A_278 : vector<128x128xf32>
    %add3A_280 = arith.addf %add3A_261, %mul3A_279 : vector<128x128xf32>
    %eq3A_281 = arith.constant 4 : i32
    %eq3A_282 = vector.broadcast %eq3A_281 : i32 to vector<128x128xi32>
    %eq3A_283 = arith.cmpi eq, %select_n3A, %eq3A_282 : vector<128x128xi32>
    %convert_element_type3A_284 = arith.extui %eq3A_283 : vector<128x128xi1> to vector<128x128xi32>
    %convert_element_type3A_285 = arith.sitofp %convert_element_type3A_284 : vector<128x128xi32> to vector<128x128xf32>
    %convert_element_type3A_286 = arith.truncf %convert_element_type3A_285 : vector<128x128xf32> to vector<128x128xbf16>
    %dot_general3A_287 = arith.constant dense<0.000000e+00> : vector<128x128xf32>
    %dot_general3A_288 = tpu.matmul %convert_element_type3A_286, %broadcast_in_dim3A_201, %dot_general3A_287 {dimension_numbers = #tpu.dot_dimension_numbers<[1], [0], [0], [1], [0, 0, 1, 1], [], []>, transpose_lhs_hint = false} : vector<128x128xbf16>, vector<128x128xbf16>, vector<128x128xf32> -> vector<128x128xf32>
    %convert_element_type3A_289 = arith.truncf %dot_general3A_288 : vector<128x128xf32> to vector<128x128xbf16>
    %dot_general3A_290 = arith.constant dense<0.000000e+00> : vector<128x128xf32>
    %dot_general3A_291 = tpu.matmul %convert_element_type3A_195, %convert_element_type3A_289, %dot_general3A_290 {dimension_numbers = #tpu.dot_dimension_numbers<[1], [0], [0], [1], [0, 0, 1, 1], [], []>, transpose_lhs_hint = false} : vector<128x128xbf16>, vector<128x128xbf16>, vector<128x128xf32> -> vector<128x128xf32>
    %dot_general3A_292 = arith.constant dense<0.000000e+00> : vector<128x128xf32>
    %dot_general3A_293 = tpu.matmul %convert_element_type3A_286, %convert_element_type3A_199, %dot_general3A_292 {dimension_numbers = #tpu.dot_dimension_numbers<[1], [0], [0], [1], [0, 0, 1, 1], [], []>, transpose_lhs_hint = false} : vector<128x128xbf16>, vector<128x128xbf16>, vector<128x128xf32> -> vector<128x128xf32>
    %add3A_294 = arith.addf %dot_general3A_291, %dot_general3A_293 : vector<128x128xf32>
    %convert_element_type3A_295 = arith.extf %convert_element_type3A_286 : vector<128x128xbf16> to vector<128x128xf32>
    %add3A_296 = vector.broadcast %add3A_139 : f32 to vector<128x128xf32>
    %add3A_297 = arith.addf %add3A_294, %add3A_296 : vector<128x128xf32>
    %mul3A_298 = arith.mulf %convert_element_type3A_295, %add3A_297 : vector<128x128xf32>
    %add3A_299 = arith.addf %add3A_280, %mul3A_298 : vector<128x128xf32>
    %eq3A_300 = arith.constant 5 : i32
    %eq3A_301 = vector.broadcast %eq3A_300 : i32 to vector<128x128xi32>
    %eq3A_302 = arith.cmpi eq, %select_n3A, %eq3A_301 : vector<128x128xi32>
    %convert_element_type3A_303 = arith.extui %eq3A_302 : vector<128x128xi1> to vector<128x128xi32>
    %convert_element_type3A_304 = arith.sitofp %convert_element_type3A_303 : vector<128x128xi32> to vector<128x128xf32>
    %convert_element_type3A_305 = arith.truncf %convert_element_type3A_304 : vector<128x128xf32> to vector<128x128xbf16>
    %dot_general3A_306 = arith.constant dense<0.000000e+00> : vector<128x128xf32>
    %dot_general3A_307 = tpu.matmul %convert_element_type3A_305, %broadcast_in_dim3A_201, %dot_general3A_306 {dimension_numbers = #tpu.dot_dimension_numbers<[1], [0], [0], [1], [0, 0, 1, 1], [], []>, transpose_lhs_hint = false} : vector<128x128xbf16>, vector<128x128xbf16>, vector<128x128xf32> -> vector<128x128xf32>
    %convert_element_type3A_308 = arith.truncf %dot_general3A_307 : vector<128x128xf32> to vector<128x128xbf16>
    %dot_general3A_309 = arith.constant dense<0.000000e+00> : vector<128x128xf32>
    %dot_general3A_310 = tpu.matmul %convert_element_type3A_195, %convert_element_type3A_308, %dot_general3A_309 {dimension_numbers = #tpu.dot_dimension_numbers<[1], [0], [0], [1], [0, 0, 1, 1], [], []>, transpose_lhs_hint = false} : vector<128x128xbf16>, vector<128x128xbf16>, vector<128x128xf32> -> vector<128x128xf32>
    %dot_general3A_311 = arith.constant dense<0.000000e+00> : vector<128x128xf32>
    %dot_general3A_312 = tpu.matmul %convert_element_type3A_305, %convert_element_type3A_199, %dot_general3A_311 {dimension_numbers = #tpu.dot_dimension_numbers<[1], [0], [0], [1], [0, 0, 1, 1], [], []>, transpose_lhs_hint = false} : vector<128x128xbf16>, vector<128x128xbf16>, vector<128x128xf32> -> vector<128x128xf32>
    %add3A_313 = arith.addf %dot_general3A_310, %dot_general3A_312 : vector<128x128xf32>
    %convert_element_type3A_314 = arith.extf %convert_element_type3A_305 : vector<128x128xbf16> to vector<128x128xf32>
    %add3A_315 = vector.broadcast %add3A_149 : f32 to vector<128x128xf32>
    %add3A_316 = arith.addf %add3A_313, %add3A_315 : vector<128x128xf32>
    %mul3A_317 = arith.mulf %convert_element_type3A_314, %add3A_316 : vector<128x128xf32>
    %add3A_318 = arith.addf %add3A_299, %mul3A_317 : vector<128x128xf32>
    %eq3A_319 = arith.constant 6 : i32
    %eq3A_320 = vector.broadcast %eq3A_319 : i32 to vector<128x128xi32>
    %eq3A_321 = arith.cmpi eq, %select_n3A, %eq3A_320 : vector<128x128xi32>
    %convert_element_type3A_322 = arith.extui %eq3A_321 : vector<128x128xi1> to vector<128x128xi32>
    %convert_element_type3A_323 = arith.sitofp %convert_element_type3A_322 : vector<128x128xi32> to vector<128x128xf32>
    %convert_element_type3A_324 = arith.truncf %convert_element_type3A_323 : vector<128x128xf32> to vector<128x128xbf16>
    %dot_general3A_325 = arith.constant dense<0.000000e+00> : vector<128x128xf32>
    %dot_general3A_326 = tpu.matmul %convert_element_type3A_324, %broadcast_in_dim3A_201, %dot_general3A_325 {dimension_numbers = #tpu.dot_dimension_numbers<[1], [0], [0], [1], [0, 0, 1, 1], [], []>, transpose_lhs_hint = false} : vector<128x128xbf16>, vector<128x128xbf16>, vector<128x128xf32> -> vector<128x128xf32>
    %convert_element_type3A_327 = arith.truncf %dot_general3A_326 : vector<128x128xf32> to vector<128x128xbf16>
    %dot_general3A_328 = arith.constant dense<0.000000e+00> : vector<128x128xf32>
    %dot_general3A_329 = tpu.matmul %convert_element_type3A_195, %convert_element_type3A_327, %dot_general3A_328 {dimension_numbers = #tpu.dot_dimension_numbers<[1], [0], [0], [1], [0, 0, 1, 1], [], []>, transpose_lhs_hint = false} : vector<128x128xbf16>, vector<128x128xbf16>, vector<128x128xf32> -> vector<128x128xf32>
    %dot_general3A_330 = arith.constant dense<0.000000e+00> : vector<128x128xf32>
    %dot_general3A_331 = tpu.matmul %convert_element_type3A_324, %convert_element_type3A_199, %dot_general3A_330 {dimension_numbers = #tpu.dot_dimension_numbers<[1], [0], [0], [1], [0, 0, 1, 1], [], []>, transpose_lhs_hint = false} : vector<128x128xbf16>, vector<128x128xbf16>, vector<128x128xf32> -> vector<128x128xf32>
    %add3A_332 = arith.addf %dot_general3A_329, %dot_general3A_331 : vector<128x128xf32>
    %convert_element_type3A_333 = arith.extf %convert_element_type3A_324 : vector<128x128xbf16> to vector<128x128xf32>
    %add3A_334 = vector.broadcast %add3A_159 : f32 to vector<128x128xf32>
    %add3A_335 = arith.addf %add3A_332, %add3A_334 : vector<128x128xf32>
    %mul3A_336 = arith.mulf %convert_element_type3A_333, %add3A_335 : vector<128x128xf32>
    %add3A_337 = arith.addf %add3A_318, %mul3A_336 : vector<128x128xf32>
    %eq3A_338 = arith.constant 7 : i32
    %eq3A_339 = vector.broadcast %eq3A_338 : i32 to vector<128x128xi32>
    %eq3A_340 = arith.cmpi eq, %select_n3A, %eq3A_339 : vector<128x128xi32>
    %convert_element_type3A_341 = arith.extui %eq3A_340 : vector<128x128xi1> to vector<128x128xi32>
    %convert_element_type3A_342 = arith.sitofp %convert_element_type3A_341 : vector<128x128xi32> to vector<128x128xf32>
    %convert_element_type3A_343 = arith.truncf %convert_element_type3A_342 : vector<128x128xf32> to vector<128x128xbf16>
    %dot_general3A_344 = arith.constant dense<0.000000e+00> : vector<128x128xf32>
    %dot_general3A_345 = tpu.matmul %convert_element_type3A_343, %broadcast_in_dim3A_201, %dot_general3A_344 {dimension_numbers = #tpu.dot_dimension_numbers<[1], [0], [0], [1], [0, 0, 1, 1], [], []>, transpose_lhs_hint = false} : vector<128x128xbf16>, vector<128x128xbf16>, vector<128x128xf32> -> vector<128x128xf32>
    %convert_element_type3A_346 = arith.truncf %dot_general3A_345 : vector<128x128xf32> to vector<128x128xbf16>
    %dot_general3A_347 = arith.constant dense<0.000000e+00> : vector<128x128xf32>
    %dot_general3A_348 = tpu.matmul %convert_element_type3A_195, %convert_element_type3A_346, %dot_general3A_347 {dimension_numbers = #tpu.dot_dimension_numbers<[1], [0], [0], [1], [0, 0, 1, 1], [], []>, transpose_lhs_hint = false} : vector<128x128xbf16>, vector<128x128xbf16>, vector<128x128xf32> -> vector<128x128xf32>
    %dot_general3A_349 = arith.constant dense<0.000000e+00> : vector<128x128xf32>
    %dot_general3A_350 = tpu.matmul %convert_element_type3A_343, %convert_element_type3A_199, %dot_general3A_349 {dimension_numbers = #tpu.dot_dimension_numbers<[1], [0], [0], [1], [0, 0, 1, 1], [], []>, transpose_lhs_hint = false} : vector<128x128xbf16>, vector<128x128xbf16>, vector<128x128xf32> -> vector<128x128xf32>
    %add3A_351 = arith.addf %dot_general3A_348, %dot_general3A_350 : vector<128x128xf32>
    %convert_element_type3A_352 = arith.extf %convert_element_type3A_343 : vector<128x128xbf16> to vector<128x128xf32>
    %add3A_353 = vector.broadcast %add3A_169 : f32 to vector<128x128xf32>
    %add3A_354 = arith.addf %add3A_351, %add3A_353 : vector<128x128xf32>
    %mul3A_355 = arith.mulf %convert_element_type3A_352, %add3A_354 : vector<128x128xf32>
    %add3A_356 = arith.addf %add3A_337, %mul3A_355 : vector<128x128xf32>
    %eq3A_357 = arith.constant 8 : i32
    %eq3A_358 = vector.broadcast %eq3A_357 : i32 to vector<128x128xi32>
    %eq3A_359 = arith.cmpi eq, %select_n3A, %eq3A_358 : vector<128x128xi32>
    %convert_element_type3A_360 = arith.extui %eq3A_359 : vector<128x128xi1> to vector<128x128xi32>
    %convert_element_type3A_361 = arith.sitofp %convert_element_type3A_360 : vector<128x128xi32> to vector<128x128xf32>
    %convert_element_type3A_362 = arith.truncf %convert_element_type3A_361 : vector<128x128xf32> to vector<128x128xbf16>
    %dot_general3A_363 = arith.constant dense<0.000000e+00> : vector<128x128xf32>
    %dot_general3A_364 = tpu.matmul %convert_element_type3A_362, %broadcast_in_dim3A_201, %dot_general3A_363 {dimension_numbers = #tpu.dot_dimension_numbers<[1], [0], [0], [1], [0, 0, 1, 1], [], []>, transpose_lhs_hint = false} : vector<128x128xbf16>, vector<128x128xbf16>, vector<128x128xf32> -> vector<128x128xf32>
    %convert_element_type3A_365 = arith.truncf %dot_general3A_364 : vector<128x128xf32> to vector<128x128xbf16>
    %dot_general3A_366 = arith.constant dense<0.000000e+00> : vector<128x128xf32>
    %dot_general3A_367 = tpu.matmul %convert_element_type3A_195, %convert_element_type3A_365, %dot_general3A_366 {dimension_numbers = #tpu.dot_dimension_numbers<[1], [0], [0], [1], [0, 0, 1, 1], [], []>, transpose_lhs_hint = false} : vector<128x128xbf16>, vector<128x128xbf16>, vector<128x128xf32> -> vector<128x128xf32>
    %dot_general3A_368 = arith.constant dense<0.000000e+00> : vector<128x128xf32>
    %dot_general3A_369 = tpu.matmul %convert_element_type3A_362, %convert_element_type3A_199, %dot_general3A_368 {dimension_numbers = #tpu.dot_dimension_numbers<[1], [0], [0], [1], [0, 0, 1, 1], [], []>, transpose_lhs_hint = false} : vector<128x128xbf16>, vector<128x128xbf16>, vector<128x128xf32> -> vector<128x128xf32>
    %add3A_370 = arith.addf %dot_general3A_367, %dot_general3A_369 : vector<128x128xf32>
    %convert_element_type3A_371 = arith.extf %convert_element_type3A_362 : vector<128x128xbf16> to vector<128x128xf32>
    %add3A_372 = vector.broadcast %add3A_179 : f32 to vector<128x128xf32>
    %add3A_373 = arith.addf %add3A_370, %add3A_372 : vector<128x128xf32>
    %mul3A_374 = arith.mulf %convert_element_type3A_371, %add3A_373 : vector<128x128xf32>
    %add3A_375 = arith.addf %add3A_356, %mul3A_374 : vector<128x128xf32>
    %convert_element_type3A_376 = arith.fptosi %add3A_375 : vector<128x128xf32> to vector<128x128xi32>
    %swap3A = arith.constant 0 : index
    %swap3A_377 = arith.constant 0 : index
    %swap3A_378 = vector.load %arg3[%swap3A, %swap3A_377] : memref<128x128xi32, #tpu.memory_space<vmem>>, vector<128x128xi32>
    tpu.vector_store %arg3[%swap3A, %swap3A_377], %convert_element_type3A_376 {strides = array<i32>} : memref<128x128xi32, #tpu.memory_space<vmem>>, vector<128x128xi32>,
    %iota3A_379 = tpu.iota {dimensions = array<i32: 0>} : vector<128x1xi32>
    %convert_element_type3A_380 = arith.sitofp %iota3A_379 : vector<128x1xi32> to vector<128x1xf32>
    %broadcast_in_dim3A_381 = arith.constant 0.000000e+00 : f32
    %broadcast_in_dim3A_382 = vector.broadcast %broadcast_in_dim3A_381 : f32 to vector<128x1xf32>
    %ge3A = vector.broadcast %div3A_111 : f32 to vector<128x1xf32>
    %ge3A_383 = arith.cmpf oge, %convert_element_type3A_380, %ge3A : vector<128x1xf32>
    %convert_element_type3A_384 = arith.extui %ge3A_383 : vector<128x1xi1> to vector<128x1xi32>
    %convert_element_type3A_385 = arith.sitofp %convert_element_type3A_384 : vector<128x1xi32> to vector<128x1xf32>
    %add3A_386 = arith.addf %broadcast_in_dim3A_382, %convert_element_type3A_385 : vector<128x1xf32>
    %ge3A_387 = vector.broadcast %div3A_121 : f32 to vector<128x1xf32>
    %ge3A_388 = arith.cmpf oge, %convert_element_type3A_380, %ge3A_387 : vector<128x1xf32>
    %convert_element_type3A_389 = arith.extui %ge3A_388 : vector<128x1xi1> to vector<128x1xi32>
    %convert_element_type3A_390 = arith.sitofp %convert_element_type3A_389 : vector<128x1xi32> to vector<128x1xf32>
    %add3A_391 = arith.addf %add3A_386, %convert_element_type3A_390 : vector<128x1xf32>
    %ge3A_392 = vector.broadcast %div3A_131 : f32 to vector<128x1xf32>
    %ge3A_393 = arith.cmpf oge, %convert_element_type3A_380, %ge3A_392 : vector<128x1xf32>
    %convert_element_type3A_394 = arith.extui %ge3A_393 : vector<128x1xi1> to vector<128x1xi32>
    %convert_element_type3A_395 = arith.sitofp %convert_element_type3A_394 : vector<128x1xi32> to vector<128x1xf32>
    %add3A_396 = arith.addf %add3A_391, %convert_element_type3A_395 : vector<128x1xf32>
    %ge3A_397 = vector.broadcast %div3A_141 : f32 to vector<128x1xf32>
    %ge3A_398 = arith.cmpf oge, %convert_element_type3A_380, %ge3A_397 : vector<128x1xf32>
    %convert_element_type3A_399 = arith.extui %ge3A_398 : vector<128x1xi1> to vector<128x1xi32>
    %convert_element_type3A_400 = arith.sitofp %convert_element_type3A_399 : vector<128x1xi32> to vector<128x1xf32>
    %add3A_401 = arith.addf %add3A_396, %convert_element_type3A_400 : vector<128x1xf32>
    %ge3A_402 = vector.broadcast %div3A_151 : f32 to vector<128x1xf32>
    %ge3A_403 = arith.cmpf oge, %convert_element_type3A_380, %ge3A_402 : vector<128x1xf32>
    %convert_element_type3A_404 = arith.extui %ge3A_403 : vector<128x1xi1> to vector<128x1xi32>
    %convert_element_type3A_405 = arith.sitofp %convert_element_type3A_404 : vector<128x1xi32> to vector<128x1xf32>
    %add3A_406 = arith.addf %add3A_401, %convert_element_type3A_405 : vector<128x1xf32>
    %ge3A_407 = vector.broadcast %div3A_161 : f32 to vector<128x1xf32>
    %ge3A_408 = arith.cmpf oge, %convert_element_type3A_380, %ge3A_407 : vector<128x1xf32>
    %convert_element_type3A_409 = arith.extui %ge3A_408 : vector<128x1xi1> to vector<128x1xi32>
    %convert_element_type3A_410 = arith.sitofp %convert_element_type3A_409 : vector<128x1xi32> to vector<128x1xf32>
    %add3A_411 = arith.addf %add3A_406, %convert_element_type3A_410 : vector<128x1xf32>
    %ge3A_412 = vector.broadcast %div3A_171 : f32 to vector<128x1xf32>
    %ge3A_413 = arith.cmpf oge, %convert_element_type3A_380, %ge3A_412 : vector<128x1xf32>
    %convert_element_type3A_414 = arith.extui %ge3A_413 : vector<128x1xi1> to vector<128x1xi32>
    %convert_element_type3A_415 = arith.sitofp %convert_element_type3A_414 : vector<128x1xi32> to vector<128x1xf32>
    %add3A_416 = arith.addf %add3A_411, %convert_element_type3A_415 : vector<128x1xf32>
    %ge3A_417 = vector.broadcast %div3A_181 : f32 to vector<128x1xf32>
    %ge3A_418 = arith.cmpf oge, %convert_element_type3A_380, %ge3A_417 : vector<128x1xf32>
    %convert_element_type3A_419 = arith.extui %ge3A_418 : vector<128x1xi1> to vector<128x1xi32>
    %convert_element_type3A_420 = arith.sitofp %convert_element_type3A_419 : vector<128x1xi32> to vector<128x1xf32>
    %add3A_421 = arith.addf %add3A_416, %convert_element_type3A_420 : vector<128x1xf32>
    %ge3A_422 = vector.broadcast %div3A_191 : f32 to vector<128x1xf32>
    %ge3A_423 = arith.cmpf oge, %convert_element_type3A_380, %ge3A_422 : vector<128x1xf32>
    %convert_element_type3A_424 = arith.extui %ge3A_423 : vector<128x1xi1> to vector<128x1xi32>
    %convert_element_type3A_425 = arith.sitofp %convert_element_type3A_424 : vector<128x1xi32> to vector<128x1xf32>
    %add3A_426 = arith.addf %add3A_421, %convert_element_type3A_425 : vector<128x1xf32>
    %min3A = arith.constant 8.000000e+00 : f32
    %min3A_427 = vector.broadcast %min3A : f32 to vector<128x1xf32>
    %min3A_428 = arith.minimumf %add3A_426, %min3A_427 : vector<128x1xf32>
    %convert_element_type3A_429 = arith.fptosi %min3A_428 : vector<128x1xf32> to vector<128x1xi32>
    %swap3A_430 = arith.constant 0 : index
    %swap3A_431 = arith.constant 0 : index
    %swap3A_432 = vector.load %arg4[%swap3A_430, %swap3A_431] : memref<128x1xi32, #tpu.memory_space<vmem>>, vector<128x1xi32>
    tpu.vector_store %arg4[%swap3A_430, %swap3A_431], %convert_element_type3A_429 {strides = array<i32>} : memref<128x1xi32, #tpu.memory_space<vmem>>, vector<128x1xi32>,
    return
  }
}

module attributes {stable_mosaic.version = 14 : i64} {
  func.func @_moe_body(%arg0: i32, %arg1: memref<128xi32, #tpu.memory_space<smem>>, %arg2: memref<1024x384xf32, #tpu.memory_space<vmem>>, %arg3: memref<8x384x128xbf16, #tpu.memory_space<vmem>>, %arg4: memref<8x128xf32, #tpu.memory_space<vmem>>, %arg5: memref<8x128x128xbf16, #tpu.memory_space<vmem>>, %arg6: memref<8x128xf32, #tpu.memory_space<vmem>>, %arg7: memref<8x128x64xbf16, #tpu.memory_space<vmem>>, %arg8: memref<8x64xf32, #tpu.memory_space<vmem>>, %arg9: memref<1024x128xf32, #tpu.memory_space<vmem>>) attributes {dimension_semantics = [#tpu.dimension_semantics<arbitrary>], iteration_bounds = array<i64: 25>, scalar_prefetch = 1 : i64, scratch_operands = 0 : i64, tpu.core_type = #tpu.core_type<tc>, window_params = [{transform_indices = @transform_0, window_bounds = array<i64: 1024, 384>}, {pipeline_mode = #tpu.pipeline_mode<synchronous>, transform_indices = @transform_1, window_bounds = array<i64: 8, 384, 128>}, {pipeline_mode = #tpu.pipeline_mode<synchronous>, transform_indices = @transform_2, window_bounds = array<i64: 8, 128>}, {pipeline_mode = #tpu.pipeline_mode<synchronous>, transform_indices = @transform_3, window_bounds = array<i64: 8, 128, 128>}, {pipeline_mode = #tpu.pipeline_mode<synchronous>, transform_indices = @transform_4, window_bounds = array<i64: 8, 128>}, {pipeline_mode = #tpu.pipeline_mode<synchronous>, transform_indices = @transform_5, window_bounds = array<i64: 8, 128, 64>}, {pipeline_mode = #tpu.pipeline_mode<synchronous>, transform_indices = @transform_6, window_bounds = array<i64: 8, 64>}, {transform_indices = @transform_7, window_bounds = array<i64: 1024, 128>}]} {
    %get3A = arith.index_cast %arg0 : i32 to index
    %get3A_0 = memref.load %arg1[%get3A] : memref<128xi32, #tpu.memory_space<smem>>
    %lt3A = arith.constant 8 : i32
    %lt3A_1 = arith.cmpi slt, %get3A_0, %lt3A : i32
    %min3A = arith.constant 7 : i32
    %min3A_2 = arith.minsi %get3A_0, %min3A : i32
    %get3A_3 = arith.constant 0 : index
    %get3A_4 = arith.constant 0 : index
    %get3A_5 = vector.load %arg2[%get3A_3, %get3A_4] : memref<1024x384xf32, #tpu.memory_space<vmem>>, vector<1024x384xf32>
    %convert_element_type3A = arith.truncf %get3A_5 : vector<1024x384xf32> to vector<1024x384xbf16>
    %get3A_6 = arith.index_cast %min3A_2 : i32 to index
    %get3A_7 = arith.constant 0 : index
    %get3A_8 = arith.constant 0 : index
    %get3A_9 = vector.load %arg3[%get3A_6, %get3A_7, %get3A_8] : memref<8x384x128xbf16, #tpu.memory_space<vmem>>, vector<1x384x128xbf16>
    %get3A_10 = vector.shape_cast %get3A_9 : vector<1x384x128xbf16> to vector<384x128xbf16>
    %dot_general3A = arith.constant dense<0.000000e+00> : vector<1024x128xf32>
    %dot_general3A_11 = tpu.matmul %convert_element_type3A, %get3A_10, %dot_general3A {dimension_numbers = #tpu.dot_dimension_numbers<[1], [0], [0], [1], [0, 0, 1, 1], [], []>, transpose_lhs_hint = false} : vector<1024x384xbf16>, vector<384x128xbf16>, vector<1024x128xf32> -> vector<1024x128xf32>
    %get3A_12 = arith.index_cast %min3A_2 : i32 to index
    %get3A_13 = arith.constant 0 : index
    %get3A_14 = vector.load %arg4[%get3A_12, %get3A_13] : memref<8x128xf32, #tpu.memory_space<vmem>>, vector<1x128xf32>
    %get3A_15 = vector.shape_cast %get3A_14 : vector<1x128xf32> to vector<128xf32>
    %broadcast_in_dim3A = vector.shape_cast %get3A_15 : vector<128xf32> to vector<1x128xf32>
    %add3A = vector.broadcast %broadcast_in_dim3A : vector<1x128xf32> to vector<1024x128xf32>
    %add3A_16 = arith.addf %dot_general3A_11, %add3A : vector<1024x128xf32>
    %max3A = arith.constant 0.000000e+00 : f32
    %max3A_17 = vector.broadcast %max3A : f32 to vector<1024x128xf32>
    %max3A_18 = arith.maximumf %add3A_16, %max3A_17 : vector<1024x128xf32>
    %convert_element_type3A_19 = arith.truncf %max3A_18 : vector<1024x128xf32> to vector<1024x128xbf16>
    %get3A_20 = arith.index_cast %min3A_2 : i32 to index
    %get3A_21 = arith.constant 0 : index
    %get3A_22 = arith.constant 0 : index
    %get3A_23 = vector.load %arg5[%get3A_20, %get3A_21, %get3A_22] : memref<8x128x128xbf16, #tpu.memory_space<vmem>>, vector<1x128x128xbf16>
    %get3A_24 = vector.shape_cast %get3A_23 : vector<1x128x128xbf16> to vector<128x128xbf16>
    %dot_general3A_25 = arith.constant dense<0.000000e+00> : vector<1024x128xf32>
    %dot_general3A_26 = tpu.matmul %convert_element_type3A_19, %get3A_24, %dot_general3A_25 {dimension_numbers = #tpu.dot_dimension_numbers<[1], [0], [0], [1], [0, 0, 1, 1], [], []>, transpose_lhs_hint = false} : vector<1024x128xbf16>, vector<128x128xbf16>, vector<1024x128xf32> -> vector<1024x128xf32>
    %get3A_27 = arith.index_cast %min3A_2 : i32 to index
    %get3A_28 = arith.constant 0 : index
    %get3A_29 = vector.load %arg6[%get3A_27, %get3A_28] : memref<8x128xf32, #tpu.memory_space<vmem>>, vector<1x128xf32>
    %get3A_30 = vector.shape_cast %get3A_29 : vector<1x128xf32> to vector<128xf32>
    %broadcast_in_dim3A_31 = vector.shape_cast %get3A_30 : vector<128xf32> to vector<1x128xf32>
    %add3A_32 = vector.broadcast %broadcast_in_dim3A_31 : vector<1x128xf32> to vector<1024x128xf32>
    %add3A_33 = arith.addf %dot_general3A_26, %add3A_32 : vector<1024x128xf32>
    %max3A_34 = arith.constant 0.000000e+00 : f32
    %max3A_35 = vector.broadcast %max3A_34 : f32 to vector<1024x128xf32>
    %max3A_36 = arith.maximumf %add3A_33, %max3A_35 : vector<1024x128xf32>
    %convert_element_type3A_37 = arith.truncf %max3A_36 : vector<1024x128xf32> to vector<1024x128xbf16>
    %get3A_38 = arith.index_cast %min3A_2 : i32 to index
    %get3A_39 = arith.constant 0 : index
    %get3A_40 = arith.constant 0 : index
    %get3A_41 = vector.load %arg7[%get3A_38, %get3A_39, %get3A_40] : memref<8x128x64xbf16, #tpu.memory_space<vmem>>, vector<1x128x64xbf16>
    %get3A_42 = vector.shape_cast %get3A_41 : vector<1x128x64xbf16> to vector<128x64xbf16>
    %dot_general3A_43 = arith.constant dense<0.000000e+00> : vector<1024x64xf32>
    %dot_general3A_44 = tpu.matmul %convert_element_type3A_37, %get3A_42, %dot_general3A_43 {dimension_numbers = #tpu.dot_dimension_numbers<[1], [0], [0], [1], [0, 0, 1, 1], [], []>, transpose_lhs_hint = false} : vector<1024x128xbf16>, vector<128x64xbf16>, vector<1024x64xf32> -> vector<1024x64xf32>
    %get3A_45 = arith.index_cast %min3A_2 : i32 to index
    %get3A_46 = arith.constant 0 : index
    %get3A_47 = vector.load %arg8[%get3A_45, %get3A_46] : memref<8x64xf32, #tpu.memory_space<vmem>>, vector<1x64xf32>
    %get3A_48 = vector.shape_cast %get3A_47 : vector<1x64xf32> to vector<64xf32>
    %broadcast_in_dim3A_49 = vector.shape_cast %get3A_48 : vector<64xf32> to vector<1x64xf32>
    %add3A_50 = vector.broadcast %broadcast_in_dim3A_49 : vector<1x64xf32> to vector<1024x64xf32>
    %add3A_51 = arith.addf %dot_general3A_44, %add3A_50 : vector<1024x64xf32>
    %broadcast_in_dim3A_52 = arith.constant 0.000000e+00 : f32
    %broadcast_in_dim3A_53 = vector.broadcast %broadcast_in_dim3A_52 : f32 to vector<1024x64xf32>
    %select_n3A = arith.select %lt3A_1, %add3A_51, %broadcast_in_dim3A_53 : vector<1024x64xf32>
    %swap3A = arith.constant 0 : index
    %swap3A_54 = arith.constant 0 : index
    %swap3A_55 = vector.load %arg9[%swap3A, %swap3A_54] : memref<1024x128xf32, #tpu.memory_space<vmem>>, vector<1024x64xf32>
    tpu.vector_store %arg9[%swap3A, %swap3A_54], %select_n3A {strides = array<i32>} : memref<1024x128xf32, #tpu.memory_space<vmem>>, vector<1024x64xf32>,
    return
  }
  func.func @transform_0(%arg0: i32, %arg1: memref<128xi32, #tpu.memory_space<smem>>) -> (i32, i32) {
    %c0_i32 = arith.constant 0 : i32
    %c0_i32_0 = arith.constant 0 : i32
    return %arg0, %c0_i32 : i32, i32
  }
  func.func @transform_1(%arg0: i32, %arg1: memref<128xi32, #tpu.memory_space<smem>>) -> (i32, i32, i32) {
    %c0_i32 = arith.constant 0 : i32
    %c0_i32_0 = arith.constant 0 : i32
    %c0_i32_1 = arith.constant 0 : i32
    %c0_i32_2 = arith.constant 0 : i32
    return %c0_i32, %c0_i32_0, %c0_i32_1 : i32, i32, i32
  }
  func.func @transform_2(%arg0: i32, %arg1: memref<128xi32, #tpu.memory_space<smem>>) -> (i32, i32) {
    %c0_i32 = arith.constant 0 : i32
    %c0_i32_0 = arith.constant 0 : i32
    %c0_i32_1 = arith.constant 0 : i32
    return %c0_i32, %c0_i32_0 : i32, i32
  }
  func.func @transform_3(%arg0: i32, %arg1: memref<128xi32, #tpu.memory_space<smem>>) -> (i32, i32, i32) {
    %c0_i32 = arith.constant 0 : i32
    %c0_i32_0 = arith.constant 0 : i32
    %c0_i32_1 = arith.constant 0 : i32
    %c0_i32_2 = arith.constant 0 : i32
    return %c0_i32, %c0_i32_0, %c0_i32_1 : i32, i32, i32
  }
  func.func @transform_4(%arg0: i32, %arg1: memref<128xi32, #tpu.memory_space<smem>>) -> (i32, i32) {
    %c0_i32 = arith.constant 0 : i32
    %c0_i32_0 = arith.constant 0 : i32
    %c0_i32_1 = arith.constant 0 : i32
    return %c0_i32, %c0_i32_0 : i32, i32
  }
  func.func @transform_5(%arg0: i32, %arg1: memref<128xi32, #tpu.memory_space<smem>>) -> (i32, i32, i32) {
    %c0_i32 = arith.constant 0 : i32
    %c0_i32_0 = arith.constant 0 : i32
    %c0_i32_1 = arith.constant 0 : i32
    %c0_i32_2 = arith.constant 0 : i32
    return %c0_i32, %c0_i32_0, %c0_i32_1 : i32, i32, i32
  }
  func.func @transform_6(%arg0: i32, %arg1: memref<128xi32, #tpu.memory_space<smem>>) -> (i32, i32) {
    %c0_i32 = arith.constant 0 : i32
    %c0_i32_0 = arith.constant 0 : i32
    %c0_i32_1 = arith.constant 0 : i32
    return %c0_i32, %c0_i32_0 : i32, i32
  }
  func.func @transform_7(%arg0: i32, %arg1: memref<128xi32, #tpu.memory_space<smem>>) -> (i32, i32) {
    %c0_i32 = arith.constant 0 : i32
    %c0_i32_0 = arith.constant 0 : i32
    return %arg0, %c0_i32 : i32, i32
  }
}

</mosaic_0001>

<sc_bundles>
// kernel: kernel.6.cloned.1.call-start
scs
__scs_entry_jumppad:
0x0: {  	(pc) =	sbr.rel $0x88, $3  }
0x1: {  	(tag) =	ssettag $0x0;
	lr =	simm.s32 $0x1  }
0x2: {  	[smem:$0x3F98] =	sst lr;
	_ =	strace $0xD0000000  }
0x3: {  	_ = 	snop  }
0x4: {  	_ = 	snop  }
0x5: {  	_ = 	snop  }
0x6: {  	_ = 	snop  }
0x7: {  	_ = 	snop  }
__scs_overlays_trampoline_lowered:
0x8: {  	[smem:$0x3FA7] =	sst s0  }
0x9: {  	[smem:$0x3FA8] =	sst s1  }
0xa: {  	[smem:$0x3FA9] =	sst s2  }
0xb: {  	[smem:$0x3FAA] =	sst s3  }
0xc: {  	[smem:$0x3FAB] =	sst s4  }
0xd: {  	[smem:$0x3FAC] =	sst s5  }
0xe: {  	[smem:$0x3FAD] =	sst s6  }
0xf: {  	[smem:$0x3FAE] =	sst s7  }
0x10: {  	[smem:$0x3FAF] =	sst s8  }
0x11: {  	[smem:$0x3FB0] =	sst s9;
	s0 =	simm.s32 @!p0 $0x0  }
0x12: {  	s1 =	sld [smem:$0x3F96];
	s0 =	simm.s32 @p0 $0x1  }
0x13: {  	[smem:$0x3FB1] =	sst s0;
	s0 =	simm.s32 @!p1 $0x0  }
0x14: {  	s2 =	sld [smem:$0x3F95];
	s0 =	simm.s32 @p1 $0x1  }
0x15: {  	[smem:$0x3FB2] =	sst s0;
	s0 =	simm.s32 @!p2 $0x0  }
0x16: {  	s3 =	sld [smem:$0x3FDB];
	s0 =	simm.s32 @p2 $0x1  }
0x17: {  	s4 =	simm.s32 $0x1BF5;
	[smem:$0x3FB4] =	sst s0  }
0x18: {  	s0 =	sld [smem:$0x3F97];
	_ =	swait.ge [sflag:s4], $0x0  }
0x19: {  	s7 =	sld [smem:$0x3F98]  }
0x1a: {  	s8 =	sadd.s32 $0xFFFFE003, lr  }
0x1b: {  	s9 =	sadd.s32 $0xFFFFFEF7, lr;
	s5 =	simm.s32 $0xFFFFFFFF;
	p2 =	slt.u32 s8, $0xFFFFF086  }
0x1c: {  	p1 =	slt.u32 s9, $0xF7A;
	s5 =	simm.s32 @!p2 $0x0  }
0x1d: {  	s5 =	simm.s32 @p1 $0x1;
	p0 =	seq.s32 s7, s2  }
0x1e: {  	s7 =	smul.u32 @!p0 $0xF7A, s2;
	p2 =	seq.s32 @!p0 s5, $0x0  }
0x1f: {  	s9 =	smul.u32 $0xF7A, s1;
	s8 =	simm.s32 @!p0 $0x1BF5;
	p2 =	por !p2, p0  }
0x20: {  	[sflag:s8] =	ssyncset.s32 @!p0 $0xFFFFF086;
	s6 =	sadd.s32 @!p0 s3, s7;
	s7 =	simm.s32 @!p0 $0x108  }
0x21: {  	s3 =	sadd.s32 s3, s9;
	s6 =	sadd.s32 @!p0 $0x88, s6;
	s7 =	simm.s32 @p2 $0x1082  }
0x22: {  	[simem:s7], [sflag:s8] =	dma.local @!p0 [hbm:s6], $0xF7A  }
0x23: {  	s9 =	sor.u32 $0xD0000000, s2;
	s6 =	simm.s32 $0x108;
	_ =	swait.ge @!p0 [sflag:s8], $0x0  }
0x24: {  	s3 =	sadd.s32 $0x88, s3;
	s6 =	simm.s32 @!p1 $0x1082;
	[sflag:s4] =	ssyncset.s32 $0xFFFFF086  }
0x25: {  	[simem:s6], [sflag:s4] =	dma.local [hbm:s3], $0xF7A  }
0x26: {  	[smem:$0x3F98] =	sst s1;
	(tag) =	ssettag s2;
	_ =	strace s9  }
0x27: {  	s1 =	sld [smem:$0x3FA8]  }
0x28: {  	s2 =	sld [smem:$0x3FA9]  }
0x29: {  	s4 =	sld [smem:$0x3FAB]  }
0x2a: {  	p0 =	seq.s32 s5, $0x0;
	s5 =	sld [smem:$0x3FAC]  }
0x2b: {  	s6 =	sld [smem:$0x3FAD]  }
0x2c: {  	s7 =	sld [smem:$0x3FAE]  }
0x2d: {  	s3 =	simm.s32 $0x108;
	s8 =	sld [smem:$0x3FAF]  }
0x2e: {  	s3 =	simm.s32 @!p0 $0x1082;
	s9 =	sld [smem:$0x3FB0]  }
0x2f: {  	lr =	sadd.s32 s0, s3;
	s0 =	sld [smem:$0x3FA7]  }
0x30: {  	s3 =	sld [smem:$0x3FAA]  }
0x31: {  	[smem:$0x3FB3] =	sst s10  }
0x32: {  	s10 =	sld [smem:$0x3FB1];
	_ =	sdelay $0x3  }
0x33: {  	p0 =	seq.s32 s10, $0x1;
	s10 =	sld [smem:$0x3FB3];
	_ =	sdelay $0x3  }
0x34: {  	[smem:$0x3FB3] =	sst s10  }
0x35: {  	s10 =	sld [smem:$0x3FB2];
	_ =	sdelay $0x3  }
0x36: {  	p1 =	seq.s32 s10, $0x1;
	s10 =	sld [smem:$0x3FB3];
	_ =	sdelay $0x3  }
0x37: {  	[smem:$0x3FB3] =	sst s10  }
0x38: {  	s10 =	sld [smem:$0x3FB4]  }
0x39: {  	_ = 	snop;
	(pc) =	sbr.ind lr, $3  }
0x3a: {  	_ = 	snop  }
0x3b: {  	_ = 	snop  }
0x3c: {  	p2 =	seq.s32 s10, $0x1;
	s10 =	sld [smem:$0x3FB3]  }
0x3d: {  	_ =	shalt  }
0x3e: {  	_ =	shalt  }
0x3f: {  	_ =	shalt  }
0x40: {  	_ =	shalt  }
0x41: {  	_ =	shalt  }
0x42: {  	_ =	shalt  }
0x43: {  	_ =	shalt  }
0x44: {  	_ =	shalt  }
0x45: {  	_ =	shalt  }
0x46: {  	_ =	shalt  }
0x47: {  	_ =	shalt  }
0x48: {  	_ =	shalt  }
0x49: {  	_ =	shalt  }
0x4a: {  	_ =	shalt  }
0x4b: {  	_ =	shalt  }
0x4c: {  	_ =	shalt  }
0x4d: {  	_ =	shalt  }
0x4e: {  	_ =	shalt  }
0x4f: {  	_ =	shalt  }
0x50: {  	_ =	shalt  }
0x51: {  	_ =	shalt  }
0x52: {  	_ =	shalt  }
0x53: {  	_ =	shalt  }
0x54: {  	_ =	shalt  }
0x55: {  	_ =	shalt  }
0x56: {  	_ =	shalt  }
0x57: {  	_ =	shalt  }
0x58: {  	_ =	shalt  }
0x59: {  	_ =	shalt  }
0x5a: {  	_ =	shalt  }
0x5b: {  	_ =	shalt  }
0x5c: {  	_ =	shalt  }
0x5d: {  	_ =	shalt  }
0x5e: {  	_ =	shalt  }
0x5f: {  	_ =	shalt  }
0x60: {  	_ =	shalt  }
0x61: {  	_ =	shalt  }
0x62: {  	_ =	shalt  }
0x63: {  	_ =	shalt  }
0x64: {  	_ =	shalt  }
0x65: {  	_ =	shalt  }
0x66: {  	_ =	shalt  }
0x67: {  	_ =	shalt  }
0x68: {  	_ =	shalt  }
0x69: {  	_ =	shalt  }
0x6a: {  	_ =	shalt  }
0x6b: {  	_ =	shalt  }
0x6c: {  	_ =	shalt  }
0x6d: {  	_ =	shalt  }
0x6e: {  	_ =	shalt  }
0x6f: {  	_ =	shalt  }
0x70: {  	_ =	shalt  }
0x71: {  	_ =	shalt  }
0x72: {  	_ =	shalt  }
0x73: {  	_ =	shalt  }
0x74: {  	_ =	shalt  }
0x75: {  	_ =	shalt  }
0x76: {  	_ =	shalt  }
0x77: {  	_ =	shalt  }
0x78: {  	_ =	shalt  }
0x79: {  	_ =	shalt  }
0x7a: {  	_ =	shalt  }
0x7b: {  	_ =	shalt  }
0x7c: {  	_ =	shalt  }
0x7d: {  	_ =	shalt  }
0x7e: {  	_ =	shalt  }
0x7f: {  	_ =	shalt  }
0x80: {  	_ =	shalt  }
0x81: {  	_ =	shalt  }
0x82: {  	_ =	shalt  }
0x83: {  	_ =	shalt  }
0x84: {  	_ =	shalt  }
0x85: {  	_ =	shalt  }
0x86: {  	_ =	shalt  }
0x87: {  	_ =	shalt  }
.Lfunc_end0:
.L_simem_size_0:
called_computation_lowered:
.L_overlay_start_0:
0x88: {  	s2 =	sld [smem:$0x3FD9]  }
0x89: {  	s3 =	sld [smem:$0x3FFE];
	_ =	sdelay $0x1  }
0x8a: {  	s1 =	srdreg.scid  }
0x8b: {  	s0 =	sand.u32 $0x1, s1  }
0x8c: {  	s17 =	sshll.u32 s0, $0xA;
	s2 =	sadd.s32 s3, s2  }
0x8d: {  	s2 =	sadd.s32 s2, s17  }
0x8e: {  	[smem:$0x3FBF] =	sst s2  }
0x8f: {  	_ = 	snop  }
0x90: {  	s2 =	sld [smem:$0x3FC8]  }
0x91: {  	s18 =	sld [smem:$0x3FC7]  }
0x92: {  	s4 =	sld [smem:$0x3FD0];
	(tm) =	ssettm $0x1  }
0x93: {  	s5 =	sld [smem:$0x3FFB];
	_ =	sdelay $0x3  }
0x94: {  	_ =	strace s5  }
0x95: {  	s5 =	sld [smem:$0x3FFC];
	_ =	sdelay $0x3  }
0x96: {  	_ =	strace s5  }
0x97: {  	s5 =	sld [smem:$0x3FFD];
	_ =	sdelay $0x3  }
0x98: {  	_ =	strace s5  }
0x99: {  	_ =	strace $0x8FFFFFFF  }
0x9a: {  	s19 =	sld [smem:$0x3FDB];
	_ =	sdelay $0x1  }
0x9b: {  	s6 =	simm.s32 $_scs_section_size  }
0x9c: {  	s7 =	simm.s32 $_size__tile_overlayer_lowered;
	s8 =	simm.s32 $_tile_overlayer_lowered  }
0x9d: {  	s22 =	simm.s32 $0x1BFF;
	s21 =	sshll.u32 s8, $0x1;
	s5 =	sadd.s32 s6, s19  }
0x9e: {  	s9 =	simm.s32 $0x0;
	s20 =	sshll.u32 s7, $0x1;
	s7 =	sadd.s32 s21, s5  }
0x9f: {  	[timem:s9], [sflag:s22] =	dma.local [hbm:s7], s20  }
0xa0: {  	_ =	swait.ge [sflag:s22], s20  }
0xa1: {  	s6 =	ssub.s32 $0x0, s20;
	[sflag:s22] =	ssyncset.done $0x0  }
0xa2: {  	[sflag:s22] =	ssyncadd.s32 s6;
	_ =	sdelay $0x1  }
0xa3: {  	s23 =	simm.s32 $0x1B8B  }
0xa4: {  	_ =	swait.ge [sflag:s23], $0x1  }
0xa5: {  	[sflag:s23] =	ssyncset.done $0x0  }
0xa6: {  	s25 =	simm.s32 $0x1B8E;
	s24 =	sld [smem:$0x3FFE];
	[sflag:s23] =	ssyncadd.s32 $0xFFFFFFFF  }
0xa7: {  	s26 =	simm.s32 $execute0_lowered;
	[smem:$0x3FD2] =	sst s25  }
0xa8: {  	s7 =	sshll.u32 s26, $0x1;
	_ =	strace $0x80000046;
	[dreg:$0x1] =	wrdreg $0xFFFFFFFF  }
0xa9: {  	s28 =	simm.s32 $_size_execute0_lowered;
	s5 =	sadd.s32 s5, s7;
	[dreg:$0x0] =	wrdreg $0x0  }
0xaa: {  	s7 =	sshll.u32 s28, $0x1;
	[dreg:$0x2] =	wrdreg s5  }
0xab: {  	[dreg:$0x3] =	wrdreg s7  }
0xac: {  	[dreg:$0x4] =	wrdreg $0xC0  }
0xad: {  	_ =	task [dreg:s9], $0x5FFFF  }
0xae: {  	[dreg:$0x1] =	wrdreg $0xFFFFFFFF  }
0xaf: {  	[dreg:$0x0] =	wrdreg $0x60  }
0xb0: {  	[dreg:$0x2] =	wrdreg s24  }
0xb1: {  	[dreg:$0x3] =	wrdreg s2  }
0xb2: {  	[dreg:$0x4] =	wrdreg s18  }
0xb3: {  	[dreg:$0x5] =	wrdreg s4  }
0xb4: {  	[dreg:$0x6] =	wrdreg $0x9  }
0xb5: {  	_ =	task.clear_ibuf [dreg:s9], $0x7FFFF;
	_ =	strace $0x90000046  }
0xb6: {  	s29 =	simm.s32 $0x9;
	_ =	strace $0x80000048  }
0xb7: {  	_ =	swait.ge [sflag:s29], $0x1  }
0xb8: {  	[sflag:s29] =	ssyncadd.s32 $0xFFFFFFFF  }
0xb9: {  	_ =	strace $0x90000048  }
0xba: {  	_ =	sfence  }
0xbb: {  	s30 =	sld [smem:$0x0];
	_ =	sdelay $0x2  }
0xbc: {  	s31 =	sshll.u32 s1, $0xD;
	s1 =	sshrl.u32 s1, $0x2  }
0xbd: {  	s3 =	sand.u32 $0x4000, s31;
	s1 =	sadd.s32 s1, s30  }
0xbe: {  	s0 =	sor.u32 s3, s0;
	s1 =	sshll.u32 s1, $0x11  }
0xbf: {  	s0 =	sor.u32 s1, s0  }
0xc0: {  	s0 =	sadd.s32 $0x8F2B, s0  }
0xc1: {  	[sflag:s0] =	ssyncadd.remote.s32 $0x1  }
0xc2: {  	_ =	sfence.sel $0xFFFF  }
0xc3: {  	[dreg:$0x0] =	wrdreg $0xFFFFFFFF;
	(pc) =	sbr.abs _section_cstart, $3  }
0xc4: {  	[dreg:$0x1] =	wrdreg $0xFFFFFFFF  }
0xc5: {  	_ =	task.clear_ibuf [dreg:s9], $0x2FFFF;
	_ =	strace $0x9FFFFFFF  }
0xc6: {  	(tm) =	ssettm $0x7FFFFFFF  }
0xc7: {  	_ =	shalt  }
tec
execute0_lowered:
.L_overlay_start_1:
0x0: {  	(tag) =	ssettag $0x1  }
0x1: {  	s0 =	rddreg [dreg:$0x0]  }
0x2: {  	s2 =	rddreg [dreg:$0x1]  }
0x3: {  	s4 =	rddreg [dreg:$0x2]  }
0x4: {  	s5 =	rddreg [dreg:$0x3]  }
0x5: {  	s1 =	simm.s32 $0x0;
	s6 =	srdreg.scid;
	s10 =	stileid.u32  }
0x6: {  	s29 =	simm.s32 $0x80;
	s30 =	simm.s32 $0x100;
	s31 =	simm.s32 $0x180  }
0x7: {  	[smem:$0x7FF] =	sst s1;
	s15 =	sadd.s32 $0x1C00, s0;
	s3 =	sadd.s32 $0x41C00, s0  }
0x8: {  	s6 =	sand.u32 $0x1, s6;
	s9 =	sshll.u32 s10, $0x7;
	s10 =	sshll.u32 s10, $0xE  }
0x9: {  	_ =	strace $0x80000047;
	s7 =	ssub.s32 $0x2, s6;
	[dreg:$0x8] =	wrdreg s29  }
0xa: {  	s8 =	sshll.u32 s6, $0x6;
	s6 =	sshll.u32 s6, $0xD;
	[dreg:$0x9] =	wrdreg s30  }
0xb: {  	[dreg:$0xa] =	wrdreg s31;
	s11 =	sshrl.u32 s7, $0x1;
	s8 =	sor.u32 s8, s9  }
0xc: {  	s16 =	sor.u32 s6, s10;
	s19 =	ssub.s32 s7, s11;
	s14 =	sadd.s32 s5, s8  }
0xd: {  	s18 =	sadd.s32 s15, s16;
	s20 =	sadd.s32 s2, s16;
	s21 =	sadd.s32 s4, s16  }
0xe: {  	s8 =	sadd.s32 $0x41D00, s0;
	s23 =	sor.u32 $0x800, s16;
	[dreg:$0xd] =	wrdreg s18  }
0xf: {  	s26 =	sor.u32 $0x1000, s16;
	s28 =	sor.u32 $0x1800, s16;
	[dreg:$0xe] =	wrdreg s20  }
0x10: {  	[dreg:$0xf] =	wrdreg s21;
	s22 =	sadd.s32 $0x10, s14;
	s24 =	sadd.s32 s15, s23  }
0x11: {  	s25 =	sadd.s32 s2, s23;
	s12 =	sadd.s32 $0x20, s14;
	[dreg:$0xb] =	wrdreg s14  }
0x12: {  	s11 =	sadd.s32 s4, s23;
	s13 =	sadd.s32 s2, s26;
	[dreg:$0x5] =	wrdreg s22  }
0x13: {  	s17 =	sadd.s32 $0x30, s14;
	s14 =	sadd.s32 s4, s26;
	[dreg:$0x10] =	wrdreg s24  }
0x14: {  	v2 =	vlaneseq.u32;
	s16 =	sadd.s32 s2, s28;
	s2 =	smax.u32 s19, $0x1;
	[dreg:$0x11] =	wrdreg s25  }
0x15: {  	vm0 =	vmmov $0xffff;
	vm1 =	vmmov $0xff;
	v1 =	vshrl.u32 v2, $0x3;
	s19 =	simm.s32 $0x2;
	[dreg:$0x6] =	wrdreg s12;
	s12 =	sadd.s32 s15, s26  }
0x16: {  	v0 =	vand.u32 $0x7, v2;
	v2 =	vor.u32 $0x8, v2;
	v1 =	vmul.u32 $0x8, v1;
	[dreg:$0x7] =	wrdreg s17;
	s15 =	sadd.s32 s15, s28;
	s17 =	sadd.s32 s4, s28  }
.LBB2_1:
0x17: {  	[dreg:$0xc] =	wrdreg s2  }
0x18: {  	s25 =	rddreg [dreg:$0xb]  }
0x19: {  	[tilespmem:s1], [sflag:$0x2] =	stream.linear.gather [hbm4b:s25+s1], $0x80, $0x38;
	[tilespmem:$0xC200] =	vst v63  }
0x1a: {  	_ =	swait.ge [sflag:s19], $0x80  }
0x1b: {  	[sflag:s19] =	ssyncset.done $0x0  }
0x1c: {  	s0 =	simm.s32 $0x200;
	s2 =	rddreg [dreg:$0xd];
	[sflag:s19] =	ssyncadd.s32 $0xFFFFFF80  }
0x1d: {  	[tilespmem:s0], [sflag:$0x2] =	stream.linear.gather [hbm4b:s2+s1], $0x400, $0x38;
	[tilespmem:$0xC200] =	vst v63  }
0x1e: {  	s21 =	simm.s32 $0xE00;
	s20 =	sadd.s32 $0x80, s2  }
0x1f: {  	[tilespmem:s21], [sflag:$0x2] =	stream.linear.gather [hbm4b:s20+s1], $0x400, $0x38;
	[tilespmem:$0xC200] =	vst v63  }
0x20: {  	s23 =	simm.s32 $0x1A00;
	s22 =	sadd.s32 $0x100, s2  }
0x21: {  	[tilespmem:s23], [sflag:$0x2] =	stream.linear.gather [hbm4b:s22+s1], $0x400, $0x38;
	[tilespmem:$0xC200] =	vst v63  }
0x22: {  	s26 =	simm.s32 $0x2600;
	s24 =	sadd.s32 $0x180, s2  }
0x23: {  	[tilespmem:s26], [sflag:$0x2] =	stream.linear.gather [hbm4b:s24+s1], $0x400, $0x38;
	[tilespmem:$0xC200] =	vst v63  }
0x24: {  	s31 =	simm.s32 $0x3200;
	s30 =	sadd.s32 $0x200, s2  }
0x25: {  	[tilespmem:s31], [sflag:$0x2] =	stream.linear.gather [hbm4b:s30+s1], $0x400, $0x38;
	[tilespmem:$0xC200] =	vst v63  }
0x26: {  	s5 =	simm.s32 $0x3E00;
	s4 =	sadd.s32 $0x280, s2  }
0x27: {  	[tilespmem:s5], [sflag:$0x2] =	stream.linear.gather [hbm4b:s4+s1], $0x400, $0x38;
	[tilespmem:$0xC200] =	vst v63  }
0x28: {  	s18 =	simm.s32 $0x4A00;
	s7 =	sadd.s32 $0x300, s2  }
0x29: {  	[tilespmem:s18], [sflag:$0x2] =	stream.linear.gather [hbm4b:s7+s1], $0x400, $0x38;
	[tilespmem:$0xC200] =	vst v63  }
0x2a: {  	s20 =	sadd.s32 $0x380, s2;
	s21 =	simm.s32 $0x5600  }
0x2b: {  	[tilespmem:s21], [sflag:$0x2] =	stream.linear.gather [hbm4b:s20+s1], $0x400, $0x38;
	[tilespmem:$0xC200] =	vst v63  }
0x2c: {  	s22 =	sadd.s32 $0x400, s2;
	s23 =	simm.s32 $0x6200  }
0x2d: {  	[tilespmem:s23], [sflag:$0x2] =	stream.linear.gather [hbm4b:s22+s1], $0x400, $0x38;
	[tilespmem:$0xC200] =	vst v63  }
0x2e: {  	s24 =	sadd.s32 $0x480, s2;
	s26 =	simm.s32 $0x6E00  }
0x2f: {  	[tilespmem:s26], [sflag:$0x2] =	stream.linear.gather [hbm4b:s24+s1], $0x400, $0x38;
	[tilespmem:$0xC200] =	vst v63  }
0x30: {  	s30 =	sadd.s32 $0x500, s2;
	s31 =	simm.s32 $0x7A00  }
0x31: {  	[tilespmem:s31], [sflag:$0x2] =	stream.linear.gather [hbm4b:s30+s1], $0x400, $0x38;
	[tilespmem:$0xC200] =	vst v63  }
0x32: {  	s0 =	sadd.s32 $0x580, s2;
	s4 =	simm.s32 $0x8600  }
0x33: {  	[tilespmem:s4], [sflag:$0x2] =	stream.linear.gather [hbm4b:s0+s1], $0x400, $0x38;
	[tilespmem:$0xC200] =	vst v63  }
0x34: {  	s5 =	sadd.s32 $0x600, s2;
	s7 =	simm.s32 $0x9200  }
0x35: {  	[tilespmem:s7], [sflag:$0x2] =	stream.linear.gather [hbm4b:s5+s1], $0x400, $0x38;
	[tilespmem:$0xC200] =	vst v63  }
0x36: {  	s18 =	sadd.s32 $0x680, s2;
	s20 =	simm.s32 $0x9E00  }
0x37: {  	[tilespmem:s20], [sflag:$0x2] =	stream.linear.gather [hbm4b:s18+s1], $0x400, $0x38;
	[tilespmem:$0xC200] =	vst v63  }
0x38: {  	s21 =	sadd.s32 $0x700, s2;
	s22 =	simm.s32 $0xAA00  }
0x39: {  	[tilespmem:s22], [sflag:$0x2] =	stream.linear.gather [hbm4b:s21+s1], $0x400, $0x38;
	[tilespmem:$0xC200] =	vst v63  }
0x3a: {  	s23 =	sadd.s32 $0x780, s2;
	s24 =	simm.s32 $0xB600  }
0x3b: {  	[tilespmem:s24], [sflag:$0x2] =	stream.linear.gather [hbm4b:s23+s1], $0x400, $0x38;
	[tilespmem:$0xC200] =	vst v63  }
0x3c: {  	_ =	swait.ge [sflag:s19], $0x4000  }
0x3d: {  	[sflag:s19] =	ssyncset.done $0x0  }
0x3e: {  	s26 =	simm.s32 $0x600;
	s2 =	rddreg [dreg:$0xe];
	[sflag:s19] =	ssyncadd.s32 $0xFFFFC000  }
0x3f: {  	[tilespmem:s26], [sflag:$0x2] =	stream.linear.gather [hbm4b:s2+s1], $0x400, $0x38;
	[tilespmem:$0xC200] =	vst v63  }
0x40: {  	s31 =	simm.s32 $0x1200;
	s30 =	sadd.s32 $0x80, s2  }
0x41: {  	[tilespmem:s31], [sflag:$0x2] =	stream.linear.gather [hbm4b:s30+s1], $0x400, $0x38;
	[tilespmem:$0xC200] =	vst v63  }
0x42: {  	s5 =	simm.s32 $0x1E00;
	s4 =	sadd.s32 $0x100, s2  }
0x43: {  	[tilespmem:s5], [sflag:$0x2] =	stream.linear.gather [hbm4b:s4+s1], $0x400, $0x38;
	[tilespmem:$0xC200] =	vst v63  }
0x44: {  	s18 =	simm.s32 $0x2A00;
	s7 =	sadd.s32 $0x180, s2  }
0x45: {  	[tilespmem:s18], [sflag:$0x2] =	stream.linear.gather [hbm4b:s7+s1], $0x400, $0x38;
	[tilespmem:$0xC200] =	vst v63  }
0x46: {  	s21 =	simm.s32 $0x3600;
	s20 =	sadd.s32 $0x200, s2  }
0x47: {  	[tilespmem:s21], [sflag:$0x2] =	stream.linear.gather [hbm4b:s20+s1], $0x400, $0x38;
	[tilespmem:$0xC200] =	vst v63  }
0x48: {  	s23 =	simm.s32 $0x4200;
	s22 =	sadd.s32 $0x280, s2  }
0x49: {  	[tilespmem:s23], [sflag:$0x2] =	stream.linear.gather [hbm4b:s22+s1], $0x400, $0x38;
	[tilespmem:$0xC200] =	vst v63  }
0x4a: {  	s24 =	sadd.s32 $0x300, s2;
	s26 =	simm.s32 $0x4E00  }
0x4b: {  	[tilespmem:s26], [sflag:$0x2] =	stream.linear.gather [hbm4b:s24+s1], $0x400, $0x38;
	[tilespmem:$0xC200] =	vst v63  }
0x4c: {  	s30 =	sadd.s32 $0x380, s2;
	s31 =	simm.s32 $0x5A00  }
0x4d: {  	[tilespmem:s31], [sflag:$0x2] =	stream.linear.gather [hbm4b:s30+s1], $0x400, $0x38;
	[tilespmem:$0xC200] =	vst v63  }
0x4e: {  	s4 =	sadd.s32 $0x400, s2;
	s5 =	simm.s32 $0x6600  }
0x4f: {  	[tilespmem:s5], [sflag:$0x2] =	stream.linear.gather [hbm4b:s4+s1], $0x400, $0x38;
	[tilespmem:$0xC200] =	vst v63  }
0x50: {  	s7 =	sadd.s32 $0x480, s2;
	s18 =	simm.s32 $0x7200  }
0x51: {  	[tilespmem:s18], [sflag:$0x2] =	stream.linear.gather [hbm4b:s7+s1], $0x400, $0x38;
	[tilespmem:$0xC200] =	vst v63  }
0x52: {  	s20 =	sadd.s32 $0x500, s2;
	s21 =	simm.s32 $0x7E00  }
0x53: {  	[tilespmem:s21], [sflag:$0x2] =	stream.linear.gather [hbm4b:s20+s1], $0x400, $0x38;
	[tilespmem:$0xC200] =	vst v63  }
0x54: {  	s22 =	sadd.s32 $0x580, s2;
	s23 =	simm.s32 $0x8A00  }
0x55: {  	[tilespmem:s23], [sflag:$0x2] =	stream.linear.gather [hbm4b:s22+s1], $0x400, $0x38;
	[tilespmem:$0xC200] =	vst v63  }
0x56: {  	s24 =	sadd.s32 $0x600, s2;
	s26 =	simm.s32 $0x9600  }
0x57: {  	[tilespmem:s26], [sflag:$0x2] =	stream.linear.gather [hbm4b:s24+s1], $0x400, $0x38;
	[tilespmem:$0xC200] =	vst v63  }
0x58: {  	s30 =	sadd.s32 $0x680, s2;
	s31 =	simm.s32 $0xA200  }
0x59: {  	[tilespmem:s31], [sflag:$0x2] =	stream.linear.gather [hbm4b:s30+s1], $0x400, $0x38;
	[tilespmem:$0xC200] =	vst v63  }
0x5a: {  	s0 =	sadd.s32 $0x700, s2;
	s4 =	simm.s32 $0xAE00  }
0x5b: {  	[tilespmem:s4], [sflag:$0x2] =	stream.linear.gather [hbm4b:s0+s1], $0x400, $0x38;
	[tilespmem:$0xC200] =	vst v63  }
0x5c: {  	s5 =	sadd.s32 $0x780, s2;
	s7 =	simm.s32 $0xBA00  }
0x5d: {  	[tilespmem:s7], [sflag:$0x2] =	stream.linear.gather [hbm4b:s5+s1], $0x400, $0x38;
	[tilespmem:$0xC200] =	vst v63  }
0x5e: {  	_ =	swait.ge [sflag:s19], $0x4000  }
0x5f: {  	[sflag:s19] =	ssyncset.done $0x0  }
0x60: {  	s18 =	simm.s32 $0xA00;
	s7 =	rddreg [dreg:$0xf];
	[sflag:s19] =	ssyncadd.s32 $0xFFFFC000  }
0x61: {  	[tilespmem:s18], [sflag:$0x2] =	stream.linear.gather [hbm4b:s7+s1], $0x400, $0x38;
	[tilespmem:$0xC200] =	vst v63  }
0x62: {  	s21 =	simm.s32 $0x1600;
	s20 =	sadd.s32 $0x80, s7  }
0x63: {  	[tilespmem:s21], [sflag:$0x2] =	stream.linear.gather [hbm4b:s20+s1], $0x400, $0x38;
	[tilespmem:$0xC200] =	vst v63  }
0x64: {  	s23 =	simm.s32 $0x2200;
	s22 =	sadd.s32 $0x100, s7  }
0x65: {  	[tilespmem:s23], [sflag:$0x2] =	stream.linear.gather [hbm4b:s22+s1], $0x400, $0x38;
	[tilespmem:$0xC200] =	vst v63  }
0x66: {  	s26 =	simm.s32 $0x2E00;
	s24 =	sadd.s32 $0x180, s7  }
0x67: {  	[tilespmem:s26], [sflag:$0x2] =	stream.linear.gather [hbm4b:s24+s1], $0x400, $0x38;
	[tilespmem:$0xC200] =	vst v63  }
0x68: {  	s31 =	simm.s32 $0x3A00;
	s30 =	sadd.s32 $0x200, s7  }
0x69: {  	[tilespmem:s31], [sflag:$0x2] =	stream.linear.gather [hbm4b:s30+s1], $0x400, $0x38;
	[tilespmem:$0xC200] =	vst v63  }
0x6a: {  	s0 =	sadd.s32 $0x280, s7;
	s21 =	simm.s32 $0x4600  }
0x6b: {  	[tilespmem:s21], [sflag:$0x2] =	stream.linear.gather [hbm4b:s0+s1], $0x400, $0x38;
	[tilespmem:$0xC200] =	vst v63  }
0x6c: {  	s22 =	sadd.s32 $0x300, s7;
	s23 =	simm.s32 $0x5200  }
0x6d: {  	[tilespmem:s23], [sflag:$0x2] =	stream.linear.gather [hbm4b:s22+s1], $0x400, $0x38;
	[tilespmem:$0xC200] =	vst v63  }
0x6e: {  	s24 =	sadd.s32 $0x380, s7;
	s26 =	simm.s32 $0x5E00  }
0x6f: {  	[tilespmem:s26], [sflag:$0x2] =	stream.linear.gather [hbm4b:s24+s1], $0x400, $0x38;
	[tilespmem:$0xC200] =	vst v63  }
0x70: {  	s30 =	sadd.s32 $0x400, s7;
	s31 =	simm.s32 $0x6A00  }
0x71: {  	[tilespmem:s31], [sflag:$0x2] =	stream.linear.gather [hbm4b:s30+s1], $0x400, $0x38;
	[tilespmem:$0xC200] =	vst v63  }
0x72: {  	s0 =	sadd.s32 $0x480, s7;
	s26 =	simm.s32 $0x7600  }
0x73: {  	[tilespmem:s26], [sflag:$0x2] =	stream.linear.gather [hbm4b:s0+s1], $0x400, $0x38;
	[tilespmem:$0xC200] =	vst v63  }
0x74: {  	s30 =	sadd.s32 $0x500, s7;
	s31 =	simm.s32 $0x8200  }
0x75: {  	[tilespmem:s31], [sflag:$0x2] =	stream.linear.gather [hbm4b:s30+s1], $0x400, $0x38;
	[tilespmem:$0xC200] =	vst v63  }
0x76: {  	s0 =	sadd.s32 $0x580, s7;
	s31 =	simm.s32 $0x8E00  }
0x77: {  	[tilespmem:s31], [sflag:$0x2] =	stream.linear.gather [hbm4b:s0+s1], $0x400, $0x38;
	[tilespmem:$0xC200] =	vst v63  }
0x78: {  	s0 =	sadd.s32 $0x600, s7;
	s31 =	simm.s32 $0x9A00  }
0x79: {  	[tilespmem:s31], [sflag:$0x2] =	stream.linear.gather [hbm4b:s0+s1], $0x400, $0x38;
	[tilespmem:$0xC200] =	vst v63  }
0x7a: {  	s0 =	sadd.s32 $0x680, s7;
	s31 =	simm.s32 $0xA600  }
0x7b: {  	[tilespmem:s31], [sflag:$0x2] =	stream.linear.gather [hbm4b:s0+s1], $0x400, $0x38;
	[tilespmem:$0xC200] =	vst v63  }
0x7c: {  	s0 =	sadd.s32 $0x700, s7;
	s31 =	simm.s32 $0xB200  }
0x7d: {  	[tilespmem:s31], [sflag:$0x2] =	stream.linear.gather [hbm4b:s0+s1], $0x400, $0x38;
	[tilespmem:$0xC200] =	vst v63  }
0x7e: {  	s0 =	sadd.s32 $0x780, s7;
	s7 =	simm.s32 $0xBE00  }
0x7f: {  	[tilespmem:s7], [sflag:$0x2] =	stream.linear.gather [hbm4b:s0+s1], $0x400, $0x38;
	[tilespmem:$0xC200] =	vst v63  }
0x80: {  	_ =	swait.ge [sflag:s19], $0x4000  }
0x81: {  	[sflag:s19] =	ssyncset.done $0x0  }
0x82: {  	[sflag:s19] =	ssyncadd.s32 $0xFFFFC000  }
0x83: {  	v3 =	vld [tilespmem:$0x0];
	_ =	sdelay $0x4  }
0x84: {  	v4 =	vshrl.u32 v3, $0x3  }
0x85: {  	v4 =	vmul.u32 $0x18, v4  }
0x86: {  	v3 =	vand.u32 $0x7, v3  }
0x87: {  	v3 =	vor.u32 v3, v4  }
0x88: {  	v4 =	vperm.xlane v3, v0;
	_ =	sdelay $0x1  }
0x89: {  	v4 =	vadd.s32 v1, v4;
	_ =	sdelay $0x1  }
0x8a: {  	v3 =	vperm.xlane v3, v2;
	_ =	sdelay $0x1  }
0x8b: {  	s29 =	simm.s32 $0x200;
	v3 =	vadd.s32 v1, v3  }
0x8c: {  	[hbm4b:s3+s1] =	stream.indirect_vreg.scatter [tilespmem:s29], [sflag:$0x1], $0x80, v4, vm0, $0xb8;
	[tilespmem:$0xC200] =	vst v63  }
0x8d: {  	s2 =	simm.s32 $0xA00  }
0x8e: {  	[hbm4b:s8+s1] =	stream.indirect_vreg.scatter [tilespmem:s2], [sflag:$0x1], $0x80, v4, vm1, $0xb8;
	[tilespmem:$0xC200] =	vst v63  }
0x8f: {  	s28 =	simm.s32 $0xE00  }
0x90: {  	[hbm4b:s3+s1] =	stream.indirect_vreg.scatter [tilespmem:s28], [sflag:$0x1], $0x80, v3, vm0, $0xb8;
	[tilespmem:$0xC200] =	vst v63  }
0x91: {  	s4 =	simm.s32 $0x1600  }
0x92: {  	[hbm4b:s8+s1] =	stream.indirect_vreg.scatter [tilespmem:s4], [sflag:$0x1], $0x80, v3, vm1, $0xb8;
	[tilespmem:$0xC200] =	vst v63  }
0x93: {  	v3 =	vld [tilespmem:$0x10];
	_ =	sdelay $0x4  }
0x94: {  	v33 =	vshrl.u32 v3, $0x3  }
0x95: {  	v4 =	vmul.u32 $0x18, v33  }
0x96: {  	v3 =	vand.u32 $0x7, v3  }
0x97: {  	v3 =	vor.u32 v3, v4  }
0x98: {  	v4 =	vperm.xlane v3, v0;
	_ =	sdelay $0x1  }
0x99: {  	v4 =	vadd.s32 v1, v4;
	_ =	sdelay $0x1  }
0x9a: {  	v3 =	vperm.xlane v3, v2;
	_ =	sdelay $0x1  }
0x9b: {  	s10 =	simm.s32 $0x1A00;
	v3 =	vadd.s32 v1, v3  }
0x9c: {  	[hbm4b:s3+s1] =	stream.indirect_vreg.scatter [tilespmem:s10], [sflag:$0x1], $0x80, v4, vm0, $0xb8;
	[tilespmem:$0xC200] =	vst v63  }
0x9d: {  	s18 =	simm.s32 $0x2200  }
0x9e: {  	[hbm4b:s8+s1] =	stream.indirect_vreg.scatter [tilespmem:s18], [sflag:$0x1], $0x80, v4, vm1, $0xb8;
	[tilespmem:$0xC200] =	vst v63  }
0x9f: {  	s9 =	simm.s32 $0x2600  }
0xa0: {  	[hbm4b:s3+s1] =	stream.indirect_vreg.scatter [tilespmem:s9], [sflag:$0x1], $0x80, v3, vm0, $0xb8;
	[tilespmem:$0xC200] =	vst v63  }
0xa1: {  	s5 =	simm.s32 $0x2E00  }
0xa2: {  	[hbm4b:s8+s1] =	stream.indirect_vreg.scatter [tilespmem:s5], [sflag:$0x1], $0x80, v3, vm1, $0xb8;
	[tilespmem:$0xC200] =	vst v63  }
0xa3: {  	v3 =	vld [tilespmem:$0x20];
	_ =	sdelay $0x4  }
0xa4: {  	v34 =	vshrl.u32 v3, $0x3  }
0xa5: {  	v4 =	vmul.u32 $0x18, v34  }
0xa6: {  	v3 =	vand.u32 $0x7, v3  }
0xa7: {  	v3 =	vor.u32 v3, v4  }
0xa8: {  	v4 =	vperm.xlane v3, v0;
	_ =	sdelay $0x1  }
0xa9: {  	v4 =	vadd.s32 v1, v4;
	_ =	sdelay $0x1  }
0xaa: {  	v3 =	vperm.xlane v3, v2;
	_ =	sdelay $0x1  }
0xab: {  	s6 =	simm.s32 $0x3200;
	v3 =	vadd.s32 v1, v3  }
0xac: {  	[hbm4b:s3+s1] =	stream.indirect_vreg.scatter [tilespmem:s6], [sflag:$0x1], $0x80, v4, vm0, $0xb8;
	[tilespmem:$0xC200] =	vst v63  }
0xad: {  	s20 =	simm.s32 $0x3A00  }
0xae: {  	[hbm4b:s8+s1] =	stream.indirect_vreg.scatter [tilespmem:s20], [sflag:$0x1], $0x80, v4, vm1, $0xb8;
	[tilespmem:$0xC200] =	vst v63  }
0xaf: {  	s20 =	simm.s32 $0x3E00  }
0xb0: {  	[hbm4b:s3+s1] =	stream.indirect_vreg.scatter [tilespmem:s20], [sflag:$0x1], $0x80, v3, vm0, $0xb8;
	[tilespmem:$0xC200] =	vst v63  }
0xb1: {  	s21 =	simm.s32 $0x4600  }
0xb2: {  	[hbm4b:s8+s1] =	stream.indirect_vreg.scatter [tilespmem:s21], [sflag:$0x1], $0x80, v3, vm1, $0xb8;
	[tilespmem:$0xC200] =	vst v63  }
0xb3: {  	v3 =	vld [tilespmem:$0x30];
	_ =	sdelay $0x4  }
0xb4: {  	v35 =	vshrl.u32 v3, $0x3  }
0xb5: {  	v4 =	vmul.u32 $0x18, v35  }
0xb6: {  	v3 =	vand.u32 $0x7, v3  }
0xb7: {  	v3 =	vor.u32 v3, v4  }
0xb8: {  	v4 =	vperm.xlane v3, v0;
	_ =	sdelay $0x1  }
0xb9: {  	v4 =	vadd.s32 v1, v4;
	_ =	sdelay $0x1  }
0xba: {  	v3 =	vperm.xlane v3, v2;
	_ =	sdelay $0x1  }
0xbb: {  	s6 =	simm.s32 $0x4A00;
	v3 =	vadd.s32 v1, v3  }
0xbc: {  	[hbm4b:s3+s1] =	stream.indirect_vreg.scatter [tilespmem:s6], [sflag:$0x1], $0x80, v4, vm0, $0xb8;
	[tilespmem:$0xC200] =	vst v63  }
0xbd: {  	s22 =	simm.s32 $0x5200  }
0xbe: {  	[hbm4b:s8+s1] =	stream.indirect_vreg.scatter [tilespmem:s22], [sflag:$0x1], $0x80, v4, vm1, $0xb8;
	[tilespmem:$0xC200] =	vst v63  }
0xbf: {  	s10 =	simm.s32 $0x5600  }
0xc0: {  	[hbm4b:s3+s1] =	stream.indirect_vreg.scatter [tilespmem:s10], [sflag:$0x1], $0x80, v3, vm0, $0xb8;
	[tilespmem:$0xC200] =	vst v63  }
0xc1: {  	s23 =	simm.s32 $0x5E00  }
0xc2: {  	[hbm4b:s8+s1] =	stream.indirect_vreg.scatter [tilespmem:s23], [sflag:$0x1], $0x80, v3, vm1, $0xb8;
	[tilespmem:$0xC200] =	vst v63  }
0xc3: {  	v3 =	vld [tilespmem:$0x40];
	_ =	sdelay $0x4  }
0xc4: {  	v36 =	vshrl.u32 v3, $0x3  }
0xc5: {  	v4 =	vmul.u32 $0x18, v36  }
0xc6: {  	v3 =	vand.u32 $0x7, v3  }
0xc7: {  	v3 =	vor.u32 v3, v4  }
0xc8: {  	v4 =	vperm.xlane v3, v0;
	_ =	sdelay $0x1  }
0xc9: {  	v4 =	vadd.s32 v1, v4;
	_ =	sdelay $0x1  }
0xca: {  	v3 =	vperm.xlane v3, v2;
	_ =	sdelay $0x1  }
0xcb: {  	s18 =	simm.s32 $0x6200;
	v3 =	vadd.s32 v1, v3  }
0xcc: {  	[hbm4b:s3+s1] =	stream.indirect_vreg.scatter [tilespmem:s18], [sflag:$0x1], $0x80, v4, vm0, $0xb8;
	[tilespmem:$0xC200] =	vst v63  }
0xcd: {  	s24 =	simm.s32 $0x6A00  }
0xce: {  	[hbm4b:s8+s1] =	stream.indirect_vreg.scatter [tilespmem:s24], [sflag:$0x1], $0x80, v4, vm1, $0xb8;
	[tilespmem:$0xC200] =	vst v63  }
0xcf: {  	s21 =	simm.s32 $0x6E00  }
0xd0: {  	[hbm4b:s3+s1] =	stream.indirect_vreg.scatter [tilespmem:s21], [sflag:$0x1], $0x80, v3, vm0, $0xb8;
	[tilespmem:$0xC200] =	vst v63  }
0xd1: {  	s26 =	simm.s32 $0x7600  }
0xd2: {  	[hbm4b:s8+s1] =	stream.indirect_vreg.scatter [tilespmem:s26], [sflag:$0x1], $0x80, v3, vm1, $0xb8;
	[tilespmem:$0xC200] =	vst v63  }
0xd3: {  	v3 =	vld [tilespmem:$0x50];
	_ =	sdelay $0x4  }
0xd4: {  	v37 =	vshrl.u32 v3, $0x3  }
0xd5: {  	v4 =	vmul.u32 $0x18, v37  }
0xd6: {  	v3 =	vand.u32 $0x7, v3  }
0xd7: {  	v3 =	vor.u32 v3, v4  }
0xd8: {  	v4 =	vperm.xlane v3, v0;
	_ =	sdelay $0x1  }
0xd9: {  	v4 =	vadd.s32 v1, v4;
	_ =	sdelay $0x1  }
0xda: {  	v3 =	vperm.xlane v3, v2;
	_ =	sdelay $0x1  }
0xdb: {  	s21 =	simm.s32 $0x7A00;
	v3 =	vadd.s32 v1, v3  }
0xdc: {  	[hbm4b:s3+s1] =	stream.indirect_vreg.scatter [tilespmem:s21], [sflag:$0x1], $0x80, v4, vm0, $0xb8;
	[tilespmem:$0xC200] =	vst v63  }
0xdd: {  	s30 =	simm.s32 $0x8200  }
0xde: {  	[hbm4b:s8+s1] =	stream.indirect_vreg.scatter [tilespmem:s30], [sflag:$0x1], $0x80, v4, vm1, $0xb8;
	[tilespmem:$0xC200] =	vst v63  }
0xdf: {  	s30 =	simm.s32 $0x8600  }
0xe0: {  	[hbm4b:s3+s1] =	stream.indirect_vreg.scatter [tilespmem:s30], [sflag:$0x1], $0x80, v3, vm0, $0xb8;
	[tilespmem:$0xC200] =	vst v63  }
0xe1: {  	s23 =	simm.s32 $0x8E00  }
0xe2: {  	[hbm4b:s8+s1] =	stream.indirect_vreg.scatter [tilespmem:s23], [sflag:$0x1], $0x80, v3, vm1, $0xb8;
	[tilespmem:$0xC200] =	vst v63  }
0xe3: {  	v3 =	vld [tilespmem:$0x60];
	_ =	sdelay $0x4  }
0xe4: {  	v38 =	vshrl.u32 v3, $0x3  }
0xe5: {  	v4 =	vmul.u32 $0x18, v38  }
0xe6: {  	v3 =	vand.u32 $0x7, v3  }
0xe7: {  	v3 =	vor.u32 v3, v4  }
0xe8: {  	v4 =	vperm.xlane v3, v0;
	_ =	sdelay $0x1  }
0xe9: {  	v4 =	vadd.s32 v1, v4;
	_ =	sdelay $0x1  }
0xea: {  	v3 =	vperm.xlane v3, v2;
	_ =	sdelay $0x1  }
0xeb: {  	s23 =	simm.s32 $0x9200;
	v3 =	vadd.s32 v1, v3  }
0xec: {  	[hbm4b:s3+s1] =	stream.indirect_vreg.scatter [tilespmem:s23], [sflag:$0x1], $0x80, v4, vm0, $0xb8;
	[tilespmem:$0xC200] =	vst v63  }
0xed: {  	s24 =	simm.s32 $0x9A00  }
0xee: {  	[hbm4b:s8+s1] =	stream.indirect_vreg.scatter [tilespmem:s24], [sflag:$0x1], $0x80, v4, vm1, $0xb8;
	[tilespmem:$0xC200] =	vst v63  }
0xef: {  	s24 =	simm.s32 $0x9E00  }
0xf0: {  	[hbm4b:s3+s1] =	stream.indirect_vreg.scatter [tilespmem:s24], [sflag:$0x1], $0x80, v3, vm0, $0xb8;
	[tilespmem:$0xC200] =	vst v63  }
0xf1: {  	s26 =	simm.s32 $0xA600  }
0xf2: {  	[hbm4b:s8+s1] =	stream.indirect_vreg.scatter [tilespmem:s26], [sflag:$0x1], $0x80, v3, vm1, $0xb8;
	[tilespmem:$0xC200] =	vst v63  }
0xf3: {  	v3 =	vld [tilespmem:$0x70];
	_ =	sdelay $0x4  }
0xf4: {  	v39 =	vshrl.u32 v3, $0x3  }
0xf5: {  	v4 =	vmul.u32 $0x18, v39  }
0xf6: {  	v3 =	vand.u32 $0x7, v3  }
0xf7: {  	v3 =	vor.u32 v3, v4  }
0xf8: {  	v4 =	vperm.xlane v3, v0;
	_ =	sdelay $0x1  }
0xf9: {  	v4 =	vadd.s32 v1, v4;
	_ =	sdelay $0x1  }
0xfa: {  	v3 =	vperm.xlane v3, v2;
	_ =	sdelay $0x1  }
0xfb: {  	s0 =	simm.s32 $0xAA00;
	v3 =	vadd.s32 v1, v3  }
0xfc: {  	[hbm4b:s3+s1] =	stream.indirect_vreg.scatter [tilespmem:s0], [sflag:$0x1], $0x80, v4, vm0, $0xb8;
	[tilespmem:$0xC200] =	vst v63  }
0xfd: {  	s31 =	simm.s32 $0xB200  }
0xfe: {  	[hbm4b:s8+s1] =	stream.indirect_vreg.scatter [tilespmem:s31], [sflag:$0x1], $0x80, v4, vm1, $0xb8;
	[tilespmem:$0xC200] =	vst v63  }
0xff: {  	s2 =	simm.s32 $0xB600  }
0x100: {  	[hbm4b:s3+s1] =	stream.indirect_vreg.scatter [tilespmem:s2], [sflag:$0x1], $0x80, v3, vm0, $0xb8;
	[tilespmem:$0xC200] =	vst v63  }
0x101: {  	s25 =	simm.s32 $0xBE00;
	s29 =	simm.s32 $0x1  }
0x102: {  	[hbm4b:s8+s1] =	stream.indirect_vreg.scatter [tilespmem:s25], [sflag:$0x1], $0x80, v3, vm1, $0xb8;
	[tilespmem:$0xC200] =	vst v63  }
0x103: {  	_ =	swait.ge [sflag:s29], $0xC000  }
0x104: {  	s31 =	rddreg [dreg:$0x5];
	[sflag:s29] =	ssyncset.done $0x0  }
0x105: {  	s10 =	rddreg [dreg:$0x8];
	[sflag:s29] =	ssyncadd.s32 $0xFFFF4000  }
0x106: {  	[tilespmem:s10], [sflag:$0x2] =	stream.linear.gather [hbm4b:s31+s1], $0x80, $0x38;
	[tilespmem:$0xC200] =	vst v63  }
0x107: {  	_ =	swait.ge [sflag:s19], $0x80  }
0x108: {  	[sflag:s19] =	ssyncset.done $0x0  }
0x109: {  	s7 =	simm.s32 $0x200;
	s4 =	rddreg [dreg:$0x10];
	[sflag:s19] =	ssyncadd.s32 $0xFFFFFF80  }
0x10a: {  	[tilespmem:s7], [sflag:$0x2] =	stream.linear.gather [hbm4b:s4+s1], $0x400, $0x38;
	[tilespmem:$0xC200] =	vst v63  }
0x10b: {  	s31 =	simm.s32 $0xE00;
	s26 =	sadd.s32 $0x80, s4  }
0x10c: {  	[tilespmem:s31], [sflag:$0x2] =	stream.linear.gather [hbm4b:s26+s1], $0x400, $0x38;
	[tilespmem:$0xC200] =	vst v63  }
0x10d: {  	s28 =	simm.s32 $0x1A00;
	s29 =	sadd.s32 $0x100, s4  }
0x10e: {  	[tilespmem:s28], [sflag:$0x2] =	stream.linear.gather [hbm4b:s29+s1], $0x400, $0x38;
	[tilespmem:$0xC200] =	vst v63  }
0x10f: {  	s7 =	sadd.s32 $0x180, s4;
	s29 =	simm.s32 $0x2600  }
0x110: {  	[tilespmem:s29], [sflag:$0x2] =	stream.linear.gather [hbm4b:s7+s1], $0x400, $0x38;
	[tilespmem:$0xC200] =	vst v63  }
0x111: {  	s9 =	simm.s32 $0x3200;
	s10 =	sadd.s32 $0x200, s4  }
0x112: {  	[tilespmem:s9], [sflag:$0x2] =	stream.linear.gather [hbm4b:s10+s1], $0x400, $0x38;
	[tilespmem:$0xC200] =	vst v63  }
0x113: {  	s26 =	sadd.s32 $0x280, s4  }
0x114: {  	[tilespmem:s20], [sflag:$0x2] =	stream.linear.gather [hbm4b:s26+s1], $0x400, $0x38;
	[tilespmem:$0xC200] =	vst v63  }
0x115: {  	s6 =	simm.s32 $0x4A00;
	s28 =	sadd.s32 $0x300, s4  }
0x116: {  	[tilespmem:s6], [sflag:$0x2] =	stream.linear.gather [hbm4b:s28+s1], $0x400, $0x38;
	[tilespmem:$0xC200] =	vst v63  }
0x117: {  	s5 =	simm.s32 $0x5600;
	s6 =	sadd.s32 $0x380, s4  }
0x118: {  	[tilespmem:s5], [sflag:$0x2] =	stream.linear.gather [hbm4b:s6+s1], $0x400, $0x38;
	[tilespmem:$0xC200] =	vst v63  }
0x119: {  	s22 =	simm.s32 $0x6200;
	s7 =	sadd.s32 $0x400, s4  }
0x11a: {  	[tilespmem:s22], [sflag:$0x2] =	stream.linear.gather [hbm4b:s7+s1], $0x400, $0x38;
	[tilespmem:$0xC200] =	vst v63  }
0x11b: {  	s18 =	simm.s32 $0x6E00;
	s9 =	sadd.s32 $0x480, s4  }
0x11c: {  	[tilespmem:s18], [sflag:$0x2] =	stream.linear.gather [hbm4b:s9+s1], $0x400, $0x38;
	[tilespmem:$0xC200] =	vst v63  }
0x11d: {  	s10 =	sadd.s32 $0x500, s4  }
0x11e: {  	[tilespmem:s21], [sflag:$0x2] =	stream.linear.gather [hbm4b:s10+s1], $0x400, $0x38;
	[tilespmem:$0xC200] =	vst v63  }
0x11f: {  	s18 =	sadd.s32 $0x580, s4  }
0x120: {  	[tilespmem:s30], [sflag:$0x2] =	stream.linear.gather [hbm4b:s18+s1], $0x400, $0x38;
	[tilespmem:$0xC200] =	vst v63  }
0x121: {  	s21 =	sadd.s32 $0x600, s4  }
0x122: {  	[tilespmem:s23], [sflag:$0x2] =	stream.linear.gather [hbm4b:s21+s1], $0x400, $0x38;
	[tilespmem:$0xC200] =	vst v63  }
0x123: {  	s22 =	sadd.s32 $0x680, s4  }
0x124: {  	[tilespmem:s24], [sflag:$0x2] =	stream.linear.gather [hbm4b:s22+s1], $0x400, $0x38;
	[tilespmem:$0xC200] =	vst v63  }
0x125: {  	s23 =	sadd.s32 $0x700, s4  }
0x126: {  	[tilespmem:s0], [sflag:$0x2] =	stream.linear.gather [hbm4b:s23+s1], $0x400, $0x38;
	[tilespmem:$0xC200] =	vst v63  }
0x127: {  	s24 =	sadd.s32 $0x780, s4  }
0x128: {  	[tilespmem:s2], [sflag:$0x2] =	stream.linear.gather [hbm4b:s24+s1], $0x400, $0x38;
	[tilespmem:$0xC200] =	vst v63  }
0x129: {  	_ =	swait.ge [sflag:s19], $0x4000  }
0x12a: {  	[sflag:s19] =	ssyncset.done $0x0  }
0x12b: {  	s26 =	simm.s32 $0x600;
	s2 =	rddreg [dreg:$0x11];
	[sflag:s19] =	ssyncadd.s32 $0xFFFFC000  }
0x12c: {  	[tilespmem:s26], [sflag:$0x2] =	stream.linear.gather [hbm4b:s2+s1], $0x400, $0x38;
	[tilespmem:$0xC200] =	vst v63  }
0x12d: {  	s30 =	simm.s32 $0x1200;
	s28 =	sadd.s32 $0x80, s2  }
0x12e: {  	[tilespmem:s30], [sflag:$0x2] =	stream.linear.gather [hbm4b:s28+s1], $0x400, $0x38;
	[tilespmem:$0xC200] =	vst v63  }
0x12f: {  	s5 =	simm.s32 $0x1E00;
	s4 =	sadd.s32 $0x100, s2  }
0x130: {  	[tilespmem:s5], [sflag:$0x2] =	stream.linear.gather [hbm4b:s4+s1], $0x400, $0x38;
	[tilespmem:$0xC200] =	vst v63  }
0x131: {  	s7 =	simm.s32 $0x2A00;
	s6 =	sadd.s32 $0x180, s2  }
0x132: {  	[tilespmem:s7], [sflag:$0x2] =	stream.linear.gather [hbm4b:s6+s1], $0x400, $0x38;
	[tilespmem:$0xC200] =	vst v63  }
0x133: {  	s10 =	simm.s32 $0x3600;
	s9 =	sadd.s32 $0x200, s2  }
0x134: {  	[tilespmem:s10], [sflag:$0x2] =	stream.linear.gather [hbm4b:s9+s1], $0x400, $0x38;
	[tilespmem:$0xC200] =	vst v63  }
0x135: {  	s21 =	simm.s32 $0x4200;
	s18 =	sadd.s32 $0x280, s2  }
0x136: {  	[tilespmem:s21], [sflag:$0x2] =	stream.linear.gather [hbm4b:s18+s1], $0x400, $0x38;
	[tilespmem:$0xC200] =	vst v63  }
0x137: {  	s23 =	simm.s32 $0x4E00;
	s22 =	sadd.s32 $0x300, s2  }
0x138: {  	[tilespmem:s23], [sflag:$0x2] =	stream.linear.gather [hbm4b:s22+s1], $0x400, $0x38;
	[tilespmem:$0xC200] =	vst v63  }
0x139: {  	s24 =	sadd.s32 $0x380, s2;
	s26 =	simm.s32 $0x5A00  }
0x13a: {  	[tilespmem:s26], [sflag:$0x2] =	stream.linear.gather [hbm4b:s24+s1], $0x400, $0x38;
	[tilespmem:$0xC200] =	vst v63  }
0x13b: {  	s28 =	sadd.s32 $0x400, s2;
	s30 =	simm.s32 $0x6600  }
0x13c: {  	[tilespmem:s30], [sflag:$0x2] =	stream.linear.gather [hbm4b:s28+s1], $0x400, $0x38;
	[tilespmem:$0xC200] =	vst v63  }
0x13d: {  	s4 =	sadd.s32 $0x480, s2;
	s5 =	simm.s32 $0x7200  }
0x13e: {  	[tilespmem:s5], [sflag:$0x2] =	stream.linear.gather [hbm4b:s4+s1], $0x400, $0x38;
	[tilespmem:$0xC200] =	vst v63  }
0x13f: {  	s6 =	sadd.s32 $0x500, s2;
	s7 =	simm.s32 $0x7E00  }
0x140: {  	[tilespmem:s7], [sflag:$0x2] =	stream.linear.gather [hbm4b:s6+s1], $0x400, $0x38;
	[tilespmem:$0xC200] =	vst v63  }
0x141: {  	s9 =	sadd.s32 $0x580, s2;
	s10 =	simm.s32 $0x8A00  }
0x142: {  	[tilespmem:s10], [sflag:$0x2] =	stream.linear.gather [hbm4b:s9+s1], $0x400, $0x38;
	[tilespmem:$0xC200] =	vst v63  }
0x143: {  	s18 =	sadd.s32 $0x600, s2;
	s21 =	simm.s32 $0x9600  }
0x144: {  	[tilespmem:s21], [sflag:$0x2] =	stream.linear.gather [hbm4b:s18+s1], $0x400, $0x38;
	[tilespmem:$0xC200] =	vst v63  }
0x145: {  	s22 =	sadd.s32 $0x680, s2;
	s23 =	simm.s32 $0xA200  }
0x146: {  	[tilespmem:s23], [sflag:$0x2] =	stream.linear.gather [hbm4b:s22+s1], $0x400, $0x38;
	[tilespmem:$0xC200] =	vst v63  }
0x147: {  	s24 =	sadd.s32 $0x700, s2;
	s26 =	simm.s32 $0xAE00  }
0x148: {  	[tilespmem:s26], [sflag:$0x2] =	stream.linear.gather [hbm4b:s24+s1], $0x400, $0x38;
	[tilespmem:$0xC200] =	vst v63  }
0x149: {  	s28 =	sadd.s32 $0x780, s2;
	s30 =	simm.s32 $0xBA00  }
0x14a: {  	[tilespmem:s30], [sflag:$0x2] =	stream.linear.gather [hbm4b:s28+s1], $0x400, $0x38;
	[tilespmem:$0xC200] =	vst v63  }
0x14b: {  	_ =	swait.ge [sflag:s19], $0x4000  }
0x14c: {  	[sflag:s19] =	ssyncset.done $0x0  }
0x14d: {  	s9 =	simm.s32 $0xA00;
	[sflag:s19] =	ssyncadd.s32 $0xFFFFC000  }
0x14e: {  	[tilespmem:s9], [sflag:$0x2] =	stream.linear.gather [hbm4b:s11+s1], $0x400, $0x38;
	[tilespmem:$0xC200] =	vst v63  }
0x14f: {  	s0 =	sadd.s32 $0x80, s11;
	s10 =	simm.s32 $0x1600  }
0x150: {  	[tilespmem:s10], [sflag:$0x2] =	stream.linear.gather [hbm4b:s0+s1], $0x400, $0x38;
	[tilespmem:$0xC200] =	vst v63  }
0x151: {  	s2 =	sadd.s32 $0x100, s11;
	s0 =	simm.s32 $0x2200  }
0x152: {  	[tilespmem:s0], [sflag:$0x2] =	stream.linear.gather [hbm4b:s2+s1], $0x400, $0x38;
	[tilespmem:$0xC200] =	vst v63  }
0x153: {  	s4 =	sadd.s32 $0x180, s11;
	s7 =	simm.s32 $0x2E00  }
0x154: {  	[tilespmem:s7], [sflag:$0x2] =	stream.linear.gather [hbm4b:s4+s1], $0x400, $0x38;
	[tilespmem:$0xC200] =	vst v63  }
0x155: {  	s5 =	sadd.s32 $0x200, s11;
	s23 =	simm.s32 $0x3A00  }
0x156: {  	[tilespmem:s23], [sflag:$0x2] =	stream.linear.gather [hbm4b:s5+s1], $0x400, $0x38;
	[tilespmem:$0xC200] =	vst v63  }
0x157: {  	s6 =	sadd.s32 $0x280, s11;
	s2 =	simm.s32 $0x4600  }
0x158: {  	[tilespmem:s2], [sflag:$0x2] =	stream.linear.gather [hbm4b:s6+s1], $0x400, $0x38;
	[tilespmem:$0xC200] =	vst v63  }
0x159: {  	s18 =	sadd.s32 $0x300, s11;
	s24 =	simm.s32 $0x5200  }
0x15a: {  	[tilespmem:s24], [sflag:$0x2] =	stream.linear.gather [hbm4b:s18+s1], $0x400, $0x38;
	[tilespmem:$0xC200] =	vst v63  }
0x15b: {  	s21 =	sadd.s32 $0x380, s11;
	s30 =	simm.s32 $0x5E00  }
0x15c: {  	[tilespmem:s30], [sflag:$0x2] =	stream.linear.gather [hbm4b:s21+s1], $0x400, $0x38;
	[tilespmem:$0xC200] =	vst v63  }
0x15d: {  	s22 =	sadd.s32 $0x400, s11;
	s18 =	simm.s32 $0x6A00  }
0x15e: {  	[tilespmem:s18], [sflag:$0x2] =	stream.linear.gather [hbm4b:s22+s1], $0x400, $0x38;
	[tilespmem:$0xC200] =	vst v63  }
0x15f: {  	s26 =	sadd.s32 $0x480, s11;
	s22 =	simm.s32 $0x7600  }
0x160: {  	[tilespmem:s22], [sflag:$0x2] =	stream.linear.gather [hbm4b:s26+s1], $0x400, $0x38;
	[tilespmem:$0xC200] =	vst v63  }
0x161: {  	s28 =	sadd.s32 $0x500, s11;
	s6 =	simm.s32 $0x8200  }
0x162: {  	[tilespmem:s6], [sflag:$0x2] =	stream.linear.gather [hbm4b:s28+s1], $0x400, $0x38;
	[tilespmem:$0xC200] =	vst v63  }
0x163: {  	s4 =	sadd.s32 $0x580, s11;
	s5 =	simm.s32 $0x8E00  }
0x164: {  	[tilespmem:s5], [sflag:$0x2] =	stream.linear.gather [hbm4b:s4+s1], $0x400, $0x38;
	[tilespmem:$0xC200] =	vst v63  }
0x165: {  	s21 =	sadd.s32 $0x600, s11;
	s26 =	simm.s32 $0x9A00  }
0x166: {  	[tilespmem:s26], [sflag:$0x2] =	stream.linear.gather [hbm4b:s21+s1], $0x400, $0x38;
	[tilespmem:$0xC200] =	vst v63  }
0x167: {  	s28 =	sadd.s32 $0x680, s11;
	s26 =	simm.s32 $0xA600  }
0x168: {  	[tilespmem:s26], [sflag:$0x2] =	stream.linear.gather [hbm4b:s28+s1], $0x400, $0x38;
	[tilespmem:$0xC200] =	vst v63  }
0x169: {  	s4 =	sadd.s32 $0x700, s11;
	s28 =	simm.s32 $0xB200  }
0x16a: {  	[tilespmem:s28], [sflag:$0x2] =	stream.linear.gather [hbm4b:s4+s1], $0x400, $0x38;
	[tilespmem:$0xC200] =	vst v63  }
0x16b: {  	s4 =	sadd.s32 $0x780, s11;
	s28 =	simm.s32 $0xBE00  }
0x16c: {  	[tilespmem:s28], [sflag:$0x2] =	stream.linear.gather [hbm4b:s4+s1], $0x400, $0x38;
	[tilespmem:$0xC200] =	vst v63  }
0x16d: {  	_ =	swait.ge [sflag:s19], $0x4000  }
0x16e: {  	[sflag:s19] =	ssyncset.done $0x0  }
0x16f: {  	[sflag:s19] =	ssyncadd.s32 $0xFFFFC000  }
0x170: {  	v3 =	vld [tilespmem:$0x80];
	_ =	sdelay $0x4  }
0x171: {  	v40 =	vshrl.u32 v3, $0x3  }
0x172: {  	v4 =	vmul.u32 $0x18, v40  }
0x173: {  	v3 =	vand.u32 $0x7, v3  }
0x174: {  	v3 =	vor.u32 v3, v4  }
0x175: {  	v4 =	vperm.xlane v3, v0;
	_ =	sdelay $0x1  }
0x176: {  	v4 =	vadd.s32 v1, v4;
	_ =	sdelay $0x1  }
0x177: {  	v3 =	vperm.xlane v3, v2;
	_ =	sdelay $0x1  }
0x178: {  	s25 =	simm.s32 $0x200;
	v3 =	vadd.s32 v1, v3  }
0x179: {  	[hbm4b:s3+s1] =	stream.indirect_vreg.scatter [tilespmem:s25], [sflag:$0x1], $0x80, v4, vm0, $0xb8;
	[tilespmem:$0xC200] =	vst v63  }
0x17a: {  	_ = 	snop  }
0x17b: {  	[hbm4b:s8+s1] =	stream.indirect_vreg.scatter [tilespmem:s9], [sflag:$0x1], $0x80, v4, vm1, $0xb8;
	[tilespmem:$0xC200] =	vst v63  }
0x17c: {  	_ = 	snop  }
0x17d: {  	[hbm4b:s3+s1] =	stream.indirect_vreg.scatter [tilespmem:s31], [sflag:$0x1], $0x80, v3, vm0, $0xb8;
	[tilespmem:$0xC200] =	vst v63  }
0x17e: {  	_ = 	snop  }
0x17f: {  	[hbm4b:s8+s1] =	stream.indirect_vreg.scatter [tilespmem:s10], [sflag:$0x1], $0x80, v3, vm1, $0xb8;
	[tilespmem:$0xC200] =	vst v63  }
0x180: {  	v3 =	vld [tilespmem:$0x90];
	_ =	sdelay $0x4  }
0x181: {  	v41 =	vshrl.u32 v3, $0x3  }
0x182: {  	v4 =	vmul.u32 $0x18, v41  }
0x183: {  	v3 =	vand.u32 $0x7, v3  }
0x184: {  	v3 =	vor.u32 v3, v4  }
0x185: {  	v4 =	vperm.xlane v3, v0;
	_ =	sdelay $0x1  }
0x186: {  	v4 =	vadd.s32 v1, v4;
	_ =	sdelay $0x1  }
0x187: {  	v3 =	vperm.xlane v3, v2;
	_ =	sdelay $0x1  }
0x188: {  	s25 =	simm.s32 $0x1A00;
	v3 =	vadd.s32 v1, v3  }
0x189: {  	[hbm4b:s3+s1] =	stream.indirect_vreg.scatter [tilespmem:s25], [sflag:$0x1], $0x80, v4, vm0, $0xb8;
	[tilespmem:$0xC200] =	vst v63  }
0x18a: {  	_ = 	snop  }
0x18b: {  	[hbm4b:s8+s1] =	stream.indirect_vreg.scatter [tilespmem:s0], [sflag:$0x1], $0x80, v4, vm1, $0xb8;
	[tilespmem:$0xC200] =	vst v63  }
0x18c: {  	_ = 	snop  }
0x18d: {  	[hbm4b:s3+s1] =	stream.indirect_vreg.scatter [tilespmem:s29], [sflag:$0x1], $0x80, v3, vm0, $0xb8;
	[tilespmem:$0xC200] =	vst v63  }
0x18e: {  	_ = 	snop  }
0x18f: {  	[hbm4b:s8+s1] =	stream.indirect_vreg.scatter [tilespmem:s7], [sflag:$0x1], $0x80, v3, vm1, $0xb8;
	[tilespmem:$0xC200] =	vst v63  }
0x190: {  	v3 =	vld [tilespmem:$0xA0];
	_ =	sdelay $0x4  }
0x191: {  	v42 =	vshrl.u32 v3, $0x3  }
0x192: {  	v4 =	vmul.u32 $0x18, v42  }
0x193: {  	v3 =	vand.u32 $0x7, v3  }
0x194: {  	v3 =	vor.u32 v3, v4  }
0x195: {  	v4 =	vperm.xlane v3, v0;
	_ =	sdelay $0x1  }
0x196: {  	v4 =	vadd.s32 v1, v4;
	_ =	sdelay $0x1  }
0x197: {  	v3 =	vperm.xlane v3, v2;
	_ =	sdelay $0x1  }
0x198: {  	s4 =	simm.s32 $0x3200;
	v3 =	vadd.s32 v1, v3  }
0x199: {  	[hbm4b:s3+s1] =	stream.indirect_vreg.scatter [tilespmem:s4], [sflag:$0x1], $0x80, v4, vm0, $0xb8;
	[tilespmem:$0xC200] =	vst v63  }
0x19a: {  	_ = 	snop  }
0x19b: {  	[hbm4b:s8+s1] =	stream.indirect_vreg.scatter [tilespmem:s23], [sflag:$0x1], $0x80, v4, vm1, $0xb8;
	[tilespmem:$0xC200] =	vst v63  }
0x19c: {  	s20 =	simm.s32 $0x3E00  }
0x19d: {  	[hbm4b:s3+s1] =	stream.indirect_vreg.scatter [tilespmem:s20], [sflag:$0x1], $0x80, v3, vm0, $0xb8;
	[tilespmem:$0xC200] =	vst v63  }
0x19e: {  	_ = 	snop  }
0x19f: {  	[hbm4b:s8+s1] =	stream.indirect_vreg.scatter [tilespmem:s2], [sflag:$0x1], $0x80, v3, vm1, $0xb8;
	[tilespmem:$0xC200] =	vst v63  }
0x1a0: {  	v3 =	vld [tilespmem:$0xB0];
	_ =	sdelay $0x4  }
0x1a1: {  	v43 =	vshrl.u32 v3, $0x3  }
0x1a2: {  	v4 =	vmul.u32 $0x18, v43  }
0x1a3: {  	v3 =	vand.u32 $0x7, v3  }
0x1a4: {  	v3 =	vor.u32 v3, v4  }
0x1a5: {  	v4 =	vperm.xlane v3, v0;
	_ =	sdelay $0x1  }
0x1a6: {  	v4 =	vadd.s32 v1, v4;
	_ =	sdelay $0x1  }
0x1a7: {  	v3 =	vperm.xlane v3, v2;
	_ =	sdelay $0x1  }
0x1a8: {  	s20 =	simm.s32 $0x4A00;
	v3 =	vadd.s32 v1, v3  }
0x1a9: {  	[hbm4b:s3+s1] =	stream.indirect_vreg.scatter [tilespmem:s20], [sflag:$0x1], $0x80, v4, vm0, $0xb8;
	[tilespmem:$0xC200] =	vst v63  }
0x1aa: {  	_ = 	snop  }
0x1ab: {  	[hbm4b:s8+s1] =	stream.indirect_vreg.scatter [tilespmem:s24], [sflag:$0x1], $0x80, v4, vm1, $0xb8;
	[tilespmem:$0xC200] =	vst v63  }
0x1ac: {  	s31 =	simm.s32 $0x5600  }
0x1ad: {  	[hbm4b:s3+s1] =	stream.indirect_vreg.scatter [tilespmem:s31], [sflag:$0x1], $0x80, v3, vm0, $0xb8;
	[tilespmem:$0xC200] =	vst v63  }
0x1ae: {  	_ = 	snop  }
0x1af: {  	[hbm4b:s8+s1] =	stream.indirect_vreg.scatter [tilespmem:s30], [sflag:$0x1], $0x80, v3, vm1, $0xb8;
	[tilespmem:$0xC200] =	vst v63  }
0x1b0: {  	v3 =	vld [tilespmem:$0xC0];
	_ =	sdelay $0x4  }
0x1b1: {  	v44 =	vshrl.u32 v3, $0x3  }
0x1b2: {  	v4 =	vmul.u32 $0x18, v44  }
0x1b3: {  	v3 =	vand.u32 $0x7, v3  }
0x1b4: {  	v3 =	vor.u32 v3, v4  }
0x1b5: {  	v4 =	vperm.xlane v3, v0;
	_ =	sdelay $0x1  }
0x1b6: {  	v4 =	vadd.s32 v1, v4;
	_ =	sdelay $0x1  }
0x1b7: {  	v3 =	vperm.xlane v3, v2;
	_ =	sdelay $0x1  }
0x1b8: {  	s24 =	simm.s32 $0x6200;
	v3 =	vadd.s32 v1, v3  }
0x1b9: {  	[hbm4b:s3+s1] =	stream.indirect_vreg.scatter [tilespmem:s24], [sflag:$0x1], $0x80, v4, vm0, $0xb8;
	[tilespmem:$0xC200] =	vst v63  }
0x1ba: {  	_ = 	snop  }
0x1bb: {  	[hbm4b:s8+s1] =	stream.indirect_vreg.scatter [tilespmem:s18], [sflag:$0x1], $0x80, v4, vm1, $0xb8;
	[tilespmem:$0xC200] =	vst v63  }
0x1bc: {  	s18 =	simm.s32 $0x6E00  }
0x1bd: {  	[hbm4b:s3+s1] =	stream.indirect_vreg.scatter [tilespmem:s18], [sflag:$0x1], $0x80, v3, vm0, $0xb8;
	[tilespmem:$0xC200] =	vst v63  }
0x1be: {  	_ = 	snop  }
0x1bf: {  	[hbm4b:s8+s1] =	stream.indirect_vreg.scatter [tilespmem:s22], [sflag:$0x1], $0x80, v3, vm1, $0xb8;
	[tilespmem:$0xC200] =	vst v63  }
0x1c0: {  	v3 =	vld [tilespmem:$0xD0];
	_ =	sdelay $0x4  }
0x1c1: {  	v45 =	vshrl.u32 v3, $0x3  }
0x1c2: {  	v4 =	vmul.u32 $0x18, v45  }
0x1c3: {  	v3 =	vand.u32 $0x7, v3  }
0x1c4: {  	v3 =	vor.u32 v3, v4  }
0x1c5: {  	v4 =	vperm.xlane v3, v0;
	_ =	sdelay $0x1  }
0x1c6: {  	v4 =	vadd.s32 v1, v4;
	_ =	sdelay $0x1  }
0x1c7: {  	v3 =	vperm.xlane v3, v2;
	_ =	sdelay $0x1  }
0x1c8: {  	s22 =	simm.s32 $0x7A00;
	v3 =	vadd.s32 v1, v3  }
0x1c9: {  	[hbm4b:s3+s1] =	stream.indirect_vreg.scatter [tilespmem:s22], [sflag:$0x1], $0x80, v4, vm0, $0xb8;
	[tilespmem:$0xC200] =	vst v63  }
0x1ca: {  	_ = 	snop  }
0x1cb: {  	[hbm4b:s8+s1] =	stream.indirect_vreg.scatter [tilespmem:s6], [sflag:$0x1], $0x80, v4, vm1, $0xb8;
	[tilespmem:$0xC200] =	vst v63  }
0x1cc: {  	s23 =	simm.s32 $0x8600  }
0x1cd: {  	[hbm4b:s3+s1] =	stream.indirect_vreg.scatter [tilespmem:s23], [sflag:$0x1], $0x80, v3, vm0, $0xb8;
	[tilespmem:$0xC200] =	vst v63  }
0x1ce: {  	_ = 	snop  }
0x1cf: {  	[hbm4b:s8+s1] =	stream.indirect_vreg.scatter [tilespmem:s5], [sflag:$0x1], $0x80, v3, vm1, $0xb8;
	[tilespmem:$0xC200] =	vst v63  }
0x1d0: {  	v3 =	vld [tilespmem:$0xE0];
	_ =	sdelay $0x4  }
0x1d1: {  	v46 =	vshrl.u32 v3, $0x3  }
0x1d2: {  	v4 =	vmul.u32 $0x18, v46  }
0x1d3: {  	v3 =	vand.u32 $0x7, v3  }
0x1d4: {  	v3 =	vor.u32 v3, v4  }
0x1d5: {  	v4 =	vperm.xlane v3, v0;
	_ =	sdelay $0x1  }
0x1d6: {  	v4 =	vadd.s32 v1, v4;
	_ =	sdelay $0x1  }
0x1d7: {  	v3 =	vperm.xlane v3, v2;
	_ =	sdelay $0x1  }
0x1d8: {  	s2 =	simm.s32 $0x9200;
	v3 =	vadd.s32 v1, v3  }
0x1d9: {  	[hbm4b:s3+s1] =	stream.indirect_vreg.scatter [tilespmem:s2], [sflag:$0x1], $0x80, v4, vm0, $0xb8;
	[tilespmem:$0xC200] =	vst v63  }
0x1da: {  	s21 =	simm.s32 $0x9A00  }
0x1db: {  	[hbm4b:s8+s1] =	stream.indirect_vreg.scatter [tilespmem:s21], [sflag:$0x1], $0x80, v4, vm1, $0xb8;
	[tilespmem:$0xC200] =	vst v63  }
0x1dc: {  	s21 =	simm.s32 $0x9E00  }
0x1dd: {  	[hbm4b:s3+s1] =	stream.indirect_vreg.scatter [tilespmem:s21], [sflag:$0x1], $0x80, v3, vm0, $0xb8;
	[tilespmem:$0xC200] =	vst v63  }
0x1de: {  	_ = 	snop  }
0x1df: {  	[hbm4b:s8+s1] =	stream.indirect_vreg.scatter [tilespmem:s26], [sflag:$0x1], $0x80, v3, vm1, $0xb8;
	[tilespmem:$0xC200] =	vst v63  }
0x1e0: {  	v3 =	vld [tilespmem:$0xF0];
	_ =	sdelay $0x4  }
0x1e1: {  	v47 =	vshrl.u32 v3, $0x3  }
0x1e2: {  	v4 =	vmul.u32 $0x18, v47  }
0x1e3: {  	v3 =	vand.u32 $0x7, v3  }
0x1e4: {  	v3 =	vor.u32 v3, v4  }
0x1e5: {  	v4 =	vperm.xlane v3, v0;
	_ =	sdelay $0x1  }
0x1e6: {  	v4 =	vadd.s32 v1, v4;
	_ =	sdelay $0x1  }
0x1e7: {  	v3 =	vperm.xlane v3, v2;
	_ =	sdelay $0x1  }
0x1e8: {  	s6 =	simm.s32 $0xAA00;
	v3 =	vadd.s32 v1, v3  }
0x1e9: {  	[hbm4b:s3+s1] =	stream.indirect_vreg.scatter [tilespmem:s6], [sflag:$0x1], $0x80, v4, vm0, $0xb8;
	[tilespmem:$0xC200] =	vst v63  }
0x1ea: {  	s26 =	simm.s32 $0xB200  }
0x1eb: {  	[hbm4b:s8+s1] =	stream.indirect_vreg.scatter [tilespmem:s26], [sflag:$0x1], $0x80, v4, vm1, $0xb8;
	[tilespmem:$0xC200] =	vst v63  }
0x1ec: {  	s0 =	simm.s32 $0xB600  }
0x1ed: {  	[hbm4b:s3+s1] =	stream.indirect_vreg.scatter [tilespmem:s0], [sflag:$0x1], $0x80, v3, vm0, $0xb8;
	[tilespmem:$0xC200] =	vst v63  }
0x1ee: {  	s30 =	simm.s32 $0x1  }
0x1ef: {  	[hbm4b:s8+s1] =	stream.indirect_vreg.scatter [tilespmem:s28], [sflag:$0x1], $0x80, v3, vm1, $0xb8;
	[tilespmem:$0xC200] =	vst v63  }
0x1f0: {  	_ =	swait.ge [sflag:s30], $0xC000  }
0x1f1: {  	s7 =	rddreg [dreg:$0x6];
	[sflag:s30] =	ssyncset.done $0x0  }
0x1f2: {  	s10 =	rddreg [dreg:$0x9];
	[sflag:s30] =	ssyncadd.s32 $0xFFFF4000  }
0x1f3: {  	[tilespmem:s10], [sflag:$0x2] =	stream.linear.gather [hbm4b:s7+s1], $0x80, $0x38;
	[tilespmem:$0xC200] =	vst v63  }
0x1f4: {  	_ =	swait.ge [sflag:s19], $0x80  }
0x1f5: {  	[sflag:s19] =	ssyncset.done $0x0  }
0x1f6: {  	s26 =	simm.s32 $0x200;
	[sflag:s19] =	ssyncadd.s32 $0xFFFFFF80  }
0x1f7: {  	[tilespmem:s26], [sflag:$0x2] =	stream.linear.gather [hbm4b:s12+s1], $0x400, $0x38;
	[tilespmem:$0xC200] =	vst v63  }
0x1f8: {  	s9 =	simm.s32 $0xE00;
	s28 =	sadd.s32 $0x80, s12  }
0x1f9: {  	[tilespmem:s9], [sflag:$0x2] =	stream.linear.gather [hbm4b:s28+s1], $0x400, $0x38;
	[tilespmem:$0xC200] =	vst v63  }
0x1fa: {  	s30 =	sadd.s32 $0x100, s12;
	s9 =	simm.s32 $0x1A00  }
0x1fb: {  	[tilespmem:s9], [sflag:$0x2] =	stream.linear.gather [hbm4b:s30+s1], $0x400, $0x38;
	[tilespmem:$0xC200] =	vst v63  }
0x1fc: {  	s29 =	simm.s32 $0x2600;
	s5 =	sadd.s32 $0x180, s12  }
0x1fd: {  	[tilespmem:s29], [sflag:$0x2] =	stream.linear.gather [hbm4b:s5+s1], $0x400, $0x38;
	[tilespmem:$0xC200] =	vst v63  }
0x1fe: {  	s7 =	sadd.s32 $0x200, s12  }
0x1ff: {  	[tilespmem:s4], [sflag:$0x2] =	stream.linear.gather [hbm4b:s7+s1], $0x400, $0x38;
	[tilespmem:$0xC200] =	vst v63  }
0x200: {  	s26 =	sadd.s32 $0x280, s12;
	s7 =	simm.s32 $0x3E00  }
0x201: {  	[tilespmem:s7], [sflag:$0x2] =	stream.linear.gather [hbm4b:s26+s1], $0x400, $0x38;
	[tilespmem:$0xC200] =	vst v63  }
0x202: {  	s28 =	sadd.s32 $0x300, s12  }
0x203: {  	[tilespmem:s20], [sflag:$0x2] =	stream.linear.gather [hbm4b:s28+s1], $0x400, $0x38;
	[tilespmem:$0xC200] =	vst v63  }
0x204: {  	s29 =	sadd.s32 $0x380, s12  }
0x205: {  	[tilespmem:s31], [sflag:$0x2] =	stream.linear.gather [hbm4b:s29+s1], $0x400, $0x38;
	[tilespmem:$0xC200] =	vst v63  }
0x206: {  	s30 =	sadd.s32 $0x400, s12  }
0x207: {  	[tilespmem:s24], [sflag:$0x2] =	stream.linear.gather [hbm4b:s30+s1], $0x400, $0x38;
	[tilespmem:$0xC200] =	vst v63  }
0x208: {  	s31 =	sadd.s32 $0x480, s12  }
0x209: {  	[tilespmem:s18], [sflag:$0x2] =	stream.linear.gather [hbm4b:s31+s1], $0x400, $0x38;
	[tilespmem:$0xC200] =	vst v63  }
0x20a: {  	s4 =	sadd.s32 $0x500, s12  }
0x20b: {  	[tilespmem:s22], [sflag:$0x2] =	stream.linear.gather [hbm4b:s4+s1], $0x400, $0x38;
	[tilespmem:$0xC200] =	vst v63  }
0x20c: {  	s5 =	sadd.s32 $0x580, s12  }
0x20d: {  	[tilespmem:s23], [sflag:$0x2] =	stream.linear.gather [hbm4b:s5+s1], $0x400, $0x38;
	[tilespmem:$0xC200] =	vst v63  }
0x20e: {  	s18 =	sadd.s32 $0x600, s12  }
0x20f: {  	[tilespmem:s2], [sflag:$0x2] =	stream.linear.gather [hbm4b:s18+s1], $0x400, $0x38;
	[tilespmem:$0xC200] =	vst v63  }
0x210: {  	s20 =	sadd.s32 $0x680, s12  }
0x211: {  	[tilespmem:s21], [sflag:$0x2] =	stream.linear.gather [hbm4b:s20+s1], $0x400, $0x38;
	[tilespmem:$0xC200] =	vst v63  }
0x212: {  	s21 =	sadd.s32 $0x700, s12  }
0x213: {  	[tilespmem:s6], [sflag:$0x2] =	stream.linear.gather [hbm4b:s21+s1], $0x400, $0x38;
	[tilespmem:$0xC200] =	vst v63  }
0x214: {  	s22 =	sadd.s32 $0x780, s12  }
0x215: {  	[tilespmem:s0], [sflag:$0x2] =	stream.linear.gather [hbm4b:s22+s1], $0x400, $0x38;
	[tilespmem:$0xC200] =	vst v63  }
0x216: {  	_ =	swait.ge [sflag:s19], $0x4000  }
0x217: {  	[sflag:s19] =	ssyncset.done $0x0  }
0x218: {  	s23 =	simm.s32 $0x600;
	[sflag:s19] =	ssyncadd.s32 $0xFFFFC000  }
0x219: {  	[tilespmem:s23], [sflag:$0x2] =	stream.linear.gather [hbm4b:s13+s1], $0x400, $0x38;
	[tilespmem:$0xC200] =	vst v63  }
0x21a: {  	s26 =	simm.s32 $0x1200;
	s24 =	sadd.s32 $0x80, s13  }
0x21b: {  	[tilespmem:s26], [sflag:$0x2] =	stream.linear.gather [hbm4b:s24+s1], $0x400, $0x38;
	[tilespmem:$0xC200] =	vst v63  }
0x21c: {  	s28 =	sadd.s32 $0x100, s13;
	s29 =	simm.s32 $0x1E00  }
0x21d: {  	[tilespmem:s29], [sflag:$0x2] =	stream.linear.gather [hbm4b:s28+s1], $0x400, $0x38;
	[tilespmem:$0xC200] =	vst v63  }
0x21e: {  	s30 =	sadd.s32 $0x180, s13;
	s31 =	simm.s32 $0x2A00  }
0x21f: {  	[tilespmem:s31], [sflag:$0x2] =	stream.linear.gather [hbm4b:s30+s1], $0x400, $0x38;
	[tilespmem:$0xC200] =	vst v63  }
0x220: {  	s2 =	simm.s32 $0x3600;
	s0 =	sadd.s32 $0x200, s13  }
0x221: {  	[tilespmem:s2], [sflag:$0x2] =	stream.linear.gather [hbm4b:s0+s1], $0x400, $0x38;
	[tilespmem:$0xC200] =	vst v63  }
0x222: {  	s4 =	sadd.s32 $0x280, s13;
	s5 =	simm.s32 $0x4200  }
0x223: {  	[tilespmem:s5], [sflag:$0x2] =	stream.linear.gather [hbm4b:s4+s1], $0x400, $0x38;
	[tilespmem:$0xC200] =	vst v63  }
0x224: {  	s18 =	simm.s32 $0x4E00;
	s6 =	sadd.s32 $0x300, s13  }
0x225: {  	[tilespmem:s18], [sflag:$0x2] =	stream.linear.gather [hbm4b:s6+s1], $0x400, $0x38;
	[tilespmem:$0xC200] =	vst v63  }
0x226: {  	s20 =	sadd.s32 $0x380, s13;
	s21 =	simm.s32 $0x5A00  }
0x227: {  	[tilespmem:s21], [sflag:$0x2] =	stream.linear.gather [hbm4b:s20+s1], $0x400, $0x38;
	[tilespmem:$0xC200] =	vst v63  }
0x228: {  	s22 =	sadd.s32 $0x400, s13;
	s23 =	simm.s32 $0x6600  }
0x229: {  	[tilespmem:s23], [sflag:$0x2] =	stream.linear.gather [hbm4b:s22+s1], $0x400, $0x38;
	[tilespmem:$0xC200] =	vst v63  }
0x22a: {  	s24 =	sadd.s32 $0x480, s13;
	s26 =	simm.s32 $0x7200  }
0x22b: {  	[tilespmem:s26], [sflag:$0x2] =	stream.linear.gather [hbm4b:s24+s1], $0x400, $0x38;
	[tilespmem:$0xC200] =	vst v63  }
0x22c: {  	s28 =	sadd.s32 $0x500, s13;
	s29 =	simm.s32 $0x7E00  }
0x22d: {  	[tilespmem:s29], [sflag:$0x2] =	stream.linear.gather [hbm4b:s28+s1], $0x400, $0x38;
	[tilespmem:$0xC200] =	vst v63  }
0x22e: {  	s30 =	sadd.s32 $0x580, s13;
	s31 =	simm.s32 $0x8A00  }
0x22f: {  	[tilespmem:s31], [sflag:$0x2] =	stream.linear.gather [hbm4b:s30+s1], $0x400, $0x38;
	[tilespmem:$0xC200] =	vst v63  }
0x230: {  	s0 =	sadd.s32 $0x600, s13;
	s2 =	simm.s32 $0x9600  }
0x231: {  	[tilespmem:s2], [sflag:$0x2] =	stream.linear.gather [hbm4b:s0+s1], $0x400, $0x38;
	[tilespmem:$0xC200] =	vst v63  }
0x232: {  	s4 =	sadd.s32 $0x680, s13;
	s5 =	simm.s32 $0xA200  }
0x233: {  	[tilespmem:s5], [sflag:$0x2] =	stream.linear.gather [hbm4b:s4+s1], $0x400, $0x38;
	[tilespmem:$0xC200] =	vst v63  }
0x234: {  	s6 =	sadd.s32 $0x700, s13;
	s18 =	simm.s32 $0xAE00  }
0x235: {  	[tilespmem:s18], [sflag:$0x2] =	stream.linear.gather [hbm4b:s6+s1], $0x400, $0x38;
	[tilespmem:$0xC200] =	vst v63  }
0x236: {  	s20 =	sadd.s32 $0x780, s13;
	s21 =	simm.s32 $0xBA00  }
0x237: {  	[tilespmem:s21], [sflag:$0x2] =	stream.linear.gather [hbm4b:s20+s1], $0x400, $0x38;
	[tilespmem:$0xC200] =	vst v63  }
0x238: {  	_ =	swait.ge [sflag:s19], $0x4000  }
0x239: {  	[sflag:s19] =	ssyncset.done $0x0  }
0x23a: {  	s2 =	simm.s32 $0xA00;
	[sflag:s19] =	ssyncadd.s32 $0xFFFFC000  }
0x23b: {  	[tilespmem:s2], [sflag:$0x2] =	stream.linear.gather [hbm4b:s14+s1], $0x400, $0x38;
	[tilespmem:$0xC200] =	vst v63  }
0x23c: {  	s22 =	sadd.s32 $0x80, s14;
	s5 =	simm.s32 $0x1600  }
0x23d: {  	[tilespmem:s5], [sflag:$0x2] =	stream.linear.gather [hbm4b:s22+s1], $0x400, $0x38;
	[tilespmem:$0xC200] =	vst v63  }
0x23e: {  	s23 =	sadd.s32 $0x100, s14;
	s24 =	simm.s32 $0x2200  }
0x23f: {  	[tilespmem:s24], [sflag:$0x2] =	stream.linear.gather [hbm4b:s23+s1], $0x400, $0x38;
	[tilespmem:$0xC200] =	vst v63  }
0x240: {  	s26 =	sadd.s32 $0x180, s14;
	s0 =	simm.s32 $0x2E00  }
0x241: {  	[tilespmem:s0], [sflag:$0x2] =	stream.linear.gather [hbm4b:s26+s1], $0x400, $0x38;
	[tilespmem:$0xC200] =	vst v63  }
0x242: {  	s28 =	sadd.s32 $0x200, s14;
	s31 =	simm.s32 $0x3A00  }
0x243: {  	[tilespmem:s31], [sflag:$0x2] =	stream.linear.gather [hbm4b:s28+s1], $0x400, $0x38;
	[tilespmem:$0xC200] =	vst v63  }
0x244: {  	s29 =	sadd.s32 $0x280, s14;
	s4 =	simm.s32 $0x4600  }
0x245: {  	[tilespmem:s4], [sflag:$0x2] =	stream.linear.gather [hbm4b:s29+s1], $0x400, $0x38;
	[tilespmem:$0xC200] =	vst v63  }
0x246: {  	s30 =	sadd.s32 $0x300, s14;
	s18 =	simm.s32 $0x5200  }
0x247: {  	[tilespmem:s18], [sflag:$0x2] =	stream.linear.gather [hbm4b:s30+s1], $0x400, $0x38;
	[tilespmem:$0xC200] =	vst v63  }
0x248: {  	s6 =	sadd.s32 $0x380, s14;
	s20 =	simm.s32 $0x5E00  }
0x249: {  	[tilespmem:s20], [sflag:$0x2] =	stream.linear.gather [hbm4b:s6+s1], $0x400, $0x38;
	[tilespmem:$0xC200] =	vst v63  }
0x24a: {  	s21 =	sadd.s32 $0x400, s14;
	s30 =	simm.s32 $0x6A00  }
0x24b: {  	[tilespmem:s30], [sflag:$0x2] =	stream.linear.gather [hbm4b:s21+s1], $0x400, $0x38;
	[tilespmem:$0xC200] =	vst v63  }
0x24c: {  	s22 =	sadd.s32 $0x480, s14;
	s28 =	simm.s32 $0x7600  }
0x24d: {  	[tilespmem:s28], [sflag:$0x2] =	stream.linear.gather [hbm4b:s22+s1], $0x400, $0x38;
	[tilespmem:$0xC200] =	vst v63  }
0x24e: {  	s23 =	sadd.s32 $0x500, s14;
	s26 =	simm.s32 $0x8200  }
0x24f: {  	[tilespmem:s26], [sflag:$0x2] =	stream.linear.gather [hbm4b:s23+s1], $0x400, $0x38;
	[tilespmem:$0xC200] =	vst v63  }
0x250: {  	s29 =	sadd.s32 $0x580, s14;
	s26 =	simm.s32 $0x8E00  }
0x251: {  	[tilespmem:s26], [sflag:$0x2] =	stream.linear.gather [hbm4b:s29+s1], $0x400, $0x38;
	[tilespmem:$0xC200] =	vst v63  }
0x252: {  	s6 =	sadd.s32 $0x600, s14;
	s21 =	simm.s32 $0x9A00  }
0x253: {  	[tilespmem:s21], [sflag:$0x2] =	stream.linear.gather [hbm4b:s6+s1], $0x400, $0x38;
	[tilespmem:$0xC200] =	vst v63  }
0x254: {  	s22 =	sadd.s32 $0x680, s14;
	s23 =	simm.s32 $0xA600  }
0x255: {  	[tilespmem:s23], [sflag:$0x2] =	stream.linear.gather [hbm4b:s22+s1], $0x400, $0x38;
	[tilespmem:$0xC200] =	vst v63  }
0x256: {  	s21 =	sadd.s32 $0x700, s14;
	s6 =	simm.s32 $0xB200  }
0x257: {  	[tilespmem:s6], [sflag:$0x2] =	stream.linear.gather [hbm4b:s21+s1], $0x400, $0x38;
	[tilespmem:$0xC200] =	vst v63  }
0x258: {  	s22 =	sadd.s32 $0x780, s14;
	s23 =	simm.s32 $0xBE00  }
0x259: {  	[tilespmem:s23], [sflag:$0x2] =	stream.linear.gather [hbm4b:s22+s1], $0x400, $0x38;
	[tilespmem:$0xC200] =	vst v63  }
0x25a: {  	_ =	swait.ge [sflag:s19], $0x4000  }
0x25b: {  	[sflag:s19] =	ssyncset.done $0x0  }
0x25c: {  	[sflag:s19] =	ssyncadd.s32 $0xFFFFC000  }
0x25d: {  	v3 =	vld [tilespmem:$0x100];
	_ =	sdelay $0x4  }
0x25e: {  	v48 =	vshrl.u32 v3, $0x3  }
0x25f: {  	v4 =	vmul.u32 $0x18, v48  }
0x260: {  	v3 =	vand.u32 $0x7, v3  }
0x261: {  	v3 =	vor.u32 v3, v4  }
0x262: {  	v4 =	vperm.xlane v3, v0;
	_ =	sdelay $0x1  }
0x263: {  	v4 =	vadd.s32 v1, v4;
	_ =	sdelay $0x1  }
0x264: {  	v3 =	vperm.xlane v3, v2;
	_ =	sdelay $0x1  }
0x265: {  	s10 =	simm.s32 $0x200;
	v3 =	vadd.s32 v1, v3  }
0x266: {  	[hbm4b:s3+s1] =	stream.indirect_vreg.scatter [tilespmem:s10], [sflag:$0x1], $0x80, v4, vm0, $0xb8;
	[tilespmem:$0xC200] =	vst v63  }
0x267: {  	_ = 	snop  }
0x268: {  	[hbm4b:s8+s1] =	stream.indirect_vreg.scatter [tilespmem:s2], [sflag:$0x1], $0x80, v4, vm1, $0xb8;
	[tilespmem:$0xC200] =	vst v63  }
0x269: {  	s10 =	simm.s32 $0xE00  }
0x26a: {  	[hbm4b:s3+s1] =	stream.indirect_vreg.scatter [tilespmem:s10], [sflag:$0x1], $0x80, v3, vm0, $0xb8;
	[tilespmem:$0xC200] =	vst v63  }
0x26b: {  	_ = 	snop  }
0x26c: {  	[hbm4b:s8+s1] =	stream.indirect_vreg.scatter [tilespmem:s5], [sflag:$0x1], $0x80, v3, vm1, $0xb8;
	[tilespmem:$0xC200] =	vst v63  }
0x26d: {  	v3 =	vld [tilespmem:$0x110];
	_ =	sdelay $0x4  }
0x26e: {  	v49 =	vshrl.u32 v3, $0x3  }
0x26f: {  	v4 =	vmul.u32 $0x18, v49  }
0x270: {  	v3 =	vand.u32 $0x7, v3  }
0x271: {  	v3 =	vor.u32 v3, v4  }
0x272: {  	v4 =	vperm.xlane v3, v0;
	_ =	sdelay $0x1  }
0x273: {  	v4 =	vadd.s32 v1, v4;
	_ =	sdelay $0x1  }
0x274: {  	v3 =	vperm.xlane v3, v2;
	_ =	sdelay $0x1  }
0x275: {  	v3 =	vadd.s32 v1, v3  }
0x276: {  	[hbm4b:s3+s1] =	stream.indirect_vreg.scatter [tilespmem:s9], [sflag:$0x1], $0x80, v4, vm0, $0xb8;
	[tilespmem:$0xC200] =	vst v63  }
0x277: {  	_ = 	snop  }
0x278: {  	[hbm4b:s8+s1] =	stream.indirect_vreg.scatter [tilespmem:s24], [sflag:$0x1], $0x80, v4, vm1, $0xb8;
	[tilespmem:$0xC200] =	vst v63  }
0x279: {  	s24 =	simm.s32 $0x2600  }
0x27a: {  	[hbm4b:s3+s1] =	stream.indirect_vreg.scatter [tilespmem:s24], [sflag:$0x1], $0x80, v3, vm0, $0xb8;
	[tilespmem:$0xC200] =	vst v63  }
0x27b: {  	_ = 	snop  }
0x27c: {  	[hbm4b:s8+s1] =	stream.indirect_vreg.scatter [tilespmem:s0], [sflag:$0x1], $0x80, v3, vm1, $0xb8;
	[tilespmem:$0xC200] =	vst v63  }
0x27d: {  	v3 =	vld [tilespmem:$0x120];
	_ =	sdelay $0x4  }
0x27e: {  	v50 =	vshrl.u32 v3, $0x3  }
0x27f: {  	v4 =	vmul.u32 $0x18, v50  }
0x280: {  	v3 =	vand.u32 $0x7, v3  }
0x281: {  	v3 =	vor.u32 v3, v4  }
0x282: {  	v4 =	vperm.xlane v3, v0;
	_ =	sdelay $0x1  }
0x283: {  	v4 =	vadd.s32 v1, v4;
	_ =	sdelay $0x1  }
0x284: {  	v3 =	vperm.xlane v3, v2;
	_ =	sdelay $0x1  }
0x285: {  	s25 =	simm.s32 $0x3200;
	v3 =	vadd.s32 v1, v3  }
0x286: {  	[hbm4b:s3+s1] =	stream.indirect_vreg.scatter [tilespmem:s25], [sflag:$0x1], $0x80, v4, vm0, $0xb8;
	[tilespmem:$0xC200] =	vst v63  }
0x287: {  	_ = 	snop  }
0x288: {  	[hbm4b:s8+s1] =	stream.indirect_vreg.scatter [tilespmem:s31], [sflag:$0x1], $0x80, v4, vm1, $0xb8;
	[tilespmem:$0xC200] =	vst v63  }
0x289: {  	_ = 	snop  }
0x28a: {  	[hbm4b:s3+s1] =	stream.indirect_vreg.scatter [tilespmem:s7], [sflag:$0x1], $0x80, v3, vm0, $0xb8;
	[tilespmem:$0xC200] =	vst v63  }
0x28b: {  	_ = 	snop  }
0x28c: {  	[hbm4b:s8+s1] =	stream.indirect_vreg.scatter [tilespmem:s4], [sflag:$0x1], $0x80, v3, vm1, $0xb8;
	[tilespmem:$0xC200] =	vst v63  }
0x28d: {  	v3 =	vld [tilespmem:$0x130];
	_ =	sdelay $0x4  }
0x28e: {  	v51 =	vshrl.u32 v3, $0x3  }
0x28f: {  	v4 =	vmul.u32 $0x18, v51  }
0x290: {  	v3 =	vand.u32 $0x7, v3  }
0x291: {  	v3 =	vor.u32 v3, v4  }
0x292: {  	v4 =	vperm.xlane v3, v0;
	_ =	sdelay $0x1  }
0x293: {  	v4 =	vadd.s32 v1, v4;
	_ =	sdelay $0x1  }
0x294: {  	v3 =	vperm.xlane v3, v2;
	_ =	sdelay $0x1  }
0x295: {  	s24 =	simm.s32 $0x4A00;
	v3 =	vadd.s32 v1, v3  }
0x296: {  	[hbm4b:s3+s1] =	stream.indirect_vreg.scatter [tilespmem:s24], [sflag:$0x1], $0x80, v4, vm0, $0xb8;
	[tilespmem:$0xC200] =	vst v63  }
0x297: {  	_ = 	snop  }
0x298: {  	[hbm4b:s8+s1] =	stream.indirect_vreg.scatter [tilespmem:s18], [sflag:$0x1], $0x80, v4, vm1, $0xb8;
	[tilespmem:$0xC200] =	vst v63  }
0x299: {  	s23 =	simm.s32 $0x5600  }
0x29a: {  	[hbm4b:s3+s1] =	stream.indirect_vreg.scatter [tilespmem:s23], [sflag:$0x1], $0x80, v3, vm0, $0xb8;
	[tilespmem:$0xC200] =	vst v63  }
0x29b: {  	_ = 	snop  }
0x29c: {  	[hbm4b:s8+s1] =	stream.indirect_vreg.scatter [tilespmem:s20], [sflag:$0x1], $0x80, v3, vm1, $0xb8;
	[tilespmem:$0xC200] =	vst v63  }
0x29d: {  	v3 =	vld [tilespmem:$0x140];
	_ =	sdelay $0x4  }
0x29e: {  	v52 =	vshrl.u32 v3, $0x3  }
0x29f: {  	v4 =	vmul.u32 $0x18, v52  }
0x2a0: {  	v3 =	vand.u32 $0x7, v3  }
0x2a1: {  	v3 =	vor.u32 v3, v4  }
0x2a2: {  	v4 =	vperm.xlane v3, v0;
	_ =	sdelay $0x1  }
0x2a3: {  	v4 =	vadd.s32 v1, v4;
	_ =	sdelay $0x1  }
0x2a4: {  	v3 =	vperm.xlane v3, v2;
	_ =	sdelay $0x1  }
0x2a5: {  	s22 =	simm.s32 $0x6200;
	v3 =	vadd.s32 v1, v3  }
0x2a6: {  	[hbm4b:s3+s1] =	stream.indirect_vreg.scatter [tilespmem:s22], [sflag:$0x1], $0x80, v4, vm0, $0xb8;
	[tilespmem:$0xC200] =	vst v63  }
0x2a7: {  	_ = 	snop  }
0x2a8: {  	[hbm4b:s8+s1] =	stream.indirect_vreg.scatter [tilespmem:s30], [sflag:$0x1], $0x80, v4, vm1, $0xb8;
	[tilespmem:$0xC200] =	vst v63  }
0x2a9: {  	s21 =	simm.s32 $0x6E00  }
0x2aa: {  	[hbm4b:s3+s1] =	stream.indirect_vreg.scatter [tilespmem:s21], [sflag:$0x1], $0x80, v3, vm0, $0xb8;
	[tilespmem:$0xC200] =	vst v63  }
0x2ab: {  	_ = 	snop  }
0x2ac: {  	[hbm4b:s8+s1] =	stream.indirect_vreg.scatter [tilespmem:s28], [sflag:$0x1], $0x80, v3, vm1, $0xb8;
	[tilespmem:$0xC200] =	vst v63  }
0x2ad: {  	v3 =	vld [tilespmem:$0x150];
	_ =	sdelay $0x4  }
0x2ae: {  	v53 =	vshrl.u32 v3, $0x3  }
0x2af: {  	v4 =	vmul.u32 $0x18, v53  }
0x2b0: {  	v3 =	vand.u32 $0x7, v3  }
0x2b1: {  	v3 =	vor.u32 v3, v4  }
0x2b2: {  	v4 =	vperm.xlane v3, v0;
	_ =	sdelay $0x1  }
0x2b3: {  	v4 =	vadd.s32 v1, v4;
	_ =	sdelay $0x1  }
0x2b4: {  	v3 =	vperm.xlane v3, v2;
	_ =	sdelay $0x1  }
0x2b5: {  	s4 =	simm.s32 $0x7A00;
	v3 =	vadd.s32 v1, v3  }
0x2b6: {  	[hbm4b:s3+s1] =	stream.indirect_vreg.scatter [tilespmem:s4], [sflag:$0x1], $0x80, v4, vm0, $0xb8;
	[tilespmem:$0xC200] =	vst v63  }
0x2b7: {  	s2 =	simm.s32 $0x8200  }
0x2b8: {  	[hbm4b:s8+s1] =	stream.indirect_vreg.scatter [tilespmem:s2], [sflag:$0x1], $0x80, v4, vm1, $0xb8;
	[tilespmem:$0xC200] =	vst v63  }
0x2b9: {  	s30 =	simm.s32 $0x8600  }
0x2ba: {  	[hbm4b:s3+s1] =	stream.indirect_vreg.scatter [tilespmem:s30], [sflag:$0x1], $0x80, v3, vm0, $0xb8;
	[tilespmem:$0xC200] =	vst v63  }
0x2bb: {  	_ = 	snop  }
0x2bc: {  	[hbm4b:s8+s1] =	stream.indirect_vreg.scatter [tilespmem:s26], [sflag:$0x1], $0x80, v3, vm1, $0xb8;
	[tilespmem:$0xC200] =	vst v63  }
0x2bd: {  	v3 =	vld [tilespmem:$0x160];
	_ =	sdelay $0x4  }
0x2be: {  	v54 =	vshrl.u32 v3, $0x3  }
0x2bf: {  	v4 =	vmul.u32 $0x18, v54  }
0x2c0: {  	v3 =	vand.u32 $0x7, v3  }
0x2c1: {  	v3 =	vor.u32 v3, v4  }
0x2c2: {  	v4 =	vperm.xlane v3, v0;
	_ =	sdelay $0x1  }
0x2c3: {  	v4 =	vadd.s32 v1, v4;
	_ =	sdelay $0x1  }
0x2c4: {  	v3 =	vperm.xlane v3, v2;
	_ =	sdelay $0x1  }
0x2c5: {  	s2 =	simm.s32 $0x9200;
	v3 =	vadd.s32 v1, v3  }
0x2c6: {  	[hbm4b:s3+s1] =	stream.indirect_vreg.scatter [tilespmem:s2], [sflag:$0x1], $0x80, v4, vm0, $0xb8;
	[tilespmem:$0xC200] =	vst v63  }
0x2c7: {  	s29 =	simm.s32 $0x9A00  }
0x2c8: {  	[hbm4b:s8+s1] =	stream.indirect_vreg.scatter [tilespmem:s29], [sflag:$0x1], $0x80, v4, vm1, $0xb8;
	[tilespmem:$0xC200] =	vst v63  }
0x2c9: {  	s20 =	simm.s32 $0x9E00  }
0x2ca: {  	[hbm4b:s3+s1] =	stream.indirect_vreg.scatter [tilespmem:s20], [sflag:$0x1], $0x80, v3, vm0, $0xb8;
	[tilespmem:$0xC200] =	vst v63  }
0x2cb: {  	s5 =	simm.s32 $0xA600  }
0x2cc: {  	[hbm4b:s8+s1] =	stream.indirect_vreg.scatter [tilespmem:s5], [sflag:$0x1], $0x80, v3, vm1, $0xb8;
	[tilespmem:$0xC200] =	vst v63  }
0x2cd: {  	v3 =	vld [tilespmem:$0x170];
	_ =	sdelay $0x4  }
0x2ce: {  	v55 =	vshrl.u32 v3, $0x3  }
0x2cf: {  	v4 =	vmul.u32 $0x18, v55  }
0x2d0: {  	v3 =	vand.u32 $0x7, v3  }
0x2d1: {  	v3 =	vor.u32 v3, v4  }
0x2d2: {  	v4 =	vperm.xlane v3, v0;
	_ =	sdelay $0x1  }
0x2d3: {  	v4 =	vadd.s32 v1, v4;
	_ =	sdelay $0x1  }
0x2d4: {  	v3 =	vperm.xlane v3, v2;
	_ =	sdelay $0x1  }
0x2d5: {  	s0 =	simm.s32 $0xAA00;
	v3 =	vadd.s32 v1, v3  }
0x2d6: {  	[hbm4b:s3+s1] =	stream.indirect_vreg.scatter [tilespmem:s0], [sflag:$0x1], $0x80, v4, vm0, $0xb8;
	[tilespmem:$0xC200] =	vst v63  }
0x2d7: {  	_ = 	snop  }
0x2d8: {  	[hbm4b:s8+s1] =	stream.indirect_vreg.scatter [tilespmem:s6], [sflag:$0x1], $0x80, v4, vm1, $0xb8;
	[tilespmem:$0xC200] =	vst v63  }
0x2d9: {  	s18 =	simm.s32 $0xB600  }
0x2da: {  	[hbm4b:s3+s1] =	stream.indirect_vreg.scatter [tilespmem:s18], [sflag:$0x1], $0x80, v3, vm0, $0xb8;
	[tilespmem:$0xC200] =	vst v63  }
0x2db: {  	s25 =	simm.s32 $0x1;
	s7 =	simm.s32 $0xBE00  }
0x2dc: {  	[hbm4b:s8+s1] =	stream.indirect_vreg.scatter [tilespmem:s7], [sflag:$0x1], $0x80, v3, vm1, $0xb8;
	[tilespmem:$0xC200] =	vst v63  }
0x2dd: {  	_ =	swait.ge [sflag:s25], $0xC000  }
0x2de: {  	s26 =	rddreg [dreg:$0x7];
	[sflag:s25] =	ssyncset.done $0x0  }
0x2df: {  	s28 =	rddreg [dreg:$0xa];
	[sflag:s25] =	ssyncadd.s32 $0xFFFF4000  }
0x2e0: {  	[tilespmem:s28], [sflag:$0x2] =	stream.linear.gather [hbm4b:s26+s1], $0x80, $0x38;
	[tilespmem:$0xC200] =	vst v63  }
0x2e1: {  	_ =	swait.ge [sflag:s19], $0x80  }
0x2e2: {  	[sflag:s19] =	ssyncset.done $0x0  }
0x2e3: {  	s29 =	simm.s32 $0x200;
	[sflag:s19] =	ssyncadd.s32 $0xFFFFFF80  }
0x2e4: {  	[tilespmem:s29], [sflag:$0x2] =	stream.linear.gather [hbm4b:s15+s1], $0x400, $0x38;
	[tilespmem:$0xC200] =	vst v63  }
0x2e5: {  	s31 =	sadd.s32 $0x80, s15  }
0x2e6: {  	[tilespmem:s10], [sflag:$0x2] =	stream.linear.gather [hbm4b:s31+s1], $0x400, $0x38;
	[tilespmem:$0xC200] =	vst v63  }
0x2e7: {  	s5 =	sadd.s32 $0x100, s15;
	s10 =	simm.s32 $0x1A00  }
0x2e8: {  	[tilespmem:s10], [sflag:$0x2] =	stream.linear.gather [hbm4b:s5+s1], $0x400, $0x38;
	[tilespmem:$0xC200] =	vst v63  }
0x2e9: {  	s9 =	simm.s32 $0x2600;
	s26 =	sadd.s32 $0x180, s15  }
0x2ea: {  	[tilespmem:s9], [sflag:$0x2] =	stream.linear.gather [hbm4b:s26+s1], $0x400, $0x38;
	[tilespmem:$0xC200] =	vst v63  }
0x2eb: {  	s28 =	sadd.s32 $0x200, s15;
	s29 =	simm.s32 $0x3200  }
0x2ec: {  	[tilespmem:s29], [sflag:$0x2] =	stream.linear.gather [hbm4b:s28+s1], $0x400, $0x38;
	[tilespmem:$0xC200] =	vst v63  }
0x2ed: {  	s5 =	sadd.s32 $0x280, s15;
	s9 =	simm.s32 $0x3E00  }
0x2ee: {  	[tilespmem:s9], [sflag:$0x2] =	stream.linear.gather [hbm4b:s5+s1], $0x400, $0x38;
	[tilespmem:$0xC200] =	vst v63  }
0x2ef: {  	s10 =	sadd.s32 $0x300, s15  }
0x2f0: {  	[tilespmem:s24], [sflag:$0x2] =	stream.linear.gather [hbm4b:s10+s1], $0x400, $0x38;
	[tilespmem:$0xC200] =	vst v63  }
0x2f1: {  	s26 =	sadd.s32 $0x380, s15  }
0x2f2: {  	[tilespmem:s23], [sflag:$0x2] =	stream.linear.gather [hbm4b:s26+s1], $0x400, $0x38;
	[tilespmem:$0xC200] =	vst v63  }
0x2f3: {  	s28 =	sadd.s32 $0x400, s15  }
0x2f4: {  	[tilespmem:s22], [sflag:$0x2] =	stream.linear.gather [hbm4b:s28+s1], $0x400, $0x38;
	[tilespmem:$0xC200] =	vst v63  }
0x2f5: {  	s29 =	sadd.s32 $0x480, s15  }
0x2f6: {  	[tilespmem:s21], [sflag:$0x2] =	stream.linear.gather [hbm4b:s29+s1], $0x400, $0x38;
	[tilespmem:$0xC200] =	vst v63  }
0x2f7: {  	s31 =	sadd.s32 $0x500, s15  }
0x2f8: {  	[tilespmem:s4], [sflag:$0x2] =	stream.linear.gather [hbm4b:s31+s1], $0x400, $0x38;
	[tilespmem:$0xC200] =	vst v63  }
0x2f9: {  	s4 =	sadd.s32 $0x580, s15  }
0x2fa: {  	[tilespmem:s30], [sflag:$0x2] =	stream.linear.gather [hbm4b:s4+s1], $0x400, $0x38;
	[tilespmem:$0xC200] =	vst v63  }
0x2fb: {  	s5 =	sadd.s32 $0x600, s15  }
0x2fc: {  	[tilespmem:s2], [sflag:$0x2] =	stream.linear.gather [hbm4b:s5+s1], $0x400, $0x38;
	[tilespmem:$0xC200] =	vst v63  }
0x2fd: {  	s9 =	sadd.s32 $0x680, s15  }
0x2fe: {  	[tilespmem:s20], [sflag:$0x2] =	stream.linear.gather [hbm4b:s9+s1], $0x400, $0x38;
	[tilespmem:$0xC200] =	vst v63  }
0x2ff: {  	s10 =	sadd.s32 $0x700, s15  }
0x300: {  	[tilespmem:s0], [sflag:$0x2] =	stream.linear.gather [hbm4b:s10+s1], $0x400, $0x38;
	[tilespmem:$0xC200] =	vst v63  }
0x301: {  	s20 =	sadd.s32 $0x780, s15  }
0x302: {  	[tilespmem:s18], [sflag:$0x2] =	stream.linear.gather [hbm4b:s20+s1], $0x400, $0x38;
	[tilespmem:$0xC200] =	vst v63  }
0x303: {  	_ =	swait.ge [sflag:s19], $0x4000  }
0x304: {  	[sflag:s19] =	ssyncset.done $0x0  }
0x305: {  	s21 =	simm.s32 $0x600;
	[sflag:s19] =	ssyncadd.s32 $0xFFFFC000  }
0x306: {  	[tilespmem:s21], [sflag:$0x2] =	stream.linear.gather [hbm4b:s16+s1], $0x400, $0x38;
	[tilespmem:$0xC200] =	vst v63  }
0x307: {  	s23 =	simm.s32 $0x1200;
	s22 =	sadd.s32 $0x80, s16  }
0x308: {  	[tilespmem:s23], [sflag:$0x2] =	stream.linear.gather [hbm4b:s22+s1], $0x400, $0x38;
	[tilespmem:$0xC200] =	vst v63  }
0x309: {  	s24 =	sadd.s32 $0x100, s16;
	s26 =	simm.s32 $0x1E00  }
0x30a: {  	[tilespmem:s26], [sflag:$0x2] =	stream.linear.gather [hbm4b:s24+s1], $0x400, $0x38;
	[tilespmem:$0xC200] =	vst v63  }
0x30b: {  	s28 =	sadd.s32 $0x180, s16;
	s29 =	simm.s32 $0x2A00  }
0x30c: {  	[tilespmem:s29], [sflag:$0x2] =	stream.linear.gather [hbm4b:s28+s1], $0x400, $0x38;
	[tilespmem:$0xC200] =	vst v63  }
0x30d: {  	s31 =	simm.s32 $0x3600;
	s30 =	sadd.s32 $0x200, s16  }
0x30e: {  	[tilespmem:s31], [sflag:$0x2] =	stream.linear.gather [hbm4b:s30+s1], $0x400, $0x38;
	[tilespmem:$0xC200] =	vst v63  }
0x30f: {  	s2 =	simm.s32 $0x4200;
	s0 =	sadd.s32 $0x280, s16  }
0x310: {  	[tilespmem:s2], [sflag:$0x2] =	stream.linear.gather [hbm4b:s0+s1], $0x400, $0x38;
	[tilespmem:$0xC200] =	vst v63  }
0x311: {  	s4 =	sadd.s32 $0x300, s16;
	s5 =	simm.s32 $0x4E00  }
0x312: {  	[tilespmem:s5], [sflag:$0x2] =	stream.linear.gather [hbm4b:s4+s1], $0x400, $0x38;
	[tilespmem:$0xC200] =	vst v63  }
0x313: {  	s9 =	sadd.s32 $0x380, s16;
	s18 =	simm.s32 $0x5A00  }
0x314: {  	[tilespmem:s18], [sflag:$0x2] =	stream.linear.gather [hbm4b:s9+s1], $0x400, $0x38;
	[tilespmem:$0xC200] =	vst v63  }
0x315: {  	s20 =	sadd.s32 $0x400, s16;
	s21 =	simm.s32 $0x6600  }
0x316: {  	[tilespmem:s21], [sflag:$0x2] =	stream.linear.gather [hbm4b:s20+s1], $0x400, $0x38;
	[tilespmem:$0xC200] =	vst v63  }
0x317: {  	s22 =	sadd.s32 $0x480, s16;
	s23 =	simm.s32 $0x7200  }
0x318: {  	[tilespmem:s23], [sflag:$0x2] =	stream.linear.gather [hbm4b:s22+s1], $0x400, $0x38;
	[tilespmem:$0xC200] =	vst v63  }
0x319: {  	s24 =	sadd.s32 $0x500, s16;
	s26 =	simm.s32 $0x7E00  }
0x31a: {  	[tilespmem:s26], [sflag:$0x2] =	stream.linear.gather [hbm4b:s24+s1], $0x400, $0x38;
	[tilespmem:$0xC200] =	vst v63  }
0x31b: {  	s28 =	sadd.s32 $0x580, s16;
	s29 =	simm.s32 $0x8A00  }
0x31c: {  	[tilespmem:s29], [sflag:$0x2] =	stream.linear.gather [hbm4b:s28+s1], $0x400, $0x38;
	[tilespmem:$0xC200] =	vst v63  }
0x31d: {  	s30 =	sadd.s32 $0x600, s16;
	s31 =	simm.s32 $0x9600  }
0x31e: {  	[tilespmem:s31], [sflag:$0x2] =	stream.linear.gather [hbm4b:s30+s1], $0x400, $0x38;
	[tilespmem:$0xC200] =	vst v63  }
0x31f: {  	s0 =	sadd.s32 $0x680, s16;
	s2 =	simm.s32 $0xA200  }
0x320: {  	[tilespmem:s2], [sflag:$0x2] =	stream.linear.gather [hbm4b:s0+s1], $0x400, $0x38;
	[tilespmem:$0xC200] =	vst v63  }
0x321: {  	s4 =	sadd.s32 $0x700, s16;
	s5 =	simm.s32 $0xAE00  }
0x322: {  	[tilespmem:s5], [sflag:$0x2] =	stream.linear.gather [hbm4b:s4+s1], $0x400, $0x38;
	[tilespmem:$0xC200] =	vst v63  }
0x323: {  	s9 =	sadd.s32 $0x780, s16;
	s18 =	simm.s32 $0xBA00  }
0x324: {  	[tilespmem:s18], [sflag:$0x2] =	stream.linear.gather [hbm4b:s9+s1], $0x400, $0x38;
	[tilespmem:$0xC200] =	vst v63  }
0x325: {  	_ =	swait.ge [sflag:s19], $0x4000  }
0x326: {  	[sflag:s19] =	ssyncset.done $0x0  }
0x327: {  	s2 =	simm.s32 $0xA00;
	[sflag:s19] =	ssyncadd.s32 $0xFFFFC000  }
0x328: {  	[tilespmem:s2], [sflag:$0x2] =	stream.linear.gather [hbm4b:s17+s1], $0x400, $0x38;
	[tilespmem:$0xC200] =	vst v63  }
0x329: {  	s20 =	sadd.s32 $0x80, s17;
	s29 =	simm.s32 $0x1600  }
0x32a: {  	[tilespmem:s29], [sflag:$0x2] =	stream.linear.gather [hbm4b:s20+s1], $0x400, $0x38;
	[tilespmem:$0xC200] =	vst v63  }
0x32b: {  	s21 =	sadd.s32 $0x100, s17;
	s20 =	simm.s32 $0x2200  }
0x32c: {  	[tilespmem:s20], [sflag:$0x2] =	stream.linear.gather [hbm4b:s21+s1], $0x400, $0x38;
	[tilespmem:$0xC200] =	vst v63  }
0x32d: {  	s22 =	sadd.s32 $0x180, s17;
	s28 =	simm.s32 $0x2E00  }
0x32e: {  	[tilespmem:s28], [sflag:$0x2] =	stream.linear.gather [hbm4b:s22+s1], $0x400, $0x38;
	[tilespmem:$0xC200] =	vst v63  }
0x32f: {  	s23 =	sadd.s32 $0x200, s17;
	s0 =	simm.s32 $0x3A00  }
0x330: {  	[tilespmem:s0], [sflag:$0x2] =	stream.linear.gather [hbm4b:s23+s1], $0x400, $0x38;
	[tilespmem:$0xC200] =	vst v63  }
0x331: {  	s24 =	sadd.s32 $0x280, s17;
	s4 =	simm.s32 $0x4600  }
0x332: {  	[tilespmem:s4], [sflag:$0x2] =	stream.linear.gather [hbm4b:s24+s1], $0x400, $0x38;
	[tilespmem:$0xC200] =	vst v63  }
0x333: {  	s26 =	sadd.s32 $0x300, s17;
	s5 =	simm.s32 $0x5200  }
0x334: {  	[tilespmem:s5], [sflag:$0x2] =	stream.linear.gather [hbm4b:s26+s1], $0x400, $0x38;
	[tilespmem:$0xC200] =	vst v63  }
0x335: {  	s30 =	sadd.s32 $0x380, s17;
	s18 =	simm.s32 $0x5E00  }
0x336: {  	[tilespmem:s18], [sflag:$0x2] =	stream.linear.gather [hbm4b:s30+s1], $0x400, $0x38;
	[tilespmem:$0xC200] =	vst v63  }
0x337: {  	s31 =	sadd.s32 $0x400, s17;
	s22 =	simm.s32 $0x6A00  }
0x338: {  	[tilespmem:s22], [sflag:$0x2] =	stream.linear.gather [hbm4b:s31+s1], $0x400, $0x38;
	[tilespmem:$0xC200] =	vst v63  }
0x339: {  	s9 =	sadd.s32 $0x480, s17;
	s21 =	simm.s32 $0x7600  }
0x33a: {  	[tilespmem:s21], [sflag:$0x2] =	stream.linear.gather [hbm4b:s9+s1], $0x400, $0x38;
	[tilespmem:$0xC200] =	vst v63  }
0x33b: {  	s23 =	sadd.s32 $0x500, s17;
	s24 =	simm.s32 $0x8200  }
0x33c: {  	[tilespmem:s24], [sflag:$0x2] =	stream.linear.gather [hbm4b:s23+s1], $0x400, $0x38;
	[tilespmem:$0xC200] =	vst v63  }
0x33d: {  	s26 =	sadd.s32 $0x580, s17;
	s23 =	simm.s32 $0x8E00  }
0x33e: {  	[tilespmem:s23], [sflag:$0x2] =	stream.linear.gather [hbm4b:s26+s1], $0x400, $0x38;
	[tilespmem:$0xC200] =	vst v63  }
0x33f: {  	s30 =	sadd.s32 $0x600, s17;
	s26 =	simm.s32 $0x9A00  }
0x340: {  	[tilespmem:s26], [sflag:$0x2] =	stream.linear.gather [hbm4b:s30+s1], $0x400, $0x38;
	[tilespmem:$0xC200] =	vst v63  }
0x341: {  	s31 =	sadd.s32 $0x680, s17;
	s30 =	simm.s32 $0xA600  }
0x342: {  	[tilespmem:s30], [sflag:$0x2] =	stream.linear.gather [hbm4b:s31+s1], $0x400, $0x38;
	[tilespmem:$0xC200] =	vst v63  }
0x343: {  	s9 =	sadd.s32 $0x700, s17;
	s31 =	simm.s32 $0xB200  }
0x344: {  	[tilespmem:s31], [sflag:$0x2] =	stream.linear.gather [hbm4b:s9+s1], $0x400, $0x38;
	[tilespmem:$0xC200] =	vst v63  }
0x345: {  	s6 =	simm.s32 $0xBE00;
	s9 =	sadd.s32 $0x780, s17  }
0x346: {  	[tilespmem:s6], [sflag:$0x2] =	stream.linear.gather [hbm4b:s9+s1], $0x400, $0x38;
	[tilespmem:$0xC200] =	vst v63  }
0x347: {  	_ =	swait.ge [sflag:s19], $0x4000  }
0x348: {  	[sflag:s19] =	ssyncset.done $0x0  }
0x349: {  	[sflag:s19] =	ssyncadd.s32 $0xFFFFC000  }
0x34a: {  	v3 =	vld [tilespmem:$0x180];
	_ =	sdelay $0x4  }
0x34b: {  	v56 =	vshrl.u32 v3, $0x3  }
0x34c: {  	v4 =	vmul.u32 $0x18, v56  }
0x34d: {  	v3 =	vand.u32 $0x7, v3  }
0x34e: {  	v3 =	vor.u32 v3, v4  }
0x34f: {  	v4 =	vperm.xlane v3, v0;
	_ =	sdelay $0x1  }
0x350: {  	v4 =	vadd.s32 v1, v4;
	_ =	sdelay $0x1  }
0x351: {  	v3 =	vperm.xlane v3, v2;
	_ =	sdelay $0x1  }
0x352: {  	s9 =	simm.s32 $0x200;
	v3 =	vadd.s32 v1, v3  }
0x353: {  	[hbm4b:s3+s1] =	stream.indirect_vreg.scatter [tilespmem:s9], [sflag:$0x1], $0x80, v4, vm0, $0xb8;
	[tilespmem:$0xC200] =	vst v63  }
0x354: {  	_ = 	snop  }
0x355: {  	[hbm4b:s8+s1] =	stream.indirect_vreg.scatter [tilespmem:s2], [sflag:$0x1], $0x80, v4, vm1, $0xb8;
	[tilespmem:$0xC200] =	vst v63  }
0x356: {  	s6 =	simm.s32 $0xE00  }
0x357: {  	[hbm4b:s3+s1] =	stream.indirect_vreg.scatter [tilespmem:s6], [sflag:$0x1], $0x80, v3, vm0, $0xb8;
	[tilespmem:$0xC200] =	vst v63  }
0x358: {  	_ = 	snop  }
0x359: {  	[hbm4b:s8+s1] =	stream.indirect_vreg.scatter [tilespmem:s29], [sflag:$0x1], $0x80, v3, vm1, $0xb8;
	[tilespmem:$0xC200] =	vst v63  }
0x35a: {  	v3 =	vld [tilespmem:$0x190];
	_ =	sdelay $0x4  }
0x35b: {  	v57 =	vshrl.u32 v3, $0x3  }
0x35c: {  	v4 =	vmul.u32 $0x18, v57  }
0x35d: {  	v3 =	vand.u32 $0x7, v3  }
0x35e: {  	v3 =	vor.u32 v3, v4  }
0x35f: {  	v4 =	vperm.xlane v3, v0;
	_ =	sdelay $0x1  }
0x360: {  	v4 =	vadd.s32 v1, v4;
	_ =	sdelay $0x1  }
0x361: {  	v3 =	vperm.xlane v3, v2;
	_ =	sdelay $0x1  }
0x362: {  	s9 =	simm.s32 $0x1A00;
	v3 =	vadd.s32 v1, v3  }
0x363: {  	[hbm4b:s3+s1] =	stream.indirect_vreg.scatter [tilespmem:s9], [sflag:$0x1], $0x80, v4, vm0, $0xb8;
	[tilespmem:$0xC200] =	vst v63  }
0x364: {  	_ = 	snop  }
0x365: {  	[hbm4b:s8+s1] =	stream.indirect_vreg.scatter [tilespmem:s20], [sflag:$0x1], $0x80, v4, vm1, $0xb8;
	[tilespmem:$0xC200] =	vst v63  }
0x366: {  	s20 =	simm.s32 $0x2600  }
0x367: {  	[hbm4b:s3+s1] =	stream.indirect_vreg.scatter [tilespmem:s20], [sflag:$0x1], $0x80, v3, vm0, $0xb8;
	[tilespmem:$0xC200] =	vst v63  }
0x368: {  	_ = 	snop  }
0x369: {  	[hbm4b:s8+s1] =	stream.indirect_vreg.scatter [tilespmem:s28], [sflag:$0x1], $0x80, v3, vm1, $0xb8;
	[tilespmem:$0xC200] =	vst v63  }
0x36a: {  	v3 =	vld [tilespmem:$0x1A0];
	_ =	sdelay $0x4  }
0x36b: {  	v58 =	vshrl.u32 v3, $0x3  }
0x36c: {  	v4 =	vmul.u32 $0x18, v58  }
0x36d: {  	v3 =	vand.u32 $0x7, v3  }
0x36e: {  	v3 =	vor.u32 v3, v4  }
0x36f: {  	v4 =	vperm.xlane v3, v0;
	_ =	sdelay $0x1  }
0x370: {  	v4 =	vadd.s32 v1, v4;
	_ =	sdelay $0x1  }
0x371: {  	v3 =	vperm.xlane v3, v2;
	_ =	sdelay $0x1  }
0x372: {  	s28 =	simm.s32 $0x3200;
	v3 =	vadd.s32 v1, v3  }
0x373: {  	[hbm4b:s3+s1] =	stream.indirect_vreg.scatter [tilespmem:s28], [sflag:$0x1], $0x80, v4, vm0, $0xb8;
	[tilespmem:$0xC200] =	vst v63  }
0x374: {  	_ = 	snop  }
0x375: {  	[hbm4b:s8+s1] =	stream.indirect_vreg.scatter [tilespmem:s0], [sflag:$0x1], $0x80, v4, vm1, $0xb8;
	[tilespmem:$0xC200] =	vst v63  }
0x376: {  	s29 =	simm.s32 $0x3E00  }
0x377: {  	[hbm4b:s3+s1] =	stream.indirect_vreg.scatter [tilespmem:s29], [sflag:$0x1], $0x80, v3, vm0, $0xb8;
	[tilespmem:$0xC200] =	vst v63  }
0x378: {  	_ = 	snop  }
0x379: {  	[hbm4b:s8+s1] =	stream.indirect_vreg.scatter [tilespmem:s4], [sflag:$0x1], $0x80, v3, vm1, $0xb8;
	[tilespmem:$0xC200] =	vst v63  }
0x37a: {  	v3 =	vld [tilespmem:$0x1B0];
	_ =	sdelay $0x4  }
0x37b: {  	v59 =	vshrl.u32 v3, $0x3  }
0x37c: {  	v4 =	vmul.u32 $0x18, v59  }
0x37d: {  	v3 =	vand.u32 $0x7, v3  }
0x37e: {  	v3 =	vor.u32 v3, v4  }
0x37f: {  	v4 =	vperm.xlane v3, v0;
	_ =	sdelay $0x1  }
0x380: {  	v4 =	vadd.s32 v1, v4;
	_ =	sdelay $0x1  }
0x381: {  	v3 =	vperm.xlane v3, v2;
	_ =	sdelay $0x1  }
0x382: {  	s6 =	simm.s32 $0x4A00;
	v3 =	vadd.s32 v1, v3  }
0x383: {  	[hbm4b:s3+s1] =	stream.indirect_vreg.scatter [tilespmem:s6], [sflag:$0x1], $0x80, v4, vm0, $0xb8;
	[tilespmem:$0xC200] =	vst v63  }
0x384: {  	_ = 	snop  }
0x385: {  	[hbm4b:s8+s1] =	stream.indirect_vreg.scatter [tilespmem:s5], [sflag:$0x1], $0x80, v4, vm1, $0xb8;
	[tilespmem:$0xC200] =	vst v63  }
0x386: {  	s9 =	simm.s32 $0x5600  }
0x387: {  	[hbm4b:s3+s1] =	stream.indirect_vreg.scatter [tilespmem:s9], [sflag:$0x1], $0x80, v3, vm0, $0xb8;
	[tilespmem:$0xC200] =	vst v63  }
0x388: {  	_ = 	snop  }
0x389: {  	[hbm4b:s8+s1] =	stream.indirect_vreg.scatter [tilespmem:s18], [sflag:$0x1], $0x80, v3, vm1, $0xb8;
	[tilespmem:$0xC200] =	vst v63  }
0x38a: {  	v3 =	vld [tilespmem:$0x1C0];
	_ =	sdelay $0x4  }
0x38b: {  	v60 =	vshrl.u32 v3, $0x3  }
0x38c: {  	v4 =	vmul.u32 $0x18, v60  }
0x38d: {  	v3 =	vand.u32 $0x7, v3  }
0x38e: {  	v3 =	vor.u32 v3, v4  }
0x38f: {  	v4 =	vperm.xlane v3, v0;
	_ =	sdelay $0x1  }
0x390: {  	v4 =	vadd.s32 v1, v4;
	_ =	sdelay $0x1  }
0x391: {  	v3 =	vperm.xlane v3, v2;
	_ =	sdelay $0x1  }
0x392: {  	s18 =	simm.s32 $0x6200;
	v3 =	vadd.s32 v1, v3  }
0x393: {  	[hbm4b:s3+s1] =	stream.indirect_vreg.scatter [tilespmem:s18], [sflag:$0x1], $0x80, v4, vm0, $0xb8;
	[tilespmem:$0xC200] =	vst v63  }
0x394: {  	_ = 	snop  }
0x395: {  	[hbm4b:s8+s1] =	stream.indirect_vreg.scatter [tilespmem:s22], [sflag:$0x1], $0x80, v4, vm1, $0xb8;
	[tilespmem:$0xC200] =	vst v63  }
0x396: {  	s20 =	simm.s32 $0x6E00  }
0x397: {  	[hbm4b:s3+s1] =	stream.indirect_vreg.scatter [tilespmem:s20], [sflag:$0x1], $0x80, v3, vm0, $0xb8;
	[tilespmem:$0xC200] =	vst v63  }
0x398: {  	_ = 	snop  }
0x399: {  	[hbm4b:s8+s1] =	stream.indirect_vreg.scatter [tilespmem:s21], [sflag:$0x1], $0x80, v3, vm1, $0xb8;
	[tilespmem:$0xC200] =	vst v63  }
0x39a: {  	v3 =	vld [tilespmem:$0x1D0];
	_ =	sdelay $0x4  }
0x39b: {  	v61 =	vshrl.u32 v3, $0x3  }
0x39c: {  	v4 =	vmul.u32 $0x18, v61  }
0x39d: {  	v3 =	vand.u32 $0x7, v3  }
0x39e: {  	v3 =	vor.u32 v3, v4  }
0x39f: {  	v4 =	vperm.xlane v3, v0;
	_ =	sdelay $0x1  }
0x3a0: {  	v4 =	vadd.s32 v1, v4;
	_ =	sdelay $0x1  }
0x3a1: {  	v3 =	vperm.xlane v3, v2;
	_ =	sdelay $0x1  }
0x3a2: {  	s22 =	simm.s32 $0x7A00;
	v3 =	vadd.s32 v1, v3  }
0x3a3: {  	[hbm4b:s3+s1] =	stream.indirect_vreg.scatter [tilespmem:s22], [sflag:$0x1], $0x80, v4, vm0, $0xb8;
	[tilespmem:$0xC200] =	vst v63  }
0x3a4: {  	_ = 	snop  }
0x3a5: {  	[hbm4b:s8+s1] =	stream.indirect_vreg.scatter [tilespmem:s24], [sflag:$0x1], $0x80, v4, vm1, $0xb8;
	[tilespmem:$0xC200] =	vst v63  }
0x3a6: {  	s24 =	simm.s32 $0x8600  }
0x3a7: {  	[hbm4b:s3+s1] =	stream.indirect_vreg.scatter [tilespmem:s24], [sflag:$0x1], $0x80, v3, vm0, $0xb8;
	[tilespmem:$0xC200] =	vst v63  }
0x3a8: {  	_ = 	snop  }
0x3a9: {  	[hbm4b:s8+s1] =	stream.indirect_vreg.scatter [tilespmem:s23], [sflag:$0x1], $0x80, v3, vm1, $0xb8;
	[tilespmem:$0xC200] =	vst v63  }
0x3aa: {  	v3 =	vld [tilespmem:$0x1E0];
	_ =	sdelay $0x4  }
0x3ab: {  	v62 =	vshrl.u32 v3, $0x3  }
0x3ac: {  	v4 =	vmul.u32 $0x18, v62  }
0x3ad: {  	v3 =	vand.u32 $0x7, v3  }
0x3ae: {  	v3 =	vor.u32 v3, v4  }
0x3af: {  	v4 =	vperm.xlane v3, v0;
	_ =	sdelay $0x1  }
0x3b0: {  	v4 =	vadd.s32 v1, v4;
	_ =	sdelay $0x1  }
0x3b1: {  	v3 =	vperm.xlane v3, v2;
	_ =	sdelay $0x1  }
0x3b2: {  	s28 =	simm.s32 $0x9200;
	v3 =	vadd.s32 v1, v3  }
0x3b3: {  	[hbm4b:s3+s1] =	stream.indirect_vreg.scatter [tilespmem:s28], [sflag:$0x1], $0x80, v4, vm0, $0xb8;
	[tilespmem:$0xC200] =	vst v63  }
0x3b4: {  	_ = 	snop  }
0x3b5: {  	[hbm4b:s8+s1] =	stream.indirect_vreg.scatter [tilespmem:s26], [sflag:$0x1], $0x80, v4, vm1, $0xb8;
	[tilespmem:$0xC200] =	vst v63  }
0x3b6: {  	s29 =	simm.s32 $0x9E00  }
0x3b7: {  	[hbm4b:s3+s1] =	stream.indirect_vreg.scatter [tilespmem:s29], [sflag:$0x1], $0x80, v3, vm0, $0xb8;
	[tilespmem:$0xC200] =	vst v63  }
0x3b8: {  	_ = 	snop  }
0x3b9: {  	[hbm4b:s8+s1] =	stream.indirect_vreg.scatter [tilespmem:s30], [sflag:$0x1], $0x80, v3, vm1, $0xb8;
	[tilespmem:$0xC200] =	vst v63  }
0x3ba: {  	v3 =	vld [tilespmem:$0x1F0];
	_ =	sdelay $0x4  }
0x3bb: {  	v63 =	vshrl.u32 v3, $0x3  }
0x3bc: {  	v4 =	vmul.u32 $0x18, v63  }
0x3bd: {  	v3 =	vand.u32 $0x7, v3  }
0x3be: {  	v3 =	vor.u32 v3, v4  }
0x3bf: {  	v4 =	vperm.xlane v3, v0;
	_ =	sdelay $0x1  }
0x3c0: {  	v4 =	vadd.s32 v1, v4;
	_ =	sdelay $0x1  }
0x3c1: {  	v3 =	vperm.xlane v3, v2;
	_ =	sdelay $0x1  }
0x3c2: {  	s30 =	simm.s32 $0xAA00;
	v3 =	vadd.s32 v1, v3  }
0x3c3: {  	[hbm4b:s3+s1] =	stream.indirect_vreg.scatter [tilespmem:s30], [sflag:$0x1], $0x80, v4, vm0, $0xb8;
	[tilespmem:$0xC200] =	vst v63  }
0x3c4: {  	s2 =	rddreg [dreg:$0xc]  }
0x3c5: {  	[hbm4b:s8+s1] =	stream.indirect_vreg.scatter [tilespmem:s31], [sflag:$0x1], $0x80, v4, vm1, $0xb8;
	[tilespmem:$0xC200] =	vst v63  }
0x3c6: {  	s10 =	simm.s32 $0xB600;
	p0 =	sne.s32 s2, $0x1  }
0x3c7: {  	[hbm4b:s3+s1] =	stream.indirect_vreg.scatter [tilespmem:s10], [sflag:$0x1], $0x80, v3, vm0, $0xb8;
	[tilespmem:$0xC200] =	vst v63  }
.Ltmp0:
0x3c8: {  	s7 =	simm.s32 $0x1;
	s25 =	simm.s32 $0xBE00;
	(pc) =	sbr.rel @p0 .LBB2_1-.Ltmp0, $4  }
0x3c9: {  	[hbm4b:s8+s1] =	stream.indirect_vreg.scatter [tilespmem:s25], [sflag:$0x1], $0x80, v3, vm1, $0xb8;
	[tilespmem:$0xC200] =	vst v63  }
0x3ca: {  	_ =	swait.ge [sflag:s7], $0xC000  }
0x3cb: {  	[sflag:s7] =	ssyncset.done $0x0  }
0x3cc: {  	s2 =	sadd.s32 $0xFFFFFFFF, s2;
	[sflag:s7] =	ssyncadd.s32 $0xFFFF4000  }
0x3cd: {  	_ =	sfence.sel $0x180000  }
0x3ce: {  	[bflag:$0x0] =	sbarrier.arrive $0xFFFF  }
0x3cf: {  	_ =	strace $0x90000047  }
0x3d0: {  	s0 =	stileid.u32;
	[bflag:$0x2] =	sbarrier.arrive $0xFFFF  }
0x3d1: {  	p0 =	sne.s32 s0, $0x0;
	s0 =	rddreg [dreg:$0x4]  }
0x3d2: {  	s0 =	sadd.s32 @!p0 $0x100000, s0  }
0x3d3: {  	[sflag:s0] =	ssyncadd.tile.s32 @!p0 $0x1;
	_ =	shalt  }
.Lfunc_end2:
_tile_overlayer_lowered:
.L_overlay_start_2:
0x3d4: {  	(tag) =	ssettag $0x2  }
0x3d5: {  	s0 =	rddreg [dreg:$0x0];
	s2 =	stileid.u32  }
0x3d6: {  	s1 =	rddreg [dreg:$0x1];
	p0 =	sne.s32 s2, $0x0  }
0x3d7: {  	s3 =	rddreg [dreg:$0x2];
	[bflag:$0x3] =	sbarrier.arrive $0xFFFF;
	s2 =	simm.s32 @!p0 $0x1C02  }
0x3d8: {  	[timem:s3], [sflag:s2] =	dma.local @!p0 [hbm:s0], s1  }
0x3d9: {  	s0 =	simm.s32 @!p0 $0x2  }
0x3da: {  	_ =	swait.ge @!p0 [sflag:s0], s1  }
0x3db: {  	s1 =	ssub.s32 @!p0 $0x0, s1;
	[sflag:s0] =	ssyncset.done @!p0 $0x0  }
0x3dc: {  	[sflag:s0] =	ssyncadd.s32 @!p0 s1  }
0x3dd: {  	[bflag:$0x3] =	sbarrier.arrive $0xFFFF  }
0x3de: {  	_ =	shalt  }

// kernel: kernel.9.cloned.1.call-start
scs
__scs_entry_jumppad:
0x0: {  	(pc) =	sbr.rel $0x88, $3  }
0x1: {  	(tag) =	ssettag $0x0;
	lr =	simm.s32 $0x1  }
0x2: {  	[smem:$0x3F98] =	sst lr;
	_ =	strace $0xD0000000  }
0x3: {  	_ = 	snop  }
0x4: {  	_ = 	snop  }
0x5: {  	_ = 	snop  }
0x6: {  	_ = 	snop  }
0x7: {  	_ = 	snop  }
__scs_overlays_trampoline_lowered:
0x8: {  	[smem:$0x3FA7] =	sst s0  }
0x9: {  	[smem:$0x3FA8] =	sst s1  }
0xa: {  	[smem:$0x3FA9] =	sst s2  }
0xb: {  	[smem:$0x3FAA] =	sst s3  }
0xc: {  	[smem:$0x3FAB] =	sst s4  }
0xd: {  	[smem:$0x3FAC] =	sst s5  }
0xe: {  	[smem:$0x3FAD] =	sst s6  }
0xf: {  	[smem:$0x3FAE] =	sst s7  }
0x10: {  	[smem:$0x3FAF] =	sst s8  }
0x11: {  	[smem:$0x3FB0] =	sst s9;
	s0 =	simm.s32 @!p0 $0x0  }
0x12: {  	s1 =	sld [smem:$0x3F96];
	s0 =	simm.s32 @p0 $0x1  }
0x13: {  	[smem:$0x3FB1] =	sst s0;
	s0 =	simm.s32 @!p1 $0x0  }
0x14: {  	s2 =	sld [smem:$0x3F95];
	s0 =	simm.s32 @p1 $0x1  }
0x15: {  	[smem:$0x3FB2] =	sst s0;
	s0 =	simm.s32 @!p2 $0x0  }
0x16: {  	s3 =	sld [smem:$0x3FDB];
	s0 =	simm.s32 @p2 $0x1  }
0x17: {  	s4 =	simm.s32 $0x1BF5;
	[smem:$0x3FB4] =	sst s0  }
0x18: {  	s0 =	sld [smem:$0x3F97];
	_ =	swait.ge [sflag:s4], $0x0  }
0x19: {  	s7 =	sld [smem:$0x3F98]  }
0x1a: {  	s8 =	sadd.s32 $0xFFFFE003, lr  }
0x1b: {  	s9 =	sadd.s32 $0xFFFFFEF7, lr;
	s5 =	simm.s32 $0xFFFFFFFF;
	p2 =	slt.u32 s8, $0xFFFFF086  }
0x1c: {  	p1 =	slt.u32 s9, $0xF7A;
	s5 =	simm.s32 @!p2 $0x0  }
0x1d: {  	s5 =	simm.s32 @p1 $0x1;
	p0 =	seq.s32 s7, s2  }
0x1e: {  	s7 =	smul.u32 @!p0 $0xF7A, s2;
	p2 =	seq.s32 @!p0 s5, $0x0  }
0x1f: {  	s9 =	smul.u32 $0xF7A, s1;
	s8 =	simm.s32 @!p0 $0x1BF5;
	p2 =	por !p2, p0  }
0x20: {  	[sflag:s8] =	ssyncset.s32 @!p0 $0xFFFFF086;
	s6 =	sadd.s32 @!p0 s3, s7;
	s7 =	simm.s32 @!p0 $0x108  }
0x21: {  	s3 =	sadd.s32 s3, s9;
	s6 =	sadd.s32 @!p0 $0x88, s6;
	s7 =	simm.s32 @p2 $0x1082  }
0x22: {  	[simem:s7], [sflag:s8] =	dma.local @!p0 [hbm:s6], $0xF7A  }
0x23: {  	s9 =	sor.u32 $0xD0000000, s2;
	s6 =	simm.s32 $0x108;
	_ =	swait.ge @!p0 [sflag:s8], $0x0  }
0x24: {  	s3 =	sadd.s32 $0x88, s3;
	s6 =	simm.s32 @!p1 $0x1082;
	[sflag:s4] =	ssyncset.s32 $0xFFFFF086  }
0x25: {  	[simem:s6], [sflag:s4] =	dma.local [hbm:s3], $0xF7A  }
0x26: {  	[smem:$0x3F98] =	sst s1;
	(tag) =	ssettag s2;
	_ =	strace s9  }
0x27: {  	s1 =	sld [smem:$0x3FA8]  }
0x28: {  	s2 =	sld [smem:$0x3FA9]  }
0x29: {  	s4 =	sld [smem:$0x3FAB]  }
0x2a: {  	p0 =	seq.s32 s5, $0x0;
	s5 =	sld [smem:$0x3FAC]  }
0x2b: {  	s6 =	sld [smem:$0x3FAD]  }
0x2c: {  	s7 =	sld [smem:$0x3FAE]  }
0x2d: {  	s3 =	simm.s32 $0x108;
	s8 =	sld [smem:$0x3FAF]  }
0x2e: {  	s3 =	simm.s32 @!p0 $0x1082;
	s9 =	sld [smem:$0x3FB0]  }
0x2f: {  	lr =	sadd.s32 s0, s3;
	s0 =	sld [smem:$0x3FA7]  }
0x30: {  	s3 =	sld [smem:$0x3FAA]  }
0x31: {  	[smem:$0x3FB3] =	sst s10  }
0x32: {  	s10 =	sld [smem:$0x3FB1];
	_ =	sdelay $0x3  }
0x33: {  	p0 =	seq.s32 s10, $0x1;
	s10 =	sld [smem:$0x3FB3];
	_ =	sdelay $0x3  }
0x34: {  	[smem:$0x3FB3] =	sst s10  }
0x35: {  	s10 =	sld [smem:$0x3FB2];
	_ =	sdelay $0x3  }
0x36: {  	p1 =	seq.s32 s10, $0x1;
	s10 =	sld [smem:$0x3FB3];
	_ =	sdelay $0x3  }
0x37: {  	[smem:$0x3FB3] =	sst s10  }
0x38: {  	s10 =	sld [smem:$0x3FB4]  }
0x39: {  	_ = 	snop;
	(pc) =	sbr.ind lr, $3  }
0x3a: {  	_ = 	snop  }
0x3b: {  	_ = 	snop  }
0x3c: {  	p2 =	seq.s32 s10, $0x1;
	s10 =	sld [smem:$0x3FB3]  }
0x3d: {  	_ =	shalt  }
0x3e: {  	_ =	shalt  }
0x3f: {  	_ =	shalt  }
0x40: {  	_ =	shalt  }
0x41: {  	_ =	shalt  }
0x42: {  	_ =	shalt  }
0x43: {  	_ =	shalt  }
0x44: {  	_ =	shalt  }
0x45: {  	_ =	shalt  }
0x46: {  	_ =	shalt  }
0x47: {  	_ =	shalt  }
0x48: {  	_ =	shalt  }
0x49: {  	_ =	shalt  }
0x4a: {  	_ =	shalt  }
0x4b: {  	_ =	shalt  }
0x4c: {  	_ =	shalt  }
0x4d: {  	_ =	shalt  }
0x4e: {  	_ =	shalt  }
0x4f: {  	_ =	shalt  }
0x50: {  	_ =	shalt  }
0x51: {  	_ =	shalt  }
0x52: {  	_ =	shalt  }
0x53: {  	_ =	shalt  }
0x54: {  	_ =	shalt  }
0x55: {  	_ =	shalt  }
0x56: {  	_ =	shalt  }
0x57: {  	_ =	shalt  }
0x58: {  	_ =	shalt  }
0x59: {  	_ =	shalt  }
0x5a: {  	_ =	shalt  }
0x5b: {  	_ =	shalt  }
0x5c: {  	_ =	shalt  }
0x5d: {  	_ =	shalt  }
0x5e: {  	_ =	shalt  }
0x5f: {  	_ =	shalt  }
0x60: {  	_ =	shalt  }
0x61: {  	_ =	shalt  }
0x62: {  	_ =	shalt  }
0x63: {  	_ =	shalt  }
0x64: {  	_ =	shalt  }
0x65: {  	_ =	shalt  }
0x66: {  	_ =	shalt  }
0x67: {  	_ =	shalt  }
0x68: {  	_ =	shalt  }
0x69: {  	_ =	shalt  }
0x6a: {  	_ =	shalt  }
0x6b: {  	_ =	shalt  }
0x6c: {  	_ =	shalt  }
0x6d: {  	_ =	shalt  }
0x6e: {  	_ =	shalt  }
0x6f: {  	_ =	shalt  }
0x70: {  	_ =	shalt  }
0x71: {  	_ =	shalt  }
0x72: {  	_ =	shalt  }
0x73: {  	_ =	shalt  }
0x74: {  	_ =	shalt  }
0x75: {  	_ =	shalt  }
0x76: {  	_ =	shalt  }
0x77: {  	_ =	shalt  }
0x78: {  	_ =	shalt  }
0x79: {  	_ =	shalt  }
0x7a: {  	_ =	shalt  }
0x7b: {  	_ =	shalt  }
0x7c: {  	_ =	shalt  }
0x7d: {  	_ =	shalt  }
0x7e: {  	_ =	shalt  }
0x7f: {  	_ =	shalt  }
0x80: {  	_ =	shalt  }
0x81: {  	_ =	shalt  }
0x82: {  	_ =	shalt  }
0x83: {  	_ =	shalt  }
0x84: {  	_ =	shalt  }
0x85: {  	_ =	shalt  }
0x86: {  	_ =	shalt  }
0x87: {  	_ =	shalt  }
.Lfunc_end0:
.L_simem_size_0:
called_computation.1_lowered:
.L_overlay_start_0:
0x88: {  	s2 =	sld [smem:$0x3FD9]  }
0x89: {  	s3 =	sld [smem:$0x3FFE];
	_ =	sdelay $0x1  }
0x8a: {  	s1 =	srdreg.scid  }
0x8b: {  	s0 =	sand.u32 $0x1, s1  }
0x8c: {  	s17 =	sshll.u32 s0, $0xA;
	s2 =	sadd.s32 s3, s2  }
0x8d: {  	s2 =	sadd.s32 s2, s17  }
0x8e: {  	[smem:$0x3FBF] =	sst s2  }
0x8f: {  	_ = 	snop  }
0x90: {  	s2 =	sld [smem:$0x3FD0];
	(tm) =	ssettm $0x1  }
0x91: {  	s18 =	sld [smem:$0x3FFB];
	_ =	sdelay $0x3  }
0x92: {  	_ =	strace s18  }
0x93: {  	s3 =	sld [smem:$0x3FFC];
	_ =	sdelay $0x3  }
0x94: {  	_ =	strace s3  }
0x95: {  	s3 =	sld [smem:$0x3FFD];
	_ =	sdelay $0x3  }
0x96: {  	_ =	strace s3  }
0x97: {  	_ =	strace $0x8FFFFFFF  }
0x98: {  	s19 =	sld [smem:$0x3FDB];
	_ =	sdelay $0x1  }
0x99: {  	s4 =	simm.s32 $_scs_section_size  }
0x9a: {  	s5 =	simm.s32 $_size__tile_overlayer_lowered;
	s6 =	simm.s32 $_tile_overlayer_lowered  }
0x9b: {  	s22 =	simm.s32 $0x1BFF;
	s21 =	sshll.u32 s6, $0x1;
	s3 =	sadd.s32 s4, s19  }
0x9c: {  	s7 =	simm.s32 $0x0;
	s20 =	sshll.u32 s5, $0x1;
	s5 =	sadd.s32 s21, s3  }
0x9d: {  	[timem:s7], [sflag:s22] =	dma.local [hbm:s5], s20  }
0x9e: {  	_ =	swait.ge [sflag:s22], s20  }
0x9f: {  	s4 =	ssub.s32 $0x0, s20;
	[sflag:s22] =	ssyncset.done $0x0  }
0xa0: {  	[sflag:s22] =	ssyncadd.s32 s4;
	_ =	sdelay $0x1  }
0xa1: {  	s23 =	simm.s32 $0x1B8B  }
0xa2: {  	_ =	swait.ge [sflag:s23], $0x1  }
0xa3: {  	[sflag:s23] =	ssyncset.done $0x0  }
0xa4: {  	s25 =	simm.s32 $0x1B8E;
	s24 =	sld [smem:$0x3FFE];
	[sflag:s23] =	ssyncadd.s32 $0xFFFFFFFF  }
0xa5: {  	s26 =	simm.s32 $execute0_lowered;
	[smem:$0x3FD2] =	sst s25  }
0xa6: {  	s5 =	sshll.u32 s26, $0x1;
	_ =	strace $0x80000049;
	[dreg:$0x1] =	wrdreg $0xFFFFFFFF  }
0xa7: {  	s28 =	simm.s32 $_size_execute0_lowered;
	s3 =	sadd.s32 s3, s5;
	[dreg:$0x0] =	wrdreg $0x0  }
0xa8: {  	s5 =	sshll.u32 s28, $0x1;
	[dreg:$0x2] =	wrdreg s3  }
0xa9: {  	[dreg:$0x3] =	wrdreg s5  }
0xaa: {  	[dreg:$0x4] =	wrdreg $0xC0  }
0xab: {  	_ =	task [dreg:s7], $0x5FFFF  }
0xac: {  	[dreg:$0x1] =	wrdreg $0xFFFFFFFF  }
0xad: {  	[dreg:$0x0] =	wrdreg $0x60  }
0xae: {  	[dreg:$0x2] =	wrdreg s24  }
0xaf: {  	[dreg:$0x3] =	wrdreg s2  }
0xb0: {  	[dreg:$0x4] =	wrdreg $0x9  }
0xb1: {  	_ =	task.clear_ibuf [dreg:s7], $0x5FFFF;
	_ =	strace $0x90000049  }
0xb2: {  	s29 =	simm.s32 $0x9;
	_ =	strace $0x8000004B  }
0xb3: {  	_ =	swait.ge [sflag:s29], $0x1  }
0xb4: {  	[sflag:s29] =	ssyncadd.s32 $0xFFFFFFFF  }
0xb5: {  	_ =	strace $0x9000004B  }
0xb6: {  	_ =	sfence  }
0xb7: {  	s30 =	sld [smem:$0x0];
	_ =	sdelay $0x2  }
0xb8: {  	s31 =	sshll.u32 s1, $0xD;
	s1 =	sshrl.u32 s1, $0x2  }
0xb9: {  	s3 =	sand.u32 $0x4000, s31;
	s1 =	sadd.s32 s1, s30  }
0xba: {  	s0 =	sor.u32 s3, s0;
	s1 =	sshll.u32 s1, $0x11  }
0xbb: {  	s0 =	sor.u32 s1, s0  }
0xbc: {  	s0 =	sadd.s32 $0x8F2B, s0  }
0xbd: {  	[sflag:s0] =	ssyncadd.remote.s32 $0x1  }
0xbe: {  	_ =	sfence.sel $0xFFFF  }
0xbf: {  	[dreg:$0x0] =	wrdreg $0xFFFFFFFF;
	(pc) =	sbr.abs _section_cstart, $3  }
0xc0: {  	[dreg:$0x1] =	wrdreg $0xFFFFFFFF  }
0xc1: {  	_ =	task.clear_ibuf [dreg:s7], $0x2FFFF;
	_ =	strace $0x9FFFFFFF  }
0xc2: {  	(tm) =	ssettm $0x7FFFFFFF  }
0xc3: {  	_ =	shalt  }
tec
execute0_lowered:
.L_overlay_start_1:
0x0: {  	(tag) =	ssettag $0x1  }
0x1: {  	s9 =	rddreg [dreg:$0x0]  }
0x2: {  	s3 =	rddreg [dreg:$0x1];
	s2 =	srdreg.scid  }
0x3: {  	s0 =	rddreg [dreg:$0x2];
	s1 =	stileid.u32;
	s17 =	sand.u32 $0x1, s2  }
0x4: {  	s2 =	simm.s32 $0x0;
	s5 =	sshll.u32 s1, $0x7;
	s4 =	sshll.u32 s17, $0x6  }
0x5: {  	[smem:$0x7FF] =	sst s2;
	s4 =	sor.u32 s4, s5  }
0x6: {  	_ =	strace $0x8000004A;
	s4 =	sadd.s32 s3, s4;
	s3 =	simm.s32 $0x2  }
0x7: {  	[tilespmem:s2], [sflag:$0x2] =	stream.linear.gather [hbm4b:s4+s2], $0x80, $0x38;
	[tilespmem:$0x4200] =	vst v63  }
0x8: {  	s6 =	simm.s32 $0x80;
	s7 =	simm.s32 $0x200;
	_ =	swait.ge [sflag:s3], $0x80  }
0x9: {  	s8 =	simm.s32 $0x1;
	s10 =	sshll.u32 s1, $0xE;
	[sflag:s3] =	ssyncset.done $0x0  }
0xa: {  	s11 =	sshll.u32 s17, $0xD;
	s5 =	sadd.s32 $0x1C00, s9;
	[sflag:s3] =	ssyncadd.s32 $0xFFFFFF80  }
0xb: {  	[tilespmem:s7], [sflag:$0x1] =	stream.indirect.gather [hbm4b:s5+s6], $0x80, s2, s6, $0xb8;
	[tilespmem:$0x4200] =	vst v63  }
0xc: {  	s10 =	sor.u32 s11, s10;
	_ =	swait.ge [sflag:s8], $0x4000  }
0xd: {  	s18 =	sadd.s32 s10, s9;
	[sflag:s8] =	ssyncset.done $0x0  }
0xe: {  	s9 =	sadd.s32 $0x65C00, s18;
	[sflag:s8] =	ssyncadd.s32 $0xFFFFC000  }
0xf: {  	[hbm4b:s9+s2] =	stream.linear.scatter [tilespmem:s7], [sflag:$0x2], $0x4000, $0x38;
	[tilespmem:$0x4200] =	vst v63  }
0x10: {  	_ =	swait.ge [sflag:s3], $0x4000  }
0x11: {  	[sflag:s3] =	ssyncset.done $0x0  }
0x12: {  	s10 =	sadd.s32 $0x10, s4;
	[sflag:s3] =	ssyncadd.s32 $0xFFFFC000  }
0x13: {  	[tilespmem:s6], [sflag:$0x2] =	stream.linear.gather [hbm4b:s10+s2], $0x80, $0x38;
	[tilespmem:$0x4200] =	vst v63  }
0x14: {  	_ =	swait.ge [sflag:s3], $0x80  }
0x15: {  	[sflag:s3] =	ssyncset.done $0x0  }
0x16: {  	[sflag:s3] =	ssyncadd.s32 $0xFFFFFF80  }
0x17: {  	[tilespmem:s7], [sflag:$0x1] =	stream.indirect.gather [hbm4b:s5+s6], $0x80, s6, s6, $0xb8;
	[tilespmem:$0x4200] =	vst v63  }
0x18: {  	_ =	swait.ge [sflag:s8], $0x4000  }
0x19: {  	[sflag:s8] =	ssyncset.done $0x0  }
0x1a: {  	s11 =	sadd.s32 $0x66400, s18;
	[sflag:s8] =	ssyncadd.s32 $0xFFFFC000  }
0x1b: {  	[hbm4b:s11+s2] =	stream.linear.scatter [tilespmem:s7], [sflag:$0x2], $0x4000, $0x38;
	[tilespmem:$0x4200] =	vst v63  }
0x1c: {  	_ =	swait.ge [sflag:s3], $0x4000  }
0x1d: {  	[sflag:s3] =	ssyncset.done $0x0  }
0x1e: {  	s13 =	simm.s32 $0x100;
	s12 =	sadd.s32 $0x20, s4;
	[sflag:s3] =	ssyncadd.s32 $0xFFFFC000  }
0x1f: {  	[tilespmem:s13], [sflag:$0x2] =	stream.linear.gather [hbm4b:s12+s2], $0x80, $0x38;
	[tilespmem:$0x4200] =	vst v63  }
0x20: {  	_ =	swait.ge [sflag:s3], $0x80  }
0x21: {  	[sflag:s3] =	ssyncset.done $0x0  }
0x22: {  	[sflag:s3] =	ssyncadd.s32 $0xFFFFFF80  }
0x23: {  	[tilespmem:s7], [sflag:$0x1] =	stream.indirect.gather [hbm4b:s5+s6], $0x80, s13, s6, $0xb8;
	[tilespmem:$0x4200] =	vst v63  }
0x24: {  	_ =	swait.ge [sflag:s8], $0x4000  }
0x25: {  	[sflag:s8] =	ssyncset.done $0x0  }
0x26: {  	s14 =	sadd.s32 $0x66C00, s18;
	[sflag:s8] =	ssyncadd.s32 $0xFFFFC000  }
0x27: {  	[hbm4b:s14+s2] =	stream.linear.scatter [tilespmem:s7], [sflag:$0x2], $0x4000, $0x38;
	[tilespmem:$0x4200] =	vst v63  }
0x28: {  	_ =	swait.ge [sflag:s3], $0x4000  }
0x29: {  	s16 =	simm.s32 $0x180;
	[sflag:s3] =	ssyncset.done $0x0  }
0x2a: {  	s17 =	ssub.s32 $0x2, s17;
	s15 =	sadd.s32 $0x30, s4;
	[sflag:s3] =	ssyncadd.s32 $0xFFFFC000  }
0x2b: {  	[tilespmem:s16], [sflag:$0x2] =	stream.linear.gather [hbm4b:s15+s2], $0x80, $0x38;
	[tilespmem:$0x4200] =	vst v63  }
0x2c: {  	s19 =	sshrl.u32 s17, $0x1;
	_ =	swait.ge [sflag:s3], $0x80  }
0x2d: {  	s19 =	ssub.s32 s17, s19;
	[sflag:s3] =	ssyncset.done $0x0  }
0x2e: {  	s31 =	smax.u32 s19, $0x1;
	[sflag:s3] =	ssyncadd.s32 $0xFFFFFF80  }
0x2f: {  	[tilespmem:s7], [sflag:$0x1] =	stream.indirect.gather [hbm4b:s5+s6], $0x80, s16, s6, $0xb8;
	[tilespmem:$0x4200] =	vst v63  }
0x30: {  	p0 =	sne.s32 s31, $0x1;
	_ =	swait.ge [sflag:s8], $0x4000  }
.Ltmp0:
0x31: {  	[sflag:s8] =	ssyncset.done $0x0;
	(pc) =	sbr.rel @!p0 .LBB2_2-.Ltmp0, $4  }
0x32: {  	s17 =	sadd.s32 $0x67400, s18;
	[sflag:s8] =	ssyncadd.s32 $0xFFFFC000  }
0x33: {  	[hbm4b:s17+s2] =	stream.linear.scatter [tilespmem:s7], [sflag:$0x2], $0x4000, $0x38;
	[tilespmem:$0x4200] =	vst v63  }
0x34: {  	_ =	swait.ge [sflag:s3], $0x4000  }
0x35: {  	s18 =	sadd.s32 $0xFFFFFFFF, s31;
	[sflag:s3] =	ssyncset.done $0x0  }
.LBB2_1:
0x36: {  	p0 =	sne.s32 s18, $0x1;
	s18 =	sadd.s32 $0xFFFFFFFF, s18;
	[sflag:s3] =	ssyncadd.s32 $0xFFFFC000  }
0x37: {  	[tilespmem:s2], [sflag:$0x2] =	stream.linear.gather [hbm4b:s4+s2], $0x80, $0x38;
	[tilespmem:$0x4200] =	vst v63  }
0x38: {  	_ =	swait.ge [sflag:s3], $0x80  }
0x39: {  	[sflag:s3] =	ssyncset.done $0x0  }
0x3a: {  	[sflag:s3] =	ssyncadd.s32 $0xFFFFFF80  }
0x3b: {  	[tilespmem:s7], [sflag:$0x1] =	stream.indirect.gather [hbm4b:s5+s6], $0x80, s2, s6, $0xb8;
	[tilespmem:$0x4200] =	vst v63  }
0x3c: {  	_ =	swait.ge [sflag:s8], $0x4000  }
0x3d: {  	[sflag:s8] =	ssyncset.done $0x0  }
0x3e: {  	[sflag:s8] =	ssyncadd.s32 $0xFFFFC000  }
0x3f: {  	[hbm4b:s9+s2] =	stream.linear.scatter [tilespmem:s7], [sflag:$0x2], $0x4000, $0x38;
	[tilespmem:$0x4200] =	vst v63  }
0x40: {  	_ =	swait.ge [sflag:s3], $0x4000  }
0x41: {  	[sflag:s3] =	ssyncset.done $0x0  }
0x42: {  	[sflag:s3] =	ssyncadd.s32 $0xFFFFC000  }
0x43: {  	[tilespmem:s6], [sflag:$0x2] =	stream.linear.gather [hbm4b:s10+s2], $0x80, $0x38;
	[tilespmem:$0x4200] =	vst v63  }
0x44: {  	_ =	swait.ge [sflag:s3], $0x80  }
0x45: {  	[sflag:s3] =	ssyncset.done $0x0  }
0x46: {  	[sflag:s3] =	ssyncadd.s32 $0xFFFFFF80  }
0x47: {  	[tilespmem:s7], [sflag:$0x1] =	stream.indirect.gather [hbm4b:s5+s6], $0x80, s6, s6, $0xb8;
	[tilespmem:$0x4200] =	vst v63  }
0x48: {  	_ =	swait.ge [sflag:s8], $0x4000  }
0x49: {  	[sflag:s8] =	ssyncset.done $0x0  }
0x4a: {  	[sflag:s8] =	ssyncadd.s32 $0xFFFFC000  }
0x4b: {  	[hbm4b:s11+s2] =	stream.linear.scatter [tilespmem:s7], [sflag:$0x2], $0x4000, $0x38;
	[tilespmem:$0x4200] =	vst v63  }
0x4c: {  	_ =	swait.ge [sflag:s3], $0x4000  }
0x4d: {  	[sflag:s3] =	ssyncset.done $0x0  }
0x4e: {  	[sflag:s3] =	ssyncadd.s32 $0xFFFFC000  }
0x4f: {  	[tilespmem:s13], [sflag:$0x2] =	stream.linear.gather [hbm4b:s12+s2], $0x80, $0x38;
	[tilespmem:$0x4200] =	vst v63  }
0x50: {  	_ =	swait.ge [sflag:s3], $0x80  }
0x51: {  	[sflag:s3] =	ssyncset.done $0x0  }
0x52: {  	[sflag:s3] =	ssyncadd.s32 $0xFFFFFF80  }
0x53: {  	[tilespmem:s7], [sflag:$0x1] =	stream.indirect.gather [hbm4b:s5+s6], $0x80, s13, s6, $0xb8;
	[tilespmem:$0x4200] =	vst v63  }
0x54: {  	_ =	swait.ge [sflag:s8], $0x4000  }
0x55: {  	[sflag:s8] =	ssyncset.done $0x0  }
0x56: {  	[sflag:s8] =	ssyncadd.s32 $0xFFFFC000  }
0x57: {  	[hbm4b:s14+s2] =	stream.linear.scatter [tilespmem:s7], [sflag:$0x2], $0x4000, $0x38;
	[tilespmem:$0x4200] =	vst v63  }
0x58: {  	_ =	swait.ge [sflag:s3], $0x4000  }
0x59: {  	[sflag:s3] =	ssyncset.done $0x0  }
0x5a: {  	[sflag:s3] =	ssyncadd.s32 $0xFFFFC000  }
0x5b: {  	[tilespmem:s16], [sflag:$0x2] =	stream.linear.gather [hbm4b:s15+s2], $0x80, $0x38;
	[tilespmem:$0x4200] =	vst v63  }
0x5c: {  	_ =	swait.ge [sflag:s3], $0x80  }
0x5d: {  	[sflag:s3] =	ssyncset.done $0x0  }
0x5e: {  	[sflag:s3] =	ssyncadd.s32 $0xFFFFFF80  }
0x5f: {  	[tilespmem:s7], [sflag:$0x1] =	stream.indirect.gather [hbm4b:s5+s6], $0x80, s16, s6, $0xb8;
	[tilespmem:$0x4200] =	vst v63  }
0x60: {  	_ =	swait.ge [sflag:s8], $0x4000  }
.Ltmp1:
0x61: {  	[sflag:s8] =	ssyncset.done $0x0;
	(pc) =	sbr.rel @p0 .LBB2_1-.Ltmp1, $4  }
0x62: {  	[sflag:s8] =	ssyncadd.s32 $0xFFFFC000  }
0x63: {  	[hbm4b:s17+s2] =	stream.linear.scatter [tilespmem:s7], [sflag:$0x2], $0x4000, $0x38;
	[tilespmem:$0x4200] =	vst v63  }
0x64: {  	_ =	swait.ge [sflag:s3], $0x4000  }
0x65: {  	[sflag:s3] =	ssyncset.done $0x0  }
.LBB2_2:
0x66: {  	[sflag:s3] =	ssyncadd.s32 $0xFFFFC000  }
0x67: {  	_ =	sfence.sel $0x180000  }
0x68: {  	[bflag:$0x0] =	sbarrier.arrive $0xFFFF  }
0x69: {  	p0 =	sne.s32 s1, $0x0;
	_ =	strace $0x9000004A  }
0x6a: {  	s0 =	sadd.s32 @!p0 $0x100000, s0;
	[bflag:$0x2] =	sbarrier.arrive $0xFFFF  }
0x6b: {  	[sflag:s0] =	ssyncadd.tile.s32 @!p0 $0x1;
	_ =	shalt  }
.Lfunc_end2:
_tile_overlayer_lowered:
.L_overlay_start_2:
0x6c: {  	(tag) =	ssettag $0x2  }
0x6d: {  	s0 =	rddreg [dreg:$0x0];
	s2 =	stileid.u32  }
0x6e: {  	s1 =	rddreg [dreg:$0x1];
	p0 =	sne.s32 s2, $0x0  }
0x6f: {  	s3 =	rddreg [dreg:$0x2];
	[bflag:$0x3] =	sbarrier.arrive $0xFFFF;
	s2 =	simm.s32 @!p0 $0x1C02  }
0x70: {  	[timem:s3], [sflag:s2] =	dma.local @!p0 [hbm:s0], s1  }
0x71: {  	s0 =	simm.s32 @!p0 $0x2  }
0x72: {  	_ =	swait.ge @!p0 [sflag:s0], s1  }
0x73: {  	s1 =	ssub.s32 @!p0 $0x0, s1;
	[sflag:s0] =	ssyncset.done @!p0 $0x0  }
0x74: {  	[sflag:s0] =	ssyncadd.s32 @!p0 s1  }
0x75: {  	[bflag:$0x3] =	sbarrier.arrive $0xFFFF  }
0x76: {  	_ =	shalt  }

</sc_bundles>
